<compile_context>
chip_gen: v7x
topology: tpu7x:2x2x1
jax: 0.10.2.dev20260603
libtpu: 0.0.44.dev20260713+nightly
codegen_flags: <defaults>
</compile_context>

<pallas_src>
import functools

import numpy as np
import jax
import jax.numpy as jnp
from jax import lax
from jax.experimental import pallas as pl
from jax.experimental.pallas import tpu as pltpu
from jax.experimental.pallas import tpu_sc as plsc

B, X, C_IN = 8, 16, 32
K, S, F = 3, 2, 64
OX = (X - K) // S + 1
NPOS = OX * OX * OX
CK = K * K * K * C_IN
NTAP = K * K * K

NW = 32
NCH = 3
XPARTS = ((0, 4), (4, 3))


def _pad_rows(nrows):
    q = NW * 8 * NCH * 27
    return -(-nrows // q) * q


def _sc_row_ids(x0, nx):
    nrows = nx * OX * OX * B * NTAP
    pad = _pad_rows(nrows)
    idx = np.zeros((pad,), np.int32)
    r = 0
    for p in range(nx * OX * OX):
        x, y, z = x0 + p // (OX * OX), (p // OX) % OX, p % OX
        for b in range(B):
            for i in range(K):
                for j in range(K):
                    for l in range(K):
                        idx[r] = ((b * X + (S * x + i)) * X
                                  + (S * y + j)) * X + (S * z + l)
                        r += 1
    return idx.reshape(NW * NCH, 1, pad // (NW * NCH))


_IDX = tuple(_sc_row_ids(x0, nx) for x0, nx in XPARTS)


def _make_sc_gather(rows_pad):
    rpw = rows_pad // NW
    ch = rpw // NCH

    def body(tbl_hbm, stbl_hbm, idx_hbm, p_hbm, s_hbm,
             idx_v, rows_v, srows_v, sem_p, sem_s):
        wid = lax.axis_index("s") * 2 + lax.axis_index("c")
        for c in range(NCH):
            base = wid * rpw + c * ch
            pltpu.sync_copy(idx_hbm.at[wid * NCH + c, 0], idx_v)
            cp_p = pltpu.async_copy(tbl_hbm.at[idx_v], rows_v, sem_p)
            cp_s = pltpu.async_copy(stbl_hbm.at[idx_v], srows_v, sem_s)
            cp_p.wait()
            cp_s.wait()
            pltpu.sync_copy(rows_v, p_hbm.at[pl.ds(base, ch)])
            pltpu.sync_copy(srows_v, s_hbm.at[pl.ds(base, ch)])

    mesh = plsc.VectorSubcoreMesh(core_axis_name="c", subcore_axis_name="s")
    return functools.partial(
        pl.kernel,
        out_type=[jax.ShapeDtypeStruct((rows_pad, C_IN), jnp.float32)] * 2,
        mesh=mesh,
        scratch_types=[
            pltpu.VMEM((ch,), jnp.int32),
            pltpu.VMEM((ch, C_IN), jnp.float32),
            pltpu.VMEM((ch, C_IN), jnp.float32),
            pltpu.SemaphoreType.DMA,
            pltpu.SemaphoreType.DMA,
        ],
        compiler_params=pltpu.CompilerParams(use_tc_tiling_on_sc=False),
    )(body)


def _mm_body(p_ref, sp_ref, loc_ref, rho_ref, eps_ref, b_ref, so_ref, o_ref):
    for z in range(OX):
        p = p_ref[pl.ds(z * B, B)]
        ps = p * sp_ref[pl.ds(z * B, B)]
        loc = loc_ref[0, 0, z].reshape(CK, F)
        w2 = (jax.nn.softplus(rho_ref[0, 0, z].reshape(CK, F))
              * eps_ref[0, 0, z].reshape(CK, F))
        m = jnp.dot(p, loc, preferred_element_type=jnp.float32)
        pert = jnp.dot(ps, w2, preferred_element_type=jnp.float32)
        o_ref[z] = m + b_ref[0, 0, z][None, :] + pert * so_ref[:, 0, 0, z, :]


def _mm_part(x0, nx, pv, sv, kernel_loc, kernel_rho, eps, bias, sign_out):
    pspec = pl.BlockSpec((OX * B, CK), lambda i: (i, 0))
    wspec = pl.BlockSpec((1, 1, OX, K, K, K, C_IN, F),
                         lambda i: (x0 + i // OX, i % OX, 0, 0, 0, 0, 0, 0))
    return pl.pallas_call(
        _mm_body,
        grid=(nx * OX,),
        in_specs=[
            pspec, pspec, wspec, wspec, wspec,
            pl.BlockSpec((1, 1, OX, F),
                         lambda i: (x0 + i // OX, i % OX, 0, 0)),
            pl.BlockSpec((B, 1, 1, OX, F),
                         lambda i: (0, x0 + i // OX, i % OX, 0, 0)),
        ],
        out_specs=pl.BlockSpec((OX, B, F), lambda i: (i, 0, 0)),
        out_shape=jax.ShapeDtypeStruct((nx * OX * OX, B, F), jnp.float32),
    )(pv, sv, kernel_loc, kernel_rho, eps, bias, sign_out)


def kernel(inputs, kernel_loc, kernel_rho, bias, eps, sign_in, sign_out):
    tbl = inputs.reshape(B * X * X * X, C_IN)
    stbl = sign_in.reshape(B * X * X * X, C_IN)

    gathered = []
    for part in range(len(XPARTS)):
        rows_pad = _IDX[part].size
        pout, sout = _make_sc_gather(rows_pad)(tbl, stbl,
                                               jnp.asarray(_IDX[part]))
        gathered.append((pout.reshape(rows_pad * C_IN // CK, CK),
                         sout.reshape(rows_pad * C_IN // CK, CK)))

    outs = []
    for part, (x0, nx) in enumerate(XPARTS):
        pv, sv = gathered[part]
        outs.append(_mm_part(x0, nx, pv, sv, kernel_loc, kernel_rho, eps,
                             bias, sign_out))

    out = jnp.concatenate(outs, axis=0)
    return out.reshape(OX, OX, OX, B, F).transpose(3, 0, 1, 2, 4)

# --- scband reference (transcript-rebuilt; emitter-appended) ---
"""Pipeline reference for scband-locally-connected3-dflipout-81123342287365 (READ-ONLY COPY).

The authoritative reference and input builder live on the scoring server;
editing this copy changes nothing except your own understanding.
"""

import jax, jax.numpy as jnp
import numpy as np

B, X, C_IN = 8, 16, 32
K, S, F = 3, 2, 64
OX = (X - K) // S + 1  # 7


def _extract_patches(x):
    # x: [B, X, Y, Z, C] -> [K, K, K, B, OX, OY, OZ, C]
    slices = []
    for i in range(K):
        for j in range(K):
            for l in range(K):
                slices.append(
                    x[:, i:i + S * (OX - 1) + 1:S,
                         j:j + S * (OX - 1) + 1:S,
                         l:l + S * (OX - 1) + 1:S, :])
    p = jnp.stack(slices, axis=0)
    return p.reshape((K, K, K, B, OX, OX, OX, C_IN))


def _local_conv3d(x, kernel):
    # kernel: [OX, OY, OZ, K, K, K, C_IN, F] (unshared weights per output position)
    patches = _extract_patches(x)
    return jnp.einsum('ijkbxyzc,xyzijkcf->bxyzf', patches, kernel)


def setup_inputs(seed: int = 0) -> dict:
    key = jax.random.key(seed)
    k_in, k_loc, k_rho, k_b, k_eps, k_si, k_so = jax.random.split(key, 7)
    kshape = (OX, OX, OX, K, K, K, C_IN, F)
    inputs = jax.random.normal(k_in, (B, X, X, X, C_IN), dtype=jnp.float32)
    kernel_loc = jax.random.normal(k_loc, kshape, dtype=jnp.float32) * 0.05
    kernel_rho = jnp.full(kshape, -5.0, dtype=jnp.float32) + 0.1 * jax.random.normal(k_rho, kshape, dtype=jnp.float32)
    bias = jax.random.normal(k_b, (OX, OX, OX, F), dtype=jnp.float32) * 0.01
    eps = jax.random.normal(k_eps, kshape, dtype=jnp.float32)
    sign_in = jnp.where(jax.random.bernoulli(k_si, 0.5, (B, X, X, X, C_IN)), 1.0, -1.0).astype(jnp.float32)
    sign_out = jnp.where(jax.random.bernoulli(k_so, 0.5, (B, OX, OX, OX, F)), 1.0, -1.0).astype(jnp.float32)
    return {
        'inputs': inputs,
        'kernel_loc': kernel_loc,
        'kernel_rho': kernel_rho,
        'bias': bias,
        'eps': eps,
        'sign_in': sign_in,
        'sign_out': sign_out,
    }


def reference(inputs, kernel_loc, kernel_rho, bias, eps, sign_in, sign_out):
    # Flipout estimator for a 3D locally-connected variational layer:
    # out = lc(x, loc) + bias + sign_out * lc(x * sign_in, softplus(rho) * eps)
    out_mean = _local_conv3d(inputs, kernel_loc) + bias
    stddev = jax.nn.softplus(kernel_rho)
    out_pert = _local_conv3d(inputs * sign_in, stddev * eps) * sign_out
    return out_mean + out_pert

if __name__ == "__main__":
    import jax
    _d = setup_inputs()
    print(jax.jit(kernel)(*tuple(_d.values())))

</pallas_src>

<mosaic_0001>
#map = affine_map<(d0, d1) -> (0, 0)>
#map1 = affine_map<(d0, d1) -> (0, 0, 0)>
module attributes {stable_mosaic.version = 14 : i64} {
  func.func @body(%arg0: i32, %arg1: i32, %arg2: memref<32768x32xf32, #tpu.memory_space<hbm>>, %arg3: memref<32768x32xf32, #tpu.memory_space<hbm>>, %arg4: memref<96x1x432xi32, #tpu.memory_space<hbm>>, %arg5: memref<41472x32xf32, #tpu.memory_space<hbm>>, %arg6: memref<41472x32xf32, #tpu.memory_space<hbm>>, %arg7: memref<432xi32, #tpu.memory_space<vmem>>, %arg8: memref<432x32xf32, #tpu.memory_space<vmem>>, %arg9: memref<432x32xf32, #tpu.memory_space<vmem>>, %arg10: memref<!tpu.dma_semaphore, #tpu.memory_space<semaphore_mem>>, %arg11: memref<!tpu.dma_semaphore, #tpu.memory_space<semaphore_mem>>) attributes {dimension_semantics = [#tpu.dimension_semantics<core_parallel>, #tpu.dimension_semantics<subcore_parallel>], iteration_bounds = array<i64: 2, 16>, scalar_prefetch = 0 : i64, scratch_operands = 5 : i64, tpu.core_type = #tpu.core_type<sc_vector_subcore>, window_params = [{transform_indices = #map}, {transform_indices = #map}, {transform_indices = #map1}, {transform_indices = #map}, {transform_indices = #map}]} {
    %mul3A = arith.constant 2 : i32
    %mul3A_0 = arith.muli %arg1, %mul3A : i32
    %add3A = arith.addi %mul3A_0, %arg0 : i32
    %mul3A_1 = arith.constant 1296 : i32
    %mul3A_2 = arith.muli %add3A, %mul3A_1 : i32
    %add3A_3 = arith.constant 0 : i32
    %add3A_4 = arith.addi %mul3A_2, %add3A_3 : i32
    %mul3A_5 = arith.constant 3 : i32
    %mul3A_6 = arith.muli %add3A, %mul3A_5 : i32
    %add3A_7 = arith.constant 0 : i32
    %add3A_8 = arith.addi %mul3A_6, %add3A_7 : i32
    %run_scoped3A = arith.constant 0 : i32
    "tpu.region"() ({
      %run_scoped3A_61 = tpu.sem_alloc : memref<!tpu.dma_semaphore, #tpu.memory_space<semaphore_mem>>
      %dma_start3A_62 = arith.constant 0 : i32
      %dma_start3A_63 = tpu.memref_slice %arg4[%add3A_8, %run_scoped3A, %dma_start3A_62] : memref<96x1x432xi32, #tpu.memory_space<hbm>> -> memref<1x1x432xi32, #tpu.memory_space<hbm>>
      %dma_start3A_64 = tpu.memref_squeeze %dma_start3A_63 : memref<1x1x432xi32, #tpu.memory_space<hbm>> -> memref<432xi32, #tpu.memory_space<hbm>>
      %dma_start3A_65 = arith.constant 0 : i32
      %dma_start3A_66 = tpu.memref_slice %arg4[%add3A_8, %run_scoped3A, %dma_start3A_65] : memref<96x1x432xi32, #tpu.memory_space<hbm>> -> memref<1x1x432xi32, #tpu.memory_space<hbm>>
      %dma_start3A_67 = tpu.memref_squeeze %dma_start3A_66 : memref<1x1x432xi32, #tpu.memory_space<hbm>> -> memref<432xi32, #tpu.memory_space<hbm>>
      tpu.enqueue_dma source(%dma_start3A_67 : memref<432xi32, #tpu.memory_space<hbm>>) target(%arg7 : memref<432xi32, #tpu.memory_space<vmem>>) target_semaphore(%run_scoped3A_61 : memref<!tpu.dma_semaphore, #tpu.memory_space<semaphore_mem>>)
      %dma_wait3A_68 = arith.constant 0 : i32
      %dma_wait3A_69 = tpu.memref_slice %arg4[%add3A_8, %run_scoped3A, %dma_wait3A_68] : memref<96x1x432xi32, #tpu.memory_space<hbm>> -> memref<1x1x432xi32, #tpu.memory_space<hbm>>
      %dma_wait3A_70 = tpu.memref_squeeze %dma_wait3A_69 : memref<1x1x432xi32, #tpu.memory_space<hbm>> -> memref<432xi32, #tpu.memory_space<hbm>>
      %dma_wait3A_71 = arith.constant 0 : i32
      %dma_wait3A_72 = tpu.memref_slice %arg4[%add3A_8, %run_scoped3A, %dma_wait3A_71] : memref<96x1x432xi32, #tpu.memory_space<hbm>> -> memref<1x1x432xi32, #tpu.memory_space<hbm>>
      %dma_wait3A_73 = tpu.memref_squeeze %dma_wait3A_72 : memref<1x1x432xi32, #tpu.memory_space<hbm>> -> memref<432xi32, #tpu.memory_space<hbm>>
      tpu.wait_dma2 semaphore(%run_scoped3A_61 : memref<!tpu.dma_semaphore, #tpu.memory_space<semaphore_mem>>) src(%dma_wait3A_73 : memref<432xi32, #tpu.memory_space<hbm>>) dst(%arg7 : memref<432xi32, #tpu.memory_space<vmem>>)
      tpu.yield
    }) : () -> ()
    %dma_start3A = arith.constant 0 : i32
    %dma_start3A_9 = arith.constant 0 : i32
    %dma_start3A_10 = tpu.memref_slice %arg2[%dma_start3A, %dma_start3A_9] : memref<32768x32xf32, #tpu.memory_space<hbm>> -> memref<32768x32xf32, #tpu.memory_space<hbm>>
    tpu.enqueue_indirect_dma source(%dma_start3A_10 : memref<32768x32xf32, #tpu.memory_space<hbm>>) target(%arg8 : memref<432x32xf32, #tpu.memory_space<vmem>>) offsets(%arg7 : memref<432xi32, #tpu.memory_space<vmem>>) semaphore(%arg10 : memref<!tpu.dma_semaphore, #tpu.memory_space<semaphore_mem>>)
    %dma_start3A_11 = arith.constant 0 : i32
    %dma_start3A_12 = arith.constant 0 : i32
    %dma_start3A_13 = tpu.memref_slice %arg3[%dma_start3A_11, %dma_start3A_12] : memref<32768x32xf32, #tpu.memory_space<hbm>> -> memref<32768x32xf32, #tpu.memory_space<hbm>>
    tpu.enqueue_indirect_dma source(%dma_start3A_13 : memref<32768x32xf32, #tpu.memory_space<hbm>>) target(%arg9 : memref<432x32xf32, #tpu.memory_space<vmem>>) offsets(%arg7 : memref<432xi32, #tpu.memory_space<vmem>>) semaphore(%arg11 : memref<!tpu.dma_semaphore, #tpu.memory_space<semaphore_mem>>)
    %dma_wait3A = arith.constant 0 : i32
    %dma_wait3A_14 = arith.constant 0 : i32
    %dma_wait3A_15 = tpu.memref_slice %arg2[%dma_wait3A, %dma_wait3A_14] : memref<32768x32xf32, #tpu.memory_space<hbm>> -> memref<32768x32xf32, #tpu.memory_space<hbm>>
    tpu.wait_indirect_dma semaphore(%arg10 : memref<!tpu.dma_semaphore, #tpu.memory_space<semaphore_mem>>) src(%dma_wait3A_15 : memref<32768x32xf32, #tpu.memory_space<hbm>>) dst(%arg8 : memref<432x32xf32, #tpu.memory_space<vmem>>)
    %dma_wait3A_16 = arith.constant 0 : i32
    %dma_wait3A_17 = arith.constant 0 : i32
    %dma_wait3A_18 = tpu.memref_slice %arg3[%dma_wait3A_16, %dma_wait3A_17] : memref<32768x32xf32, #tpu.memory_space<hbm>> -> memref<32768x32xf32, #tpu.memory_space<hbm>>
    tpu.wait_indirect_dma semaphore(%arg11 : memref<!tpu.dma_semaphore, #tpu.memory_space<semaphore_mem>>) src(%dma_wait3A_18 : memref<32768x32xf32, #tpu.memory_space<hbm>>) dst(%arg9 : memref<432x32xf32, #tpu.memory_space<vmem>>)
    "tpu.region"() ({
      %run_scoped3A_61 = tpu.sem_alloc : memref<!tpu.dma_semaphore, #tpu.memory_space<semaphore_mem>>
      %dma_start3A_62 = arith.constant 0 : i32
      %dma_start3A_63 = tpu.memref_slice %arg5[%add3A_4, %dma_start3A_62] : memref<41472x32xf32, #tpu.memory_space<hbm>> -> memref<432x32xf32, #tpu.memory_space<hbm>>
      %dma_start3A_64 = arith.constant 0 : i32
      %dma_start3A_65 = tpu.memref_slice %arg5[%add3A_4, %dma_start3A_64] : memref<41472x32xf32, #tpu.memory_space<hbm>> -> memref<432x32xf32, #tpu.memory_space<hbm>>
      tpu.enqueue_dma source(%arg8 : memref<432x32xf32, #tpu.memory_space<vmem>>) target(%dma_start3A_65 : memref<432x32xf32, #tpu.memory_space<hbm>>) target_semaphore(%run_scoped3A_61 : memref<!tpu.dma_semaphore, #tpu.memory_space<semaphore_mem>>)
      %dma_wait3A_66 = arith.constant 0 : i32
      %dma_wait3A_67 = tpu.memref_slice %arg5[%add3A_4, %dma_wait3A_66] : memref<41472x32xf32, #tpu.memory_space<hbm>> -> memref<432x32xf32, #tpu.memory_space<hbm>>
      %dma_wait3A_68 = arith.constant 0 : i32
      %dma_wait3A_69 = tpu.memref_slice %arg5[%add3A_4, %dma_wait3A_68] : memref<41472x32xf32, #tpu.memory_space<hbm>> -> memref<432x32xf32, #tpu.memory_space<hbm>>
      tpu.wait_dma2 semaphore(%run_scoped3A_61 : memref<!tpu.dma_semaphore, #tpu.memory_space<semaphore_mem>>) src(%arg8 : memref<432x32xf32, #tpu.memory_space<vmem>>) dst(%dma_wait3A_69 : memref<432x32xf32, #tpu.memory_space<hbm>>)
      tpu.yield
    }) : () -> ()
    "tpu.region"() ({
      %run_scoped3A_61 = tpu.sem_alloc : memref<!tpu.dma_semaphore, #tpu.memory_space<semaphore_mem>>
      %dma_start3A_62 = arith.constant 0 : i32
      %dma_start3A_63 = tpu.memref_slice %arg6[%add3A_4, %dma_start3A_62] : memref<41472x32xf32, #tpu.memory_space<hbm>> -> memref<432x32xf32, #tpu.memory_space<hbm>>
      %dma_start3A_64 = arith.constant 0 : i32
      %dma_start3A_65 = tpu.memref_slice %arg6[%add3A_4, %dma_start3A_64] : memref<41472x32xf32, #tpu.memory_space<hbm>> -> memref<432x32xf32, #tpu.memory_space<hbm>>
      tpu.enqueue_dma source(%arg9 : memref<432x32xf32, #tpu.memory_space<vmem>>) target(%dma_start3A_65 : memref<432x32xf32, #tpu.memory_space<hbm>>) target_semaphore(%run_scoped3A_61 : memref<!tpu.dma_semaphore, #tpu.memory_space<semaphore_mem>>)
      %dma_wait3A_66 = arith.constant 0 : i32
      %dma_wait3A_67 = tpu.memref_slice %arg6[%add3A_4, %dma_wait3A_66] : memref<41472x32xf32, #tpu.memory_space<hbm>> -> memref<432x32xf32, #tpu.memory_space<hbm>>
      %dma_wait3A_68 = arith.constant 0 : i32
      %dma_wait3A_69 = tpu.memref_slice %arg6[%add3A_4, %dma_wait3A_68] : memref<41472x32xf32, #tpu.memory_space<hbm>> -> memref<432x32xf32, #tpu.memory_space<hbm>>
      tpu.wait_dma2 semaphore(%run_scoped3A_61 : memref<!tpu.dma_semaphore, #tpu.memory_space<semaphore_mem>>) src(%arg9 : memref<432x32xf32, #tpu.memory_space<vmem>>) dst(%dma_wait3A_69 : memref<432x32xf32, #tpu.memory_space<hbm>>)
      tpu.yield
    }) : () -> ()
    %mul3A_19 = arith.constant 1296 : i32
    %mul3A_20 = arith.muli %add3A, %mul3A_19 : i32
    %add3A_21 = arith.constant 432 : i32
    %add3A_22 = arith.addi %mul3A_20, %add3A_21 : i32
    %mul3A_23 = arith.constant 3 : i32
    %mul3A_24 = arith.muli %add3A, %mul3A_23 : i32
    %add3A_25 = arith.constant 1 : i32
    %add3A_26 = arith.addi %mul3A_24, %add3A_25 : i32
    %run_scoped3A_27 = arith.constant 0 : i32
    "tpu.region"() ({
      %run_scoped3A_61 = tpu.sem_alloc : memref<!tpu.dma_semaphore, #tpu.memory_space<semaphore_mem>>
      %dma_start3A_62 = arith.constant 0 : i32
      %dma_start3A_63 = tpu.memref_slice %arg4[%add3A_26, %run_scoped3A_27, %dma_start3A_62] : memref<96x1x432xi32, #tpu.memory_space<hbm>> -> memref<1x1x432xi32, #tpu.memory_space<hbm>>
      %dma_start3A_64 = tpu.memref_squeeze %dma_start3A_63 : memref<1x1x432xi32, #tpu.memory_space<hbm>> -> memref<432xi32, #tpu.memory_space<hbm>>
      %dma_start3A_65 = arith.constant 0 : i32
      %dma_start3A_66 = tpu.memref_slice %arg4[%add3A_26, %run_scoped3A_27, %dma_start3A_65] : memref<96x1x432xi32, #tpu.memory_space<hbm>> -> memref<1x1x432xi32, #tpu.memory_space<hbm>>
      %dma_start3A_67 = tpu.memref_squeeze %dma_start3A_66 : memref<1x1x432xi32, #tpu.memory_space<hbm>> -> memref<432xi32, #tpu.memory_space<hbm>>
      tpu.enqueue_dma source(%dma_start3A_67 : memref<432xi32, #tpu.memory_space<hbm>>) target(%arg7 : memref<432xi32, #tpu.memory_space<vmem>>) target_semaphore(%run_scoped3A_61 : memref<!tpu.dma_semaphore, #tpu.memory_space<semaphore_mem>>)
      %dma_wait3A_68 = arith.constant 0 : i32
      %dma_wait3A_69 = tpu.memref_slice %arg4[%add3A_26, %run_scoped3A_27, %dma_wait3A_68] : memref<96x1x432xi32, #tpu.memory_space<hbm>> -> memref<1x1x432xi32, #tpu.memory_space<hbm>>
      %dma_wait3A_70 = tpu.memref_squeeze %dma_wait3A_69 : memref<1x1x432xi32, #tpu.memory_space<hbm>> -> memref<432xi32, #tpu.memory_space<hbm>>
      %dma_wait3A_71 = arith.constant 0 : i32
      %dma_wait3A_72 = tpu.memref_slice %arg4[%add3A_26, %run_scoped3A_27, %dma_wait3A_71] : memref<96x1x432xi32, #tpu.memory_space<hbm>> -> memref<1x1x432xi32, #tpu.memory_space<hbm>>
      %dma_wait3A_73 = tpu.memref_squeeze %dma_wait3A_72 : memref<1x1x432xi32, #tpu.memory_space<hbm>> -> memref<432xi32, #tpu.memory_space<hbm>>
      tpu.wait_dma2 semaphore(%run_scoped3A_61 : memref<!tpu.dma_semaphore, #tpu.memory_space<semaphore_mem>>) src(%dma_wait3A_73 : memref<432xi32, #tpu.memory_space<hbm>>) dst(%arg7 : memref<432xi32, #tpu.memory_space<vmem>>)
      tpu.yield
    }) : () -> ()
    %dma_start3A_28 = arith.constant 0 : i32
    %dma_start3A_29 = arith.constant 0 : i32
    %dma_start3A_30 = tpu.memref_slice %arg2[%dma_start3A_28, %dma_start3A_29] : memref<32768x32xf32, #tpu.memory_space<hbm>> -> memref<32768x32xf32, #tpu.memory_space<hbm>>
    tpu.enqueue_indirect_dma source(%dma_start3A_30 : memref<32768x32xf32, #tpu.memory_space<hbm>>) target(%arg8 : memref<432x32xf32, #tpu.memory_space<vmem>>) offsets(%arg7 : memref<432xi32, #tpu.memory_space<vmem>>) semaphore(%arg10 : memref<!tpu.dma_semaphore, #tpu.memory_space<semaphore_mem>>)
    %dma_start3A_31 = arith.constant 0 : i32
    %dma_start3A_32 = arith.constant 0 : i32
    %dma_start3A_33 = tpu.memref_slice %arg3[%dma_start3A_31, %dma_start3A_32] : memref<32768x32xf32, #tpu.memory_space<hbm>> -> memref<32768x32xf32, #tpu.memory_space<hbm>>
    tpu.enqueue_indirect_dma source(%dma_start3A_33 : memref<32768x32xf32, #tpu.memory_space<hbm>>) target(%arg9 : memref<432x32xf32, #tpu.memory_space<vmem>>) offsets(%arg7 : memref<432xi32, #tpu.memory_space<vmem>>) semaphore(%arg11 : memref<!tpu.dma_semaphore, #tpu.memory_space<semaphore_mem>>)
    %dma_wait3A_34 = arith.constant 0 : i32
    %dma_wait3A_35 = arith.constant 0 : i32
    %dma_wait3A_36 = tpu.memref_slice %arg2[%dma_wait3A_34, %dma_wait3A_35] : memref<32768x32xf32, #tpu.memory_space<hbm>> -> memref<32768x32xf32, #tpu.memory_space<hbm>>
    tpu.wait_indirect_dma semaphore(%arg10 : memref<!tpu.dma_semaphore, #tpu.memory_space<semaphore_mem>>) src(%dma_wait3A_36 : memref<32768x32xf32, #tpu.memory_space<hbm>>) dst(%arg8 : memref<432x32xf32, #tpu.memory_space<vmem>>)
    %dma_wait3A_37 = arith.constant 0 : i32
    %dma_wait3A_38 = arith.constant 0 : i32
    %dma_wait3A_39 = tpu.memref_slice %arg3[%dma_wait3A_37, %dma_wait3A_38] : memref<32768x32xf32, #tpu.memory_space<hbm>> -> memref<32768x32xf32, #tpu.memory_space<hbm>>
    tpu.wait_indirect_dma semaphore(%arg11 : memref<!tpu.dma_semaphore, #tpu.memory_space<semaphore_mem>>) src(%dma_wait3A_39 : memref<32768x32xf32, #tpu.memory_space<hbm>>) dst(%arg9 : memref<432x32xf32, #tpu.memory_space<vmem>>)
    "tpu.region"() ({
      %run_scoped3A_61 = tpu.sem_alloc : memref<!tpu.dma_semaphore, #tpu.memory_space<semaphore_mem>>
      %dma_start3A_62 = arith.constant 0 : i32
      %dma_start3A_63 = tpu.memref_slice %arg5[%add3A_22, %dma_start3A_62] : memref<41472x32xf32, #tpu.memory_space<hbm>> -> memref<432x32xf32, #tpu.memory_space<hbm>>
      %dma_start3A_64 = arith.constant 0 : i32
      %dma_start3A_65 = tpu.memref_slice %arg5[%add3A_22, %dma_start3A_64] : memref<41472x32xf32, #tpu.memory_space<hbm>> -> memref<432x32xf32, #tpu.memory_space<hbm>>
      tpu.enqueue_dma source(%arg8 : memref<432x32xf32, #tpu.memory_space<vmem>>) target(%dma_start3A_65 : memref<432x32xf32, #tpu.memory_space<hbm>>) target_semaphore(%run_scoped3A_61 : memref<!tpu.dma_semaphore, #tpu.memory_space<semaphore_mem>>)
      %dma_wait3A_66 = arith.constant 0 : i32
      %dma_wait3A_67 = tpu.memref_slice %arg5[%add3A_22, %dma_wait3A_66] : memref<41472x32xf32, #tpu.memory_space<hbm>> -> memref<432x32xf32, #tpu.memory_space<hbm>>
      %dma_wait3A_68 = arith.constant 0 : i32
      %dma_wait3A_69 = tpu.memref_slice %arg5[%add3A_22, %dma_wait3A_68] : memref<41472x32xf32, #tpu.memory_space<hbm>> -> memref<432x32xf32, #tpu.memory_space<hbm>>
      tpu.wait_dma2 semaphore(%run_scoped3A_61 : memref<!tpu.dma_semaphore, #tpu.memory_space<semaphore_mem>>) src(%arg8 : memref<432x32xf32, #tpu.memory_space<vmem>>) dst(%dma_wait3A_69 : memref<432x32xf32, #tpu.memory_space<hbm>>)
      tpu.yield
    }) : () -> ()
    "tpu.region"() ({
      %run_scoped3A_61 = tpu.sem_alloc : memref<!tpu.dma_semaphore, #tpu.memory_space<semaphore_mem>>
      %dma_start3A_62 = arith.constant 0 : i32
      %dma_start3A_63 = tpu.memref_slice %arg6[%add3A_22, %dma_start3A_62] : memref<41472x32xf32, #tpu.memory_space<hbm>> -> memref<432x32xf32, #tpu.memory_space<hbm>>
      %dma_start3A_64 = arith.constant 0 : i32
      %dma_start3A_65 = tpu.memref_slice %arg6[%add3A_22, %dma_start3A_64] : memref<41472x32xf32, #tpu.memory_space<hbm>> -> memref<432x32xf32, #tpu.memory_space<hbm>>
      tpu.enqueue_dma source(%arg9 : memref<432x32xf32, #tpu.memory_space<vmem>>) target(%dma_start3A_65 : memref<432x32xf32, #tpu.memory_space<hbm>>) target_semaphore(%run_scoped3A_61 : memref<!tpu.dma_semaphore, #tpu.memory_space<semaphore_mem>>)
      %dma_wait3A_66 = arith.constant 0 : i32
      %dma_wait3A_67 = tpu.memref_slice %arg6[%add3A_22, %dma_wait3A_66] : memref<41472x32xf32, #tpu.memory_space<hbm>> -> memref<432x32xf32, #tpu.memory_space<hbm>>
      %dma_wait3A_68 = arith.constant 0 : i32
      %dma_wait3A_69 = tpu.memref_slice %arg6[%add3A_22, %dma_wait3A_68] : memref<41472x32xf32, #tpu.memory_space<hbm>> -> memref<432x32xf32, #tpu.memory_space<hbm>>
      tpu.wait_dma2 semaphore(%run_scoped3A_61 : memref<!tpu.dma_semaphore, #tpu.memory_space<semaphore_mem>>) src(%arg9 : memref<432x32xf32, #tpu.memory_space<vmem>>) dst(%dma_wait3A_69 : memref<432x32xf32, #tpu.memory_space<hbm>>)
      tpu.yield
    }) : () -> ()
    %mul3A_40 = arith.constant 1296 : i32
    %mul3A_41 = arith.muli %add3A, %mul3A_40 : i32
    %add3A_42 = arith.constant 864 : i32
    %add3A_43 = arith.addi %mul3A_41, %add3A_42 : i32
    %mul3A_44 = arith.constant 3 : i32
    %mul3A_45 = arith.muli %add3A, %mul3A_44 : i32
    %add3A_46 = arith.constant 2 : i32
    %add3A_47 = arith.addi %mul3A_45, %add3A_46 : i32
    %run_scoped3A_48 = arith.constant 0 : i32
    "tpu.region"() ({
      %run_scoped3A_61 = tpu.sem_alloc : memref<!tpu.dma_semaphore, #tpu.memory_space<semaphore_mem>>
      %dma_start3A_62 = arith.constant 0 : i32
      %dma_start3A_63 = tpu.memref_slice %arg4[%add3A_47, %run_scoped3A_48, %dma_start3A_62] : memref<96x1x432xi32, #tpu.memory_space<hbm>> -> memref<1x1x432xi32, #tpu.memory_space<hbm>>
      %dma_start3A_64 = tpu.memref_squeeze %dma_start3A_63 : memref<1x1x432xi32, #tpu.memory_space<hbm>> -> memref<432xi32, #tpu.memory_space<hbm>>
      %dma_start3A_65 = arith.constant 0 : i32
      %dma_start3A_66 = tpu.memref_slice %arg4[%add3A_47, %run_scoped3A_48, %dma_start3A_65] : memref<96x1x432xi32, #tpu.memory_space<hbm>> -> memref<1x1x432xi32, #tpu.memory_space<hbm>>
      %dma_start3A_67 = tpu.memref_squeeze %dma_start3A_66 : memref<1x1x432xi32, #tpu.memory_space<hbm>> -> memref<432xi32, #tpu.memory_space<hbm>>
      tpu.enqueue_dma source(%dma_start3A_67 : memref<432xi32, #tpu.memory_space<hbm>>) target(%arg7 : memref<432xi32, #tpu.memory_space<vmem>>) target_semaphore(%run_scoped3A_61 : memref<!tpu.dma_semaphore, #tpu.memory_space<semaphore_mem>>)
      %dma_wait3A_68 = arith.constant 0 : i32
      %dma_wait3A_69 = tpu.memref_slice %arg4[%add3A_47, %run_scoped3A_48, %dma_wait3A_68] : memref<96x1x432xi32, #tpu.memory_space<hbm>> -> memref<1x1x432xi32, #tpu.memory_space<hbm>>
      %dma_wait3A_70 = tpu.memref_squeeze %dma_wait3A_69 : memref<1x1x432xi32, #tpu.memory_space<hbm>> -> memref<432xi32, #tpu.memory_space<hbm>>
      %dma_wait3A_71 = arith.constant 0 : i32
      %dma_wait3A_72 = tpu.memref_slice %arg4[%add3A_47, %run_scoped3A_48, %dma_wait3A_71] : memref<96x1x432xi32, #tpu.memory_space<hbm>> -> memref<1x1x432xi32, #tpu.memory_space<hbm>>
      %dma_wait3A_73 = tpu.memref_squeeze %dma_wait3A_72 : memref<1x1x432xi32, #tpu.memory_space<hbm>> -> memref<432xi32, #tpu.memory_space<hbm>>
      tpu.wait_dma2 semaphore(%run_scoped3A_61 : memref<!tpu.dma_semaphore, #tpu.memory_space<semaphore_mem>>) src(%dma_wait3A_73 : memref<432xi32, #tpu.memory_space<hbm>>) dst(%arg7 : memref<432xi32, #tpu.memory_space<vmem>>)
      tpu.yield
    }) : () -> ()
    %dma_start3A_49 = arith.constant 0 : i32
    %dma_start3A_50 = arith.constant 0 : i32
    %dma_start3A_51 = tpu.memref_slice %arg2[%dma_start3A_49, %dma_start3A_50] : memref<32768x32xf32, #tpu.memory_space<hbm>> -> memref<32768x32xf32, #tpu.memory_space<hbm>>
    tpu.enqueue_indirect_dma source(%dma_start3A_51 : memref<32768x32xf32, #tpu.memory_space<hbm>>) target(%arg8 : memref<432x32xf32, #tpu.memory_space<vmem>>) offsets(%arg7 : memref<432xi32, #tpu.memory_space<vmem>>) semaphore(%arg10 : memref<!tpu.dma_semaphore, #tpu.memory_space<semaphore_mem>>)
    %dma_start3A_52 = arith.constant 0 : i32
    %dma_start3A_53 = arith.constant 0 : i32
    %dma_start3A_54 = tpu.memref_slice %arg3[%dma_start3A_52, %dma_start3A_53] : memref<32768x32xf32, #tpu.memory_space<hbm>> -> memref<32768x32xf32, #tpu.memory_space<hbm>>
    tpu.enqueue_indirect_dma source(%dma_start3A_54 : memref<32768x32xf32, #tpu.memory_space<hbm>>) target(%arg9 : memref<432x32xf32, #tpu.memory_space<vmem>>) offsets(%arg7 : memref<432xi32, #tpu.memory_space<vmem>>) semaphore(%arg11 : memref<!tpu.dma_semaphore, #tpu.memory_space<semaphore_mem>>)
    %dma_wait3A_55 = arith.constant 0 : i32
    %dma_wait3A_56 = arith.constant 0 : i32
    %dma_wait3A_57 = tpu.memref_slice %arg2[%dma_wait3A_55, %dma_wait3A_56] : memref<32768x32xf32, #tpu.memory_space<hbm>> -> memref<32768x32xf32, #tpu.memory_space<hbm>>
    tpu.wait_indirect_dma semaphore(%arg10 : memref<!tpu.dma_semaphore, #tpu.memory_space<semaphore_mem>>) src(%dma_wait3A_57 : memref<32768x32xf32, #tpu.memory_space<hbm>>) dst(%arg8 : memref<432x32xf32, #tpu.memory_space<vmem>>)
    %dma_wait3A_58 = arith.constant 0 : i32
    %dma_wait3A_59 = arith.constant 0 : i32
    %dma_wait3A_60 = tpu.memref_slice %arg3[%dma_wait3A_58, %dma_wait3A_59] : memref<32768x32xf32, #tpu.memory_space<hbm>> -> memref<32768x32xf32, #tpu.memory_space<hbm>>
    tpu.wait_indirect_dma semaphore(%arg11 : memref<!tpu.dma_semaphore, #tpu.memory_space<semaphore_mem>>) src(%dma_wait3A_60 : memref<32768x32xf32, #tpu.memory_space<hbm>>) dst(%arg9 : memref<432x32xf32, #tpu.memory_space<vmem>>)
    "tpu.region"() ({
      %run_scoped3A_61 = tpu.sem_alloc : memref<!tpu.dma_semaphore, #tpu.memory_space<semaphore_mem>>
      %dma_start3A_62 = arith.constant 0 : i32
      %dma_start3A_63 = tpu.memref_slice %arg5[%add3A_43, %dma_start3A_62] : memref<41472x32xf32, #tpu.memory_space<hbm>> -> memref<432x32xf32, #tpu.memory_space<hbm>>
      %dma_start3A_64 = arith.constant 0 : i32
      %dma_start3A_65 = tpu.memref_slice %arg5[%add3A_43, %dma_start3A_64] : memref<41472x32xf32, #tpu.memory_space<hbm>> -> memref<432x32xf32, #tpu.memory_space<hbm>>
      tpu.enqueue_dma source(%arg8 : memref<432x32xf32, #tpu.memory_space<vmem>>) target(%dma_start3A_65 : memref<432x32xf32, #tpu.memory_space<hbm>>) target_semaphore(%run_scoped3A_61 : memref<!tpu.dma_semaphore, #tpu.memory_space<semaphore_mem>>)
      %dma_wait3A_66 = arith.constant 0 : i32
      %dma_wait3A_67 = tpu.memref_slice %arg5[%add3A_43, %dma_wait3A_66] : memref<41472x32xf32, #tpu.memory_space<hbm>> -> memref<432x32xf32, #tpu.memory_space<hbm>>
      %dma_wait3A_68 = arith.constant 0 : i32
      %dma_wait3A_69 = tpu.memref_slice %arg5[%add3A_43, %dma_wait3A_68] : memref<41472x32xf32, #tpu.memory_space<hbm>> -> memref<432x32xf32, #tpu.memory_space<hbm>>
      tpu.wait_dma2 semaphore(%run_scoped3A_61 : memref<!tpu.dma_semaphore, #tpu.memory_space<semaphore_mem>>) src(%arg8 : memref<432x32xf32, #tpu.memory_space<vmem>>) dst(%dma_wait3A_69 : memref<432x32xf32, #tpu.memory_space<hbm>>)
      tpu.yield
    }) : () -> ()
    "tpu.region"() ({
      %run_scoped3A_61 = tpu.sem_alloc : memref<!tpu.dma_semaphore, #tpu.memory_space<semaphore_mem>>
      %dma_start3A_62 = arith.constant 0 : i32
      %dma_start3A_63 = tpu.memref_slice %arg6[%add3A_43, %dma_start3A_62] : memref<41472x32xf32, #tpu.memory_space<hbm>> -> memref<432x32xf32, #tpu.memory_space<hbm>>
      %dma_start3A_64 = arith.constant 0 : i32
      %dma_start3A_65 = tpu.memref_slice %arg6[%add3A_43, %dma_start3A_64] : memref<41472x32xf32, #tpu.memory_space<hbm>> -> memref<432x32xf32, #tpu.memory_space<hbm>>
      tpu.enqueue_dma source(%arg9 : memref<432x32xf32, #tpu.memory_space<vmem>>) target(%dma_start3A_65 : memref<432x32xf32, #tpu.memory_space<hbm>>) target_semaphore(%run_scoped3A_61 : memref<!tpu.dma_semaphore, #tpu.memory_space<semaphore_mem>>)
      %dma_wait3A_66 = arith.constant 0 : i32
      %dma_wait3A_67 = tpu.memref_slice %arg6[%add3A_43, %dma_wait3A_66] : memref<41472x32xf32, #tpu.memory_space<hbm>> -> memref<432x32xf32, #tpu.memory_space<hbm>>
      %dma_wait3A_68 = arith.constant 0 : i32
      %dma_wait3A_69 = tpu.memref_slice %arg6[%add3A_43, %dma_wait3A_68] : memref<41472x32xf32, #tpu.memory_space<hbm>> -> memref<432x32xf32, #tpu.memory_space<hbm>>
      tpu.wait_dma2 semaphore(%run_scoped3A_61 : memref<!tpu.dma_semaphore, #tpu.memory_space<semaphore_mem>>) src(%arg9 : memref<432x32xf32, #tpu.memory_space<vmem>>) dst(%dma_wait3A_69 : memref<432x32xf32, #tpu.memory_space<hbm>>)
      tpu.yield
    }) : () -> ()
    return
  }
}

#map = affine_map<(d0, d1) -> (0, 0)>
#map1 = affine_map<(d0, d1) -> (0, 0, 0)>
module attributes {stable_mosaic.version = 14 : i64} {
  func.func @body(%arg0: i32, %arg1: i32, %arg2: memref<32768x32xf32, #tpu.memory_space<hbm>>, %arg3: memref<32768x32xf32, #tpu.memory_space<hbm>>, %arg4: memref<96x1x648xi32, #tpu.memory_space<hbm>>, %arg5: memref<62208x32xf32, #tpu.memory_space<hbm>>, %arg6: memref<62208x32xf32, #tpu.memory_space<hbm>>, %arg7: memref<648xi32, #tpu.memory_space<vmem>>, %arg8: memref<648x32xf32, #tpu.memory_space<vmem>>, %arg9: memref<648x32xf32, #tpu.memory_space<vmem>>, %arg10: memref<!tpu.dma_semaphore, #tpu.memory_space<semaphore_mem>>, %arg11: memref<!tpu.dma_semaphore, #tpu.memory_space<semaphore_mem>>) attributes {dimension_semantics = [#tpu.dimension_semantics<core_parallel>, #tpu.dimension_semantics<subcore_parallel>], iteration_bounds = array<i64: 2, 16>, scalar_prefetch = 0 : i64, scratch_operands = 5 : i64, tpu.core_type = #tpu.core_type<sc_vector_subcore>, window_params = [{transform_indices = #map}, {transform_indices = #map}, {transform_indices = #map1}, {transform_indices = #map}, {transform_indices = #map}]} {
    %mul3A = arith.constant 2 : i32
    %mul3A_0 = arith.muli %arg1, %mul3A : i32
    %add3A = arith.addi %mul3A_0, %arg0 : i32
    %mul3A_1 = arith.constant 1944 : i32
    %mul3A_2 = arith.muli %add3A, %mul3A_1 : i32
    %add3A_3 = arith.constant 0 : i32
    %add3A_4 = arith.addi %mul3A_2, %add3A_3 : i32
    %mul3A_5 = arith.constant 3 : i32
    %mul3A_6 = arith.muli %add3A, %mul3A_5 : i32
    %add3A_7 = arith.constant 0 : i32
    %add3A_8 = arith.addi %mul3A_6, %add3A_7 : i32
    %run_scoped3A = arith.constant 0 : i32
    "tpu.region"() ({
      %run_scoped3A_61 = tpu.sem_alloc : memref<!tpu.dma_semaphore, #tpu.memory_space<semaphore_mem>>
      %dma_start3A_62 = arith.constant 0 : i32
      %dma_start3A_63 = tpu.memref_slice %arg4[%add3A_8, %run_scoped3A, %dma_start3A_62] : memref<96x1x648xi32, #tpu.memory_space<hbm>> -> memref<1x1x648xi32, #tpu.memory_space<hbm>>
      %dma_start3A_64 = tpu.memref_squeeze %dma_start3A_63 : memref<1x1x648xi32, #tpu.memory_space<hbm>> -> memref<648xi32, #tpu.memory_space<hbm>>
      %dma_start3A_65 = arith.constant 0 : i32
      %dma_start3A_66 = tpu.memref_slice %arg4[%add3A_8, %run_scoped3A, %dma_start3A_65] : memref<96x1x648xi32, #tpu.memory_space<hbm>> -> memref<1x1x648xi32, #tpu.memory_space<hbm>>
      %dma_start3A_67 = tpu.memref_squeeze %dma_start3A_66 : memref<1x1x648xi32, #tpu.memory_space<hbm>> -> memref<648xi32, #tpu.memory_space<hbm>>
      tpu.enqueue_dma source(%dma_start3A_67 : memref<648xi32, #tpu.memory_space<hbm>>) target(%arg7 : memref<648xi32, #tpu.memory_space<vmem>>) target_semaphore(%run_scoped3A_61 : memref<!tpu.dma_semaphore, #tpu.memory_space<semaphore_mem>>)
      %dma_wait3A_68 = arith.constant 0 : i32
      %dma_wait3A_69 = tpu.memref_slice %arg4[%add3A_8, %run_scoped3A, %dma_wait3A_68] : memref<96x1x648xi32, #tpu.memory_space<hbm>> -> memref<1x1x648xi32, #tpu.memory_space<hbm>>
      %dma_wait3A_70 = tpu.memref_squeeze %dma_wait3A_69 : memref<1x1x648xi32, #tpu.memory_space<hbm>> -> memref<648xi32, #tpu.memory_space<hbm>>
      %dma_wait3A_71 = arith.constant 0 : i32
      %dma_wait3A_72 = tpu.memref_slice %arg4[%add3A_8, %run_scoped3A, %dma_wait3A_71] : memref<96x1x648xi32, #tpu.memory_space<hbm>> -> memref<1x1x648xi32, #tpu.memory_space<hbm>>
      %dma_wait3A_73 = tpu.memref_squeeze %dma_wait3A_72 : memref<1x1x648xi32, #tpu.memory_space<hbm>> -> memref<648xi32, #tpu.memory_space<hbm>>
      tpu.wait_dma2 semaphore(%run_scoped3A_61 : memref<!tpu.dma_semaphore, #tpu.memory_space<semaphore_mem>>) src(%dma_wait3A_73 : memref<648xi32, #tpu.memory_space<hbm>>) dst(%arg7 : memref<648xi32, #tpu.memory_space<vmem>>)
      tpu.yield
    }) : () -> ()
    %dma_start3A = arith.constant 0 : i32
    %dma_start3A_9 = arith.constant 0 : i32
    %dma_start3A_10 = tpu.memref_slice %arg2[%dma_start3A, %dma_start3A_9] : memref<32768x32xf32, #tpu.memory_space<hbm>> -> memref<32768x32xf32, #tpu.memory_space<hbm>>
    tpu.enqueue_indirect_dma source(%dma_start3A_10 : memref<32768x32xf32, #tpu.memory_space<hbm>>) target(%arg8 : memref<648x32xf32, #tpu.memory_space<vmem>>) offsets(%arg7 : memref<648xi32, #tpu.memory_space<vmem>>) semaphore(%arg10 : memref<!tpu.dma_semaphore, #tpu.memory_space<semaphore_mem>>)
    %dma_start3A_11 = arith.constant 0 : i32
    %dma_start3A_12 = arith.constant 0 : i32
    %dma_start3A_13 = tpu.memref_slice %arg3[%dma_start3A_11, %dma_start3A_12] : memref<32768x32xf32, #tpu.memory_space<hbm>> -> memref<32768x32xf32, #tpu.memory_space<hbm>>
    tpu.enqueue_indirect_dma source(%dma_start3A_13 : memref<32768x32xf32, #tpu.memory_space<hbm>>) target(%arg9 : memref<648x32xf32, #tpu.memory_space<vmem>>) offsets(%arg7 : memref<648xi32, #tpu.memory_space<vmem>>) semaphore(%arg11 : memref<!tpu.dma_semaphore, #tpu.memory_space<semaphore_mem>>)
    %dma_wait3A = arith.constant 0 : i32
    %dma_wait3A_14 = arith.constant 0 : i32
    %dma_wait3A_15 = tpu.memref_slice %arg2[%dma_wait3A, %dma_wait3A_14] : memref<32768x32xf32, #tpu.memory_space<hbm>> -> memref<32768x32xf32, #tpu.memory_space<hbm>>
    tpu.wait_indirect_dma semaphore(%arg10 : memref<!tpu.dma_semaphore, #tpu.memory_space<semaphore_mem>>) src(%dma_wait3A_15 : memref<32768x32xf32, #tpu.memory_space<hbm>>) dst(%arg8 : memref<648x32xf32, #tpu.memory_space<vmem>>)
    %dma_wait3A_16 = arith.constant 0 : i32
    %dma_wait3A_17 = arith.constant 0 : i32
    %dma_wait3A_18 = tpu.memref_slice %arg3[%dma_wait3A_16, %dma_wait3A_17] : memref<32768x32xf32, #tpu.memory_space<hbm>> -> memref<32768x32xf32, #tpu.memory_space<hbm>>
    tpu.wait_indirect_dma semaphore(%arg11 : memref<!tpu.dma_semaphore, #tpu.memory_space<semaphore_mem>>) src(%dma_wait3A_18 : memref<32768x32xf32, #tpu.memory_space<hbm>>) dst(%arg9 : memref<648x32xf32, #tpu.memory_space<vmem>>)
    "tpu.region"() ({
      %run_scoped3A_61 = tpu.sem_alloc : memref<!tpu.dma_semaphore, #tpu.memory_space<semaphore_mem>>
      %dma_start3A_62 = arith.constant 0 : i32
      %dma_start3A_63 = tpu.memref_slice %arg5[%add3A_4, %dma_start3A_62] : memref<62208x32xf32, #tpu.memory_space<hbm>> -> memref<648x32xf32, #tpu.memory_space<hbm>>
      %dma_start3A_64 = arith.constant 0 : i32
      %dma_start3A_65 = tpu.memref_slice %arg5[%add3A_4, %dma_start3A_64] : memref<62208x32xf32, #tpu.memory_space<hbm>> -> memref<648x32xf32, #tpu.memory_space<hbm>>
      tpu.enqueue_dma source(%arg8 : memref<648x32xf32, #tpu.memory_space<vmem>>) target(%dma_start3A_65 : memref<648x32xf32, #tpu.memory_space<hbm>>) target_semaphore(%run_scoped3A_61 : memref<!tpu.dma_semaphore, #tpu.memory_space<semaphore_mem>>)
      %dma_wait3A_66 = arith.constant 0 : i32
      %dma_wait3A_67 = tpu.memref_slice %arg5[%add3A_4, %dma_wait3A_66] : memref<62208x32xf32, #tpu.memory_space<hbm>> -> memref<648x32xf32, #tpu.memory_space<hbm>>
      %dma_wait3A_68 = arith.constant 0 : i32
      %dma_wait3A_69 = tpu.memref_slice %arg5[%add3A_4, %dma_wait3A_68] : memref<62208x32xf32, #tpu.memory_space<hbm>> -> memref<648x32xf32, #tpu.memory_space<hbm>>
      tpu.wait_dma2 semaphore(%run_scoped3A_61 : memref<!tpu.dma_semaphore, #tpu.memory_space<semaphore_mem>>) src(%arg8 : memref<648x32xf32, #tpu.memory_space<vmem>>) dst(%dma_wait3A_69 : memref<648x32xf32, #tpu.memory_space<hbm>>)
      tpu.yield
    }) : () -> ()
    "tpu.region"() ({
      %run_scoped3A_61 = tpu.sem_alloc : memref<!tpu.dma_semaphore, #tpu.memory_space<semaphore_mem>>
      %dma_start3A_62 = arith.constant 0 : i32
      %dma_start3A_63 = tpu.memref_slice %arg6[%add3A_4, %dma_start3A_62] : memref<62208x32xf32, #tpu.memory_space<hbm>> -> memref<648x32xf32, #tpu.memory_space<hbm>>
      %dma_start3A_64 = arith.constant 0 : i32
      %dma_start3A_65 = tpu.memref_slice %arg6[%add3A_4, %dma_start3A_64] : memref<62208x32xf32, #tpu.memory_space<hbm>> -> memref<648x32xf32, #tpu.memory_space<hbm>>
      tpu.enqueue_dma source(%arg9 : memref<648x32xf32, #tpu.memory_space<vmem>>) target(%dma_start3A_65 : memref<648x32xf32, #tpu.memory_space<hbm>>) target_semaphore(%run_scoped3A_61 : memref<!tpu.dma_semaphore, #tpu.memory_space<semaphore_mem>>)
      %dma_wait3A_66 = arith.constant 0 : i32
      %dma_wait3A_67 = tpu.memref_slice %arg6[%add3A_4, %dma_wait3A_66] : memref<62208x32xf32, #tpu.memory_space<hbm>> -> memref<648x32xf32, #tpu.memory_space<hbm>>
      %dma_wait3A_68 = arith.constant 0 : i32
      %dma_wait3A_69 = tpu.memref_slice %arg6[%add3A_4, %dma_wait3A_68] : memref<62208x32xf32, #tpu.memory_space<hbm>> -> memref<648x32xf32, #tpu.memory_space<hbm>>
      tpu.wait_dma2 semaphore(%run_scoped3A_61 : memref<!tpu.dma_semaphore, #tpu.memory_space<semaphore_mem>>) src(%arg9 : memref<648x32xf32, #tpu.memory_space<vmem>>) dst(%dma_wait3A_69 : memref<648x32xf32, #tpu.memory_space<hbm>>)
      tpu.yield
    }) : () -> ()
    %mul3A_19 = arith.constant 1944 : i32
    %mul3A_20 = arith.muli %add3A, %mul3A_19 : i32
    %add3A_21 = arith.constant 648 : i32
    %add3A_22 = arith.addi %mul3A_20, %add3A_21 : i32
    %mul3A_23 = arith.constant 3 : i32
    %mul3A_24 = arith.muli %add3A, %mul3A_23 : i32
    %add3A_25 = arith.constant 1 : i32
    %add3A_26 = arith.addi %mul3A_24, %add3A_25 : i32
    %run_scoped3A_27 = arith.constant 0 : i32
    "tpu.region"() ({
      %run_scoped3A_61 = tpu.sem_alloc : memref<!tpu.dma_semaphore, #tpu.memory_space<semaphore_mem>>
      %dma_start3A_62 = arith.constant 0 : i32
      %dma_start3A_63 = tpu.memref_slice %arg4[%add3A_26, %run_scoped3A_27, %dma_start3A_62] : memref<96x1x648xi32, #tpu.memory_space<hbm>> -> memref<1x1x648xi32, #tpu.memory_space<hbm>>
      %dma_start3A_64 = tpu.memref_squeeze %dma_start3A_63 : memref<1x1x648xi32, #tpu.memory_space<hbm>> -> memref<648xi32, #tpu.memory_space<hbm>>
      %dma_start3A_65 = arith.constant 0 : i32
      %dma_start3A_66 = tpu.memref_slice %arg4[%add3A_26, %run_scoped3A_27, %dma_start3A_65] : memref<96x1x648xi32, #tpu.memory_space<hbm>> -> memref<1x1x648xi32, #tpu.memory_space<hbm>>
      %dma_start3A_67 = tpu.memref_squeeze %dma_start3A_66 : memref<1x1x648xi32, #tpu.memory_space<hbm>> -> memref<648xi32, #tpu.memory_space<hbm>>
      tpu.enqueue_dma source(%dma_start3A_67 : memref<648xi32, #tpu.memory_space<hbm>>) target(%arg7 : memref<648xi32, #tpu.memory_space<vmem>>) target_semaphore(%run_scoped3A_61 : memref<!tpu.dma_semaphore, #tpu.memory_space<semaphore_mem>>)
      %dma_wait3A_68 = arith.constant 0 : i32
      %dma_wait3A_69 = tpu.memref_slice %arg4[%add3A_26, %run_scoped3A_27, %dma_wait3A_68] : memref<96x1x648xi32, #tpu.memory_space<hbm>> -> memref<1x1x648xi32, #tpu.memory_space<hbm>>
      %dma_wait3A_70 = tpu.memref_squeeze %dma_wait3A_69 : memref<1x1x648xi32, #tpu.memory_space<hbm>> -> memref<648xi32, #tpu.memory_space<hbm>>
      %dma_wait3A_71 = arith.constant 0 : i32
      %dma_wait3A_72 = tpu.memref_slice %arg4[%add3A_26, %run_scoped3A_27, %dma_wait3A_71] : memref<96x1x648xi32, #tpu.memory_space<hbm>> -> memref<1x1x648xi32, #tpu.memory_space<hbm>>
      %dma_wait3A_73 = tpu.memref_squeeze %dma_wait3A_72 : memref<1x1x648xi32, #tpu.memory_space<hbm>> -> memref<648xi32, #tpu.memory_space<hbm>>
      tpu.wait_dma2 semaphore(%run_scoped3A_61 : memref<!tpu.dma_semaphore, #tpu.memory_space<semaphore_mem>>) src(%dma_wait3A_73 : memref<648xi32, #tpu.memory_space<hbm>>) dst(%arg7 : memref<648xi32, #tpu.memory_space<vmem>>)
      tpu.yield
    }) : () -> ()
    %dma_start3A_28 = arith.constant 0 : i32
    %dma_start3A_29 = arith.constant 0 : i32
    %dma_start3A_30 = tpu.memref_slice %arg2[%dma_start3A_28, %dma_start3A_29] : memref<32768x32xf32, #tpu.memory_space<hbm>> -> memref<32768x32xf32, #tpu.memory_space<hbm>>
    tpu.enqueue_indirect_dma source(%dma_start3A_30 : memref<32768x32xf32, #tpu.memory_space<hbm>>) target(%arg8 : memref<648x32xf32, #tpu.memory_space<vmem>>) offsets(%arg7 : memref<648xi32, #tpu.memory_space<vmem>>) semaphore(%arg10 : memref<!tpu.dma_semaphore, #tpu.memory_space<semaphore_mem>>)
    %dma_start3A_31 = arith.constant 0 : i32
    %dma_start3A_32 = arith.constant 0 : i32
    %dma_start3A_33 = tpu.memref_slice %arg3[%dma_start3A_31, %dma_start3A_32] : memref<32768x32xf32, #tpu.memory_space<hbm>> -> memref<32768x32xf32, #tpu.memory_space<hbm>>
    tpu.enqueue_indirect_dma source(%dma_start3A_33 : memref<32768x32xf32, #tpu.memory_space<hbm>>) target(%arg9 : memref<648x32xf32, #tpu.memory_space<vmem>>) offsets(%arg7 : memref<648xi32, #tpu.memory_space<vmem>>) semaphore(%arg11 : memref<!tpu.dma_semaphore, #tpu.memory_space<semaphore_mem>>)
    %dma_wait3A_34 = arith.constant 0 : i32
    %dma_wait3A_35 = arith.constant 0 : i32
    %dma_wait3A_36 = tpu.memref_slice %arg2[%dma_wait3A_34, %dma_wait3A_35] : memref<32768x32xf32, #tpu.memory_space<hbm>> -> memref<32768x32xf32, #tpu.memory_space<hbm>>
    tpu.wait_indirect_dma semaphore(%arg10 : memref<!tpu.dma_semaphore, #tpu.memory_space<semaphore_mem>>) src(%dma_wait3A_36 : memref<32768x32xf32, #tpu.memory_space<hbm>>) dst(%arg8 : memref<648x32xf32, #tpu.memory_space<vmem>>)
    %dma_wait3A_37 = arith.constant 0 : i32
    %dma_wait3A_38 = arith.constant 0 : i32
    %dma_wait3A_39 = tpu.memref_slice %arg3[%dma_wait3A_37, %dma_wait3A_38] : memref<32768x32xf32, #tpu.memory_space<hbm>> -> memref<32768x32xf32, #tpu.memory_space<hbm>>
    tpu.wait_indirect_dma semaphore(%arg11 : memref<!tpu.dma_semaphore, #tpu.memory_space<semaphore_mem>>) src(%dma_wait3A_39 : memref<32768x32xf32, #tpu.memory_space<hbm>>) dst(%arg9 : memref<648x32xf32, #tpu.memory_space<vmem>>)
    "tpu.region"() ({
      %run_scoped3A_61 = tpu.sem_alloc : memref<!tpu.dma_semaphore, #tpu.memory_space<semaphore_mem>>
      %dma_start3A_62 = arith.constant 0 : i32
      %dma_start3A_63 = tpu.memref_slice %arg5[%add3A_22, %dma_start3A_62] : memref<62208x32xf32, #tpu.memory_space<hbm>> -> memref<648x32xf32, #tpu.memory_space<hbm>>
      %dma_start3A_64 = arith.constant 0 : i32
      %dma_start3A_65 = tpu.memref_slice %arg5[%add3A_22, %dma_start3A_64] : memref<62208x32xf32, #tpu.memory_space<hbm>> -> memref<648x32xf32, #tpu.memory_space<hbm>>
      tpu.enqueue_dma source(%arg8 : memref<648x32xf32, #tpu.memory_space<vmem>>) target(%dma_start3A_65 : memref<648x32xf32, #tpu.memory_space<hbm>>) target_semaphore(%run_scoped3A_61 : memref<!tpu.dma_semaphore, #tpu.memory_space<semaphore_mem>>)
      %dma_wait3A_66 = arith.constant 0 : i32
      %dma_wait3A_67 = tpu.memref_slice %arg5[%add3A_22, %dma_wait3A_66] : memref<62208x32xf32, #tpu.memory_space<hbm>> -> memref<648x32xf32, #tpu.memory_space<hbm>>
      %dma_wait3A_68 = arith.constant 0 : i32
      %dma_wait3A_69 = tpu.memref_slice %arg5[%add3A_22, %dma_wait3A_68] : memref<62208x32xf32, #tpu.memory_space<hbm>> -> memref<648x32xf32, #tpu.memory_space<hbm>>
      tpu.wait_dma2 semaphore(%run_scoped3A_61 : memref<!tpu.dma_semaphore, #tpu.memory_space<semaphore_mem>>) src(%arg8 : memref<648x32xf32, #tpu.memory_space<vmem>>) dst(%dma_wait3A_69 : memref<648x32xf32, #tpu.memory_space<hbm>>)
      tpu.yield
    }) : () -> ()
    "tpu.region"() ({
      %run_scoped3A_61 = tpu.sem_alloc : memref<!tpu.dma_semaphore, #tpu.memory_space<semaphore_mem>>
      %dma_start3A_62 = arith.constant 0 : i32
      %dma_start3A_63 = tpu.memref_slice %arg6[%add3A_22, %dma_start3A_62] : memref<62208x32xf32, #tpu.memory_space<hbm>> -> memref<648x32xf32, #tpu.memory_space<hbm>>
      %dma_start3A_64 = arith.constant 0 : i32
      %dma_start3A_65 = tpu.memref_slice %arg6[%add3A_22, %dma_start3A_64] : memref<62208x32xf32, #tpu.memory_space<hbm>> -> memref<648x32xf32, #tpu.memory_space<hbm>>
      tpu.enqueue_dma source(%arg9 : memref<648x32xf32, #tpu.memory_space<vmem>>) target(%dma_start3A_65 : memref<648x32xf32, #tpu.memory_space<hbm>>) target_semaphore(%run_scoped3A_61 : memref<!tpu.dma_semaphore, #tpu.memory_space<semaphore_mem>>)
      %dma_wait3A_66 = arith.constant 0 : i32
      %dma_wait3A_67 = tpu.memref_slice %arg6[%add3A_22, %dma_wait3A_66] : memref<62208x32xf32, #tpu.memory_space<hbm>> -> memref<648x32xf32, #tpu.memory_space<hbm>>
      %dma_wait3A_68 = arith.constant 0 : i32
      %dma_wait3A_69 = tpu.memref_slice %arg6[%add3A_22, %dma_wait3A_68] : memref<62208x32xf32, #tpu.memory_space<hbm>> -> memref<648x32xf32, #tpu.memory_space<hbm>>
      tpu.wait_dma2 semaphore(%run_scoped3A_61 : memref<!tpu.dma_semaphore, #tpu.memory_space<semaphore_mem>>) src(%arg9 : memref<648x32xf32, #tpu.memory_space<vmem>>) dst(%dma_wait3A_69 : memref<648x32xf32, #tpu.memory_space<hbm>>)
      tpu.yield
    }) : () -> ()
    %mul3A_40 = arith.constant 1944 : i32
    %mul3A_41 = arith.muli %add3A, %mul3A_40 : i32
    %add3A_42 = arith.constant 1296 : i32
    %add3A_43 = arith.addi %mul3A_41, %add3A_42 : i32
    %mul3A_44 = arith.constant 3 : i32
    %mul3A_45 = arith.muli %add3A, %mul3A_44 : i32
    %add3A_46 = arith.constant 2 : i32
    %add3A_47 = arith.addi %mul3A_45, %add3A_46 : i32
    %run_scoped3A_48 = arith.constant 0 : i32
    "tpu.region"() ({
      %run_scoped3A_61 = tpu.sem_alloc : memref<!tpu.dma_semaphore, #tpu.memory_space<semaphore_mem>>
      %dma_start3A_62 = arith.constant 0 : i32
      %dma_start3A_63 = tpu.memref_slice %arg4[%add3A_47, %run_scoped3A_48, %dma_start3A_62] : memref<96x1x648xi32, #tpu.memory_space<hbm>> -> memref<1x1x648xi32, #tpu.memory_space<hbm>>
      %dma_start3A_64 = tpu.memref_squeeze %dma_start3A_63 : memref<1x1x648xi32, #tpu.memory_space<hbm>> -> memref<648xi32, #tpu.memory_space<hbm>>
      %dma_start3A_65 = arith.constant 0 : i32
      %dma_start3A_66 = tpu.memref_slice %arg4[%add3A_47, %run_scoped3A_48, %dma_start3A_65] : memref<96x1x648xi32, #tpu.memory_space<hbm>> -> memref<1x1x648xi32, #tpu.memory_space<hbm>>
      %dma_start3A_67 = tpu.memref_squeeze %dma_start3A_66 : memref<1x1x648xi32, #tpu.memory_space<hbm>> -> memref<648xi32, #tpu.memory_space<hbm>>
      tpu.enqueue_dma source(%dma_start3A_67 : memref<648xi32, #tpu.memory_space<hbm>>) target(%arg7 : memref<648xi32, #tpu.memory_space<vmem>>) target_semaphore(%run_scoped3A_61 : memref<!tpu.dma_semaphore, #tpu.memory_space<semaphore_mem>>)
      %dma_wait3A_68 = arith.constant 0 : i32
      %dma_wait3A_69 = tpu.memref_slice %arg4[%add3A_47, %run_scoped3A_48, %dma_wait3A_68] : memref<96x1x648xi32, #tpu.memory_space<hbm>> -> memref<1x1x648xi32, #tpu.memory_space<hbm>>
      %dma_wait3A_70 = tpu.memref_squeeze %dma_wait3A_69 : memref<1x1x648xi32, #tpu.memory_space<hbm>> -> memref<648xi32, #tpu.memory_space<hbm>>
      %dma_wait3A_71 = arith.constant 0 : i32
      %dma_wait3A_72 = tpu.memref_slice %arg4[%add3A_47, %run_scoped3A_48, %dma_wait3A_71] : memref<96x1x648xi32, #tpu.memory_space<hbm>> -> memref<1x1x648xi32, #tpu.memory_space<hbm>>
      %dma_wait3A_73 = tpu.memref_squeeze %dma_wait3A_72 : memref<1x1x648xi32, #tpu.memory_space<hbm>> -> memref<648xi32, #tpu.memory_space<hbm>>
      tpu.wait_dma2 semaphore(%run_scoped3A_61 : memref<!tpu.dma_semaphore, #tpu.memory_space<semaphore_mem>>) src(%dma_wait3A_73 : memref<648xi32, #tpu.memory_space<hbm>>) dst(%arg7 : memref<648xi32, #tpu.memory_space<vmem>>)
      tpu.yield
    }) : () -> ()
    %dma_start3A_49 = arith.constant 0 : i32
    %dma_start3A_50 = arith.constant 0 : i32
    %dma_start3A_51 = tpu.memref_slice %arg2[%dma_start3A_49, %dma_start3A_50] : memref<32768x32xf32, #tpu.memory_space<hbm>> -> memref<32768x32xf32, #tpu.memory_space<hbm>>
    tpu.enqueue_indirect_dma source(%dma_start3A_51 : memref<32768x32xf32, #tpu.memory_space<hbm>>) target(%arg8 : memref<648x32xf32, #tpu.memory_space<vmem>>) offsets(%arg7 : memref<648xi32, #tpu.memory_space<vmem>>) semaphore(%arg10 : memref<!tpu.dma_semaphore, #tpu.memory_space<semaphore_mem>>)
    %dma_start3A_52 = arith.constant 0 : i32
    %dma_start3A_53 = arith.constant 0 : i32
    %dma_start3A_54 = tpu.memref_slice %arg3[%dma_start3A_52, %dma_start3A_53] : memref<32768x32xf32, #tpu.memory_space<hbm>> -> memref<32768x32xf32, #tpu.memory_space<hbm>>
    tpu.enqueue_indirect_dma source(%dma_start3A_54 : memref<32768x32xf32, #tpu.memory_space<hbm>>) target(%arg9 : memref<648x32xf32, #tpu.memory_space<vmem>>) offsets(%arg7 : memref<648xi32, #tpu.memory_space<vmem>>) semaphore(%arg11 : memref<!tpu.dma_semaphore, #tpu.memory_space<semaphore_mem>>)
    %dma_wait3A_55 = arith.constant 0 : i32
    %dma_wait3A_56 = arith.constant 0 : i32
    %dma_wait3A_57 = tpu.memref_slice %arg2[%dma_wait3A_55, %dma_wait3A_56] : memref<32768x32xf32, #tpu.memory_space<hbm>> -> memref<32768x32xf32, #tpu.memory_space<hbm>>
    tpu.wait_indirect_dma semaphore(%arg10 : memref<!tpu.dma_semaphore, #tpu.memory_space<semaphore_mem>>) src(%dma_wait3A_57 : memref<32768x32xf32, #tpu.memory_space<hbm>>) dst(%arg8 : memref<648x32xf32, #tpu.memory_space<vmem>>)
    %dma_wait3A_58 = arith.constant 0 : i32
    %dma_wait3A_59 = arith.constant 0 : i32
    %dma_wait3A_60 = tpu.memref_slice %arg3[%dma_wait3A_58, %dma_wait3A_59] : memref<32768x32xf32, #tpu.memory_space<hbm>> -> memref<32768x32xf32, #tpu.memory_space<hbm>>
    tpu.wait_indirect_dma semaphore(%arg11 : memref<!tpu.dma_semaphore, #tpu.memory_space<semaphore_mem>>) src(%dma_wait3A_60 : memref<32768x32xf32, #tpu.memory_space<hbm>>) dst(%arg9 : memref<648x32xf32, #tpu.memory_space<vmem>>)
    "tpu.region"() ({
      %run_scoped3A_61 = tpu.sem_alloc : memref<!tpu.dma_semaphore, #tpu.memory_space<semaphore_mem>>
      %dma_start3A_62 = arith.constant 0 : i32
      %dma_start3A_63 = tpu.memref_slice %arg5[%add3A_43, %dma_start3A_62] : memref<62208x32xf32, #tpu.memory_space<hbm>> -> memref<648x32xf32, #tpu.memory_space<hbm>>
      %dma_start3A_64 = arith.constant 0 : i32
      %dma_start3A_65 = tpu.memref_slice %arg5[%add3A_43, %dma_start3A_64] : memref<62208x32xf32, #tpu.memory_space<hbm>> -> memref<648x32xf32, #tpu.memory_space<hbm>>
      tpu.enqueue_dma source(%arg8 : memref<648x32xf32, #tpu.memory_space<vmem>>) target(%dma_start3A_65 : memref<648x32xf32, #tpu.memory_space<hbm>>) target_semaphore(%run_scoped3A_61 : memref<!tpu.dma_semaphore, #tpu.memory_space<semaphore_mem>>)
      %dma_wait3A_66 = arith.constant 0 : i32
      %dma_wait3A_67 = tpu.memref_slice %arg5[%add3A_43, %dma_wait3A_66] : memref<62208x32xf32, #tpu.memory_space<hbm>> -> memref<648x32xf32, #tpu.memory_space<hbm>>
      %dma_wait3A_68 = arith.constant 0 : i32
      %dma_wait3A_69 = tpu.memref_slice %arg5[%add3A_43, %dma_wait3A_68] : memref<62208x32xf32, #tpu.memory_space<hbm>> -> memref<648x32xf32, #tpu.memory_space<hbm>>
      tpu.wait_dma2 semaphore(%run_scoped3A_61 : memref<!tpu.dma_semaphore, #tpu.memory_space<semaphore_mem>>) src(%arg8 : memref<648x32xf32, #tpu.memory_space<vmem>>) dst(%dma_wait3A_69 : memref<648x32xf32, #tpu.memory_space<hbm>>)
      tpu.yield
    }) : () -> ()
    "tpu.region"() ({
      %run_scoped3A_61 = tpu.sem_alloc : memref<!tpu.dma_semaphore, #tpu.memory_space<semaphore_mem>>
      %dma_start3A_62 = arith.constant 0 : i32
      %dma_start3A_63 = tpu.memref_slice %arg6[%add3A_43, %dma_start3A_62] : memref<62208x32xf32, #tpu.memory_space<hbm>> -> memref<648x32xf32, #tpu.memory_space<hbm>>
      %dma_start3A_64 = arith.constant 0 : i32
      %dma_start3A_65 = tpu.memref_slice %arg6[%add3A_43, %dma_start3A_64] : memref<62208x32xf32, #tpu.memory_space<hbm>> -> memref<648x32xf32, #tpu.memory_space<hbm>>
      tpu.enqueue_dma source(%arg9 : memref<648x32xf32, #tpu.memory_space<vmem>>) target(%dma_start3A_65 : memref<648x32xf32, #tpu.memory_space<hbm>>) target_semaphore(%run_scoped3A_61 : memref<!tpu.dma_semaphore, #tpu.memory_space<semaphore_mem>>)
      %dma_wait3A_66 = arith.constant 0 : i32
      %dma_wait3A_67 = tpu.memref_slice %arg6[%add3A_43, %dma_wait3A_66] : memref<62208x32xf32, #tpu.memory_space<hbm>> -> memref<648x32xf32, #tpu.memory_space<hbm>>
      %dma_wait3A_68 = arith.constant 0 : i32
      %dma_wait3A_69 = tpu.memref_slice %arg6[%add3A_43, %dma_wait3A_68] : memref<62208x32xf32, #tpu.memory_space<hbm>> -> memref<648x32xf32, #tpu.memory_space<hbm>>
      tpu.wait_dma2 semaphore(%run_scoped3A_61 : memref<!tpu.dma_semaphore, #tpu.memory_space<semaphore_mem>>) src(%arg9 : memref<648x32xf32, #tpu.memory_space<vmem>>) dst(%dma_wait3A_69 : memref<648x32xf32, #tpu.memory_space<hbm>>)
      tpu.yield
    }) : () -> ()
    return
  }
}

module attributes {stable_mosaic.version = 14 : i64} {
  func.func @_mm_body(%arg0: i32, %arg1: memref<56x864xf32, #tpu.memory_space<vmem>>, %arg2: memref<56x864xf32, #tpu.memory_space<vmem>>, %arg3: memref<1x1x7x3x3x3x32x64xf32, #tpu.memory_space<vmem>>, %arg4: memref<1x1x7x3x3x3x32x64xf32, #tpu.memory_space<vmem>>, %arg5: memref<1x1x7x3x3x3x32x64xf32, #tpu.memory_space<vmem>>, %arg6: memref<1x1x7x64xf32, #tpu.memory_space<vmem>>, %arg7: memref<8x1x1x7x64xf32, #tpu.memory_space<vmem>>, %arg8: memref<7x8x64xf32, #tpu.memory_space<vmem>>) attributes {dimension_semantics = [#tpu.dimension_semantics<arbitrary>], iteration_bounds = array<i64: 21>, scalar_prefetch = 0 : i64, scratch_operands = 0 : i64, tpu.core_type = #tpu.core_type<tc>, window_params = [{transform_indices = @transform_0, window_bounds = array<i64: 56, 864>}, {transform_indices = @transform_1, window_bounds = array<i64: 56, 864>}, {transform_indices = @transform_2, window_bounds = array<i64: 1, 1, 7, 3, 3, 3, 32, 64>}, {transform_indices = @transform_3, window_bounds = array<i64: 1, 1, 7, 3, 3, 3, 32, 64>}, {transform_indices = @transform_4, window_bounds = array<i64: 1, 1, 7, 3, 3, 3, 32, 64>}, {transform_indices = @transform_5, window_bounds = array<i64: 1, 1, 7, 64>}, {transform_indices = @transform_6, window_bounds = array<i64: 8, 1, 1, 7, 64>}, {transform_indices = @transform_7, window_bounds = array<i64: 7, 8, 64>}]} {
    %get3A = arith.constant 0 : index
    %get3A_0 = arith.constant 0 : index
    %get3A_1 = vector.load %arg1[%get3A, %get3A_0] : memref<56x864xf32, #tpu.memory_space<vmem>>, vector<8x864xf32>
    %get3A_2 = arith.constant 0 : index
    %get3A_3 = arith.constant 0 : index
    %get3A_4 = vector.load %arg2[%get3A_2, %get3A_3] : memref<56x864xf32, #tpu.memory_space<vmem>>, vector<8x864xf32>
    %mul3A = arith.mulf %get3A_1, %get3A_4 : vector<8x864xf32>
    %get3A_5 = arith.constant 0 : index
    %get3A_6 = arith.constant 0 : index
    %get3A_7 = arith.constant 0 : index
    %get3A_8 = arith.constant 0 : index
    %get3A_9 = arith.constant 0 : index
    %get3A_10 = arith.constant 0 : index
    %get3A_11 = arith.constant 0 : index
    %get3A_12 = arith.constant 0 : index
    %get3A_13 = vector.load %arg3[%get3A_5, %get3A_6, %get3A_7, %get3A_8, %get3A_9, %get3A_10, %get3A_11, %get3A_12] : memref<1x1x7x3x3x3x32x64xf32, #tpu.memory_space<vmem>>, vector<1x1x1x3x3x3x32x64xf32>
    %get3A_14 = vector.shape_cast %get3A_13 : vector<1x1x1x3x3x3x32x64xf32> to vector<3x3x3x32x64xf32>
    %reshape3A = vector.shape_cast %get3A_14 : vector<3x3x3x32x64xf32> to vector<864x64xf32>
    %get3A_15 = arith.constant 0 : index
    %get3A_16 = arith.constant 0 : index
    %get3A_17 = arith.constant 0 : index
    %get3A_18 = arith.constant 0 : index
    %get3A_19 = arith.constant 0 : index
    %get3A_20 = arith.constant 0 : index
    %get3A_21 = arith.constant 0 : index
    %get3A_22 = arith.constant 0 : index
    %get3A_23 = vector.load %arg4[%get3A_15, %get3A_16, %get3A_17, %get3A_18, %get3A_19, %get3A_20, %get3A_21, %get3A_22] : memref<1x1x7x3x3x3x32x64xf32, #tpu.memory_space<vmem>>, vector<1x1x1x3x3x3x32x64xf32>
    %get3A_24 = vector.shape_cast %get3A_23 : vector<1x1x1x3x3x3x32x64xf32> to vector<3x3x3x32x64xf32>
    %reshape3A_25 = vector.shape_cast %get3A_24 : vector<3x3x3x32x64xf32> to vector<864x64xf32>
    %custom_jvp_call3A = arith.constant 0.000000e+00 : f32
    %max3A = vector.broadcast %custom_jvp_call3A : f32 to vector<864x64xf32>
    %max3A_26 = arith.maximumf %reshape3A_25, %max3A : vector<864x64xf32>
    %sub3A = vector.broadcast %custom_jvp_call3A : f32 to vector<864x64xf32>
    %sub3A_27 = arith.subf %reshape3A_25, %sub3A : vector<864x64xf32>
    %ne3A = arith.cmpf one, %sub3A_27, %sub3A_27 : vector<864x64xf32>
    %add3A = vector.broadcast %custom_jvp_call3A : f32 to vector<864x64xf32>
    %add3A_28 = arith.addf %reshape3A_25, %add3A : vector<864x64xf32>
    %abs3A = math.absf %sub3A_27 : vector<864x64xf32>
    %neg3A = arith.constant 0.000000e+00 : f32
    %neg3A_29 = vector.broadcast %neg3A : f32 to vector<864x64xf32>
    %neg3A_30 = arith.subf %neg3A_29, %abs3A : vector<864x64xf32>
    %exp3A = math.exp %neg3A_30 : vector<864x64xf32>
    %log1p3A = math.log1p %exp3A : vector<864x64xf32>
    %add3A_31 = arith.addf %max3A_26, %log1p3A : vector<864x64xf32>
    %select_n3A = arith.select %ne3A, %add3A_28, %add3A_31 : vector<864x64xi1>, vector<864x64xf32>
    %get3A_32 = arith.constant 0 : index
    %get3A_33 = arith.constant 0 : index
    %get3A_34 = arith.constant 0 : index
    %get3A_35 = arith.constant 0 : index
    %get3A_36 = arith.constant 0 : index
    %get3A_37 = arith.constant 0 : index
    %get3A_38 = arith.constant 0 : index
    %get3A_39 = arith.constant 0 : index
    %get3A_40 = vector.load %arg5[%get3A_32, %get3A_33, %get3A_34, %get3A_35, %get3A_36, %get3A_37, %get3A_38, %get3A_39] : memref<1x1x7x3x3x3x32x64xf32, #tpu.memory_space<vmem>>, vector<1x1x1x3x3x3x32x64xf32>
    %get3A_41 = vector.shape_cast %get3A_40 : vector<1x1x1x3x3x3x32x64xf32> to vector<3x3x3x32x64xf32>
    %reshape3A_42 = vector.shape_cast %get3A_41 : vector<3x3x3x32x64xf32> to vector<864x64xf32>
    %mul3A_43 = arith.mulf %select_n3A, %reshape3A_42 : vector<864x64xf32>
    %dot_general3A = arith.constant dense<0.000000e+00> : vector<8x64xf32>
    %dot_general3A_44 = tpu.matmul %get3A_1, %reshape3A, %dot_general3A {dimension_numbers = #tpu.dot_dimension_numbers<[1], [0], [0], [1], [0, 0, 1, 1], [], []>, transpose_lhs_hint = false} : vector<8x864xf32>, vector<864x64xf32>, vector<8x64xf32> -> vector<8x64xf32>
    %dot_general3A_45 = arith.constant dense<0.000000e+00> : vector<8x64xf32>
    %dot_general3A_46 = tpu.matmul %mul3A, %mul3A_43, %dot_general3A_45 {dimension_numbers = #tpu.dot_dimension_numbers<[1], [0], [0], [1], [0, 0, 1, 1], [], []>, transpose_lhs_hint = false} : vector<8x864xf32>, vector<864x64xf32>, vector<8x64xf32> -> vector<8x64xf32>
    %get3A_47 = arith.constant 0 : index
    %get3A_48 = arith.constant 0 : index
    %get3A_49 = arith.constant 0 : index
    %get3A_50 = arith.constant 0 : index
    %get3A_51 = vector.load %arg6[%get3A_47, %get3A_48, %get3A_49, %get3A_50] : memref<1x1x7x64xf32, #tpu.memory_space<vmem>>, vector<1x1x1x64xf32>
    %get3A_52 = vector.shape_cast %get3A_51 : vector<1x1x1x64xf32> to vector<64xf32>
    %broadcast_in_dim3A = vector.shape_cast %get3A_52 : vector<64xf32> to vector<1x64xf32>
    %add3A_53 = vector.broadcast %broadcast_in_dim3A : vector<1x64xf32> to vector<8x64xf32>
    %add3A_54 = arith.addf %dot_general3A_44, %add3A_53 : vector<8x64xf32>
    %get3A_55 = arith.constant 0 : index
    %get3A_56 = arith.constant 0 : index
    %get3A_57 = arith.constant 0 : index
    %get3A_58 = arith.constant 0 : index
    %get3A_59 = arith.constant 0 : index
    %get3A_60 = vector.load %arg7[%get3A_55, %get3A_56, %get3A_57, %get3A_58, %get3A_59] : memref<8x1x1x7x64xf32, #tpu.memory_space<vmem>>, vector<8x1x1x1x64xf32>
    %get3A_61 = vector.shape_cast %get3A_60 : vector<8x1x1x1x64xf32> to vector<8x64xf32>
    %mul3A_62 = arith.mulf %dot_general3A_46, %get3A_61 : vector<8x64xf32>
    %add3A_63 = arith.addf %add3A_54, %mul3A_62 : vector<8x64xf32>
    %swap3A = arith.constant 0 : index
    %swap3A_64 = arith.constant 0 : index
    %swap3A_65 = arith.constant 0 : index
    %swap3A_66 = vector.load %arg8[%swap3A, %swap3A_64, %swap3A_65] : memref<7x8x64xf32, #tpu.memory_space<vmem>>, vector<1x8x64xf32>
    %swap3A_67 = vector.shape_cast %swap3A_66 : vector<1x8x64xf32> to vector<8x64xf32>
    %swap3A_68 = vector.shape_cast %add3A_63 : vector<8x64xf32> to vector<1x8x64xf32>
    tpu.vector_store %arg8[%swap3A, %swap3A_64, %swap3A_65], %swap3A_68 {strides = array<i32>} : memref<7x8x64xf32, #tpu.memory_space<vmem>>, vector<1x8x64xf32>,
    %get3A_69 = arith.constant 8 : index
    %get3A_70 = arith.constant 0 : index
    %get3A_71 = vector.load %arg1[%get3A_69, %get3A_70] : memref<56x864xf32, #tpu.memory_space<vmem>>, vector<8x864xf32>
    %get3A_72 = arith.constant 8 : index
    %get3A_73 = arith.constant 0 : index
    %get3A_74 = vector.load %arg2[%get3A_72, %get3A_73] : memref<56x864xf32, #tpu.memory_space<vmem>>, vector<8x864xf32>
    %mul3A_75 = arith.mulf %get3A_71, %get3A_74 : vector<8x864xf32>
    %get3A_76 = arith.constant 0 : index
    %get3A_77 = arith.constant 0 : index
    %get3A_78 = arith.constant 1 : index
    %get3A_79 = arith.constant 0 : index
    %get3A_80 = arith.constant 0 : index
    %get3A_81 = arith.constant 0 : index
    %get3A_82 = arith.constant 0 : index
    %get3A_83 = arith.constant 0 : index
    %get3A_84 = vector.load %arg3[%get3A_76, %get3A_77, %get3A_78, %get3A_79, %get3A_80, %get3A_81, %get3A_82, %get3A_83] : memref<1x1x7x3x3x3x32x64xf32, #tpu.memory_space<vmem>>, vector<1x1x1x3x3x3x32x64xf32>
    %get3A_85 = vector.shape_cast %get3A_84 : vector<1x1x1x3x3x3x32x64xf32> to vector<3x3x3x32x64xf32>
    %reshape3A_86 = vector.shape_cast %get3A_85 : vector<3x3x3x32x64xf32> to vector<864x64xf32>
    %get3A_87 = arith.constant 0 : index
    %get3A_88 = arith.constant 0 : index
    %get3A_89 = arith.constant 1 : index
    %get3A_90 = arith.constant 0 : index
    %get3A_91 = arith.constant 0 : index
    %get3A_92 = arith.constant 0 : index
    %get3A_93 = arith.constant 0 : index
    %get3A_94 = arith.constant 0 : index
    %get3A_95 = vector.load %arg4[%get3A_87, %get3A_88, %get3A_89, %get3A_90, %get3A_91, %get3A_92, %get3A_93, %get3A_94] : memref<1x1x7x3x3x3x32x64xf32, #tpu.memory_space<vmem>>, vector<1x1x1x3x3x3x32x64xf32>
    %get3A_96 = vector.shape_cast %get3A_95 : vector<1x1x1x3x3x3x32x64xf32> to vector<3x3x3x32x64xf32>
    %reshape3A_97 = vector.shape_cast %get3A_96 : vector<3x3x3x32x64xf32> to vector<864x64xf32>
    %custom_jvp_call3A_98 = arith.constant 0.000000e+00 : f32
    %max3A_99 = vector.broadcast %custom_jvp_call3A_98 : f32 to vector<864x64xf32>
    %max3A_100 = arith.maximumf %reshape3A_97, %max3A_99 : vector<864x64xf32>
    %sub3A_101 = vector.broadcast %custom_jvp_call3A_98 : f32 to vector<864x64xf32>
    %sub3A_102 = arith.subf %reshape3A_97, %sub3A_101 : vector<864x64xf32>
    %ne3A_103 = arith.cmpf one, %sub3A_102, %sub3A_102 : vector<864x64xf32>
    %add3A_104 = vector.broadcast %custom_jvp_call3A_98 : f32 to vector<864x64xf32>
    %add3A_105 = arith.addf %reshape3A_97, %add3A_104 : vector<864x64xf32>
    %abs3A_106 = math.absf %sub3A_102 : vector<864x64xf32>
    %neg3A_107 = arith.constant 0.000000e+00 : f32
    %neg3A_108 = vector.broadcast %neg3A_107 : f32 to vector<864x64xf32>
    %neg3A_109 = arith.subf %neg3A_108, %abs3A_106 : vector<864x64xf32>
    %exp3A_110 = math.exp %neg3A_109 : vector<864x64xf32>
    %log1p3A_111 = math.log1p %exp3A_110 : vector<864x64xf32>
    %add3A_112 = arith.addf %max3A_100, %log1p3A_111 : vector<864x64xf32>
    %select_n3A_113 = arith.select %ne3A_103, %add3A_105, %add3A_112 : vector<864x64xi1>, vector<864x64xf32>
    %get3A_114 = arith.constant 0 : index
    %get3A_115 = arith.constant 0 : index
    %get3A_116 = arith.constant 1 : index
    %get3A_117 = arith.constant 0 : index
    %get3A_118 = arith.constant 0 : index
    %get3A_119 = arith.constant 0 : index
    %get3A_120 = arith.constant 0 : index
    %get3A_121 = arith.constant 0 : index
    %get3A_122 = vector.load %arg5[%get3A_114, %get3A_115, %get3A_116, %get3A_117, %get3A_118, %get3A_119, %get3A_120, %get3A_121] : memref<1x1x7x3x3x3x32x64xf32, #tpu.memory_space<vmem>>, vector<1x1x1x3x3x3x32x64xf32>
    %get3A_123 = vector.shape_cast %get3A_122 : vector<1x1x1x3x3x3x32x64xf32> to vector<3x3x3x32x64xf32>
    %reshape3A_124 = vector.shape_cast %get3A_123 : vector<3x3x3x32x64xf32> to vector<864x64xf32>
    %mul3A_125 = arith.mulf %select_n3A_113, %reshape3A_124 : vector<864x64xf32>
    %dot_general3A_126 = arith.constant dense<0.000000e+00> : vector<8x64xf32>
    %dot_general3A_127 = tpu.matmul %get3A_71, %reshape3A_86, %dot_general3A_126 {dimension_numbers = #tpu.dot_dimension_numbers<[1], [0], [0], [1], [0, 0, 1, 1], [], []>, transpose_lhs_hint = false} : vector<8x864xf32>, vector<864x64xf32>, vector<8x64xf32> -> vector<8x64xf32>
    %dot_general3A_128 = arith.constant dense<0.000000e+00> : vector<8x64xf32>
    %dot_general3A_129 = tpu.matmul %mul3A_75, %mul3A_125, %dot_general3A_128 {dimension_numbers = #tpu.dot_dimension_numbers<[1], [0], [0], [1], [0, 0, 1, 1], [], []>, transpose_lhs_hint = false} : vector<8x864xf32>, vector<864x64xf32>, vector<8x64xf32> -> vector<8x64xf32>
    %get3A_130 = arith.constant 0 : index
    %get3A_131 = arith.constant 0 : index
    %get3A_132 = arith.constant 1 : index
    %get3A_133 = arith.constant 0 : index
    %get3A_134 = vector.load %arg6[%get3A_130, %get3A_131, %get3A_132, %get3A_133] : memref<1x1x7x64xf32, #tpu.memory_space<vmem>>, vector<1x1x1x64xf32>
    %get3A_135 = vector.shape_cast %get3A_134 : vector<1x1x1x64xf32> to vector<64xf32>
    %broadcast_in_dim3A_136 = vector.shape_cast %get3A_135 : vector<64xf32> to vector<1x64xf32>
    %add3A_137 = vector.broadcast %broadcast_in_dim3A_136 : vector<1x64xf32> to vector<8x64xf32>
    %add3A_138 = arith.addf %dot_general3A_127, %add3A_137 : vector<8x64xf32>
    %get3A_139 = arith.constant 0 : index
    %get3A_140 = arith.constant 0 : index
    %get3A_141 = arith.constant 0 : index
    %get3A_142 = arith.constant 1 : index
    %get3A_143 = arith.constant 0 : index
    %get3A_144 = vector.load %arg7[%get3A_139, %get3A_140, %get3A_141, %get3A_142, %get3A_143] : memref<8x1x1x7x64xf32, #tpu.memory_space<vmem>>, vector<8x1x1x1x64xf32>
    %get3A_145 = vector.shape_cast %get3A_144 : vector<8x1x1x1x64xf32> to vector<8x64xf32>
    %mul3A_146 = arith.mulf %dot_general3A_129, %get3A_145 : vector<8x64xf32>
    %add3A_147 = arith.addf %add3A_138, %mul3A_146 : vector<8x64xf32>
    %swap3A_148 = arith.constant 1 : index
    %swap3A_149 = arith.constant 0 : index
    %swap3A_150 = arith.constant 0 : index
    %swap3A_151 = vector.load %arg8[%swap3A_148, %swap3A_149, %swap3A_150] : memref<7x8x64xf32, #tpu.memory_space<vmem>>, vector<1x8x64xf32>
    %swap3A_152 = vector.shape_cast %swap3A_151 : vector<1x8x64xf32> to vector<8x64xf32>
    %swap3A_153 = vector.shape_cast %add3A_147 : vector<8x64xf32> to vector<1x8x64xf32>
    tpu.vector_store %arg8[%swap3A_148, %swap3A_149, %swap3A_150], %swap3A_153 {strides = array<i32>} : memref<7x8x64xf32, #tpu.memory_space<vmem>>, vector<1x8x64xf32>,
    %get3A_154 = arith.constant 16 : index
    %get3A_155 = arith.constant 0 : index
    %get3A_156 = vector.load %arg1[%get3A_154, %get3A_155] : memref<56x864xf32, #tpu.memory_space<vmem>>, vector<8x864xf32>
    %get3A_157 = arith.constant 16 : index
    %get3A_158 = arith.constant 0 : index
    %get3A_159 = vector.load %arg2[%get3A_157, %get3A_158] : memref<56x864xf32, #tpu.memory_space<vmem>>, vector<8x864xf32>
    %mul3A_160 = arith.mulf %get3A_156, %get3A_159 : vector<8x864xf32>
    %get3A_161 = arith.constant 0 : index
    %get3A_162 = arith.constant 0 : index
    %get3A_163 = arith.constant 2 : index
    %get3A_164 = arith.constant 0 : index
    %get3A_165 = arith.constant 0 : index
    %get3A_166 = arith.constant 0 : index
    %get3A_167 = arith.constant 0 : index
    %get3A_168 = arith.constant 0 : index
    %get3A_169 = vector.load %arg3[%get3A_161, %get3A_162, %get3A_163, %get3A_164, %get3A_165, %get3A_166, %get3A_167, %get3A_168] : memref<1x1x7x3x3x3x32x64xf32, #tpu.memory_space<vmem>>, vector<1x1x1x3x3x3x32x64xf32>
    %get3A_170 = vector.shape_cast %get3A_169 : vector<1x1x1x3x3x3x32x64xf32> to vector<3x3x3x32x64xf32>
    %reshape3A_171 = vector.shape_cast %get3A_170 : vector<3x3x3x32x64xf32> to vector<864x64xf32>
    %get3A_172 = arith.constant 0 : index
    %get3A_173 = arith.constant 0 : index
    %get3A_174 = arith.constant 2 : index
    %get3A_175 = arith.constant 0 : index
    %get3A_176 = arith.constant 0 : index
    %get3A_177 = arith.constant 0 : index
    %get3A_178 = arith.constant 0 : index
    %get3A_179 = arith.constant 0 : index
    %get3A_180 = vector.load %arg4[%get3A_172, %get3A_173, %get3A_174, %get3A_175, %get3A_176, %get3A_177, %get3A_178, %get3A_179] : memref<1x1x7x3x3x3x32x64xf32, #tpu.memory_space<vmem>>, vector<1x1x1x3x3x3x32x64xf32>
    %get3A_181 = vector.shape_cast %get3A_180 : vector<1x1x1x3x3x3x32x64xf32> to vector<3x3x3x32x64xf32>
    %reshape3A_182 = vector.shape_cast %get3A_181 : vector<3x3x3x32x64xf32> to vector<864x64xf32>
    %custom_jvp_call3A_183 = arith.constant 0.000000e+00 : f32
    %max3A_184 = vector.broadcast %custom_jvp_call3A_183 : f32 to vector<864x64xf32>
    %max3A_185 = arith.maximumf %reshape3A_182, %max3A_184 : vector<864x64xf32>
    %sub3A_186 = vector.broadcast %custom_jvp_call3A_183 : f32 to vector<864x64xf32>
    %sub3A_187 = arith.subf %reshape3A_182, %sub3A_186 : vector<864x64xf32>
    %ne3A_188 = arith.cmpf one, %sub3A_187, %sub3A_187 : vector<864x64xf32>
    %add3A_189 = vector.broadcast %custom_jvp_call3A_183 : f32 to vector<864x64xf32>
    %add3A_190 = arith.addf %reshape3A_182, %add3A_189 : vector<864x64xf32>
    %abs3A_191 = math.absf %sub3A_187 : vector<864x64xf32>
    %neg3A_192 = arith.constant 0.000000e+00 : f32
    %neg3A_193 = vector.broadcast %neg3A_192 : f32 to vector<864x64xf32>
    %neg3A_194 = arith.subf %neg3A_193, %abs3A_191 : vector<864x64xf32>
    %exp3A_195 = math.exp %neg3A_194 : vector<864x64xf32>
    %log1p3A_196 = math.log1p %exp3A_195 : vector<864x64xf32>
    %add3A_197 = arith.addf %max3A_185, %log1p3A_196 : vector<864x64xf32>
    %select_n3A_198 = arith.select %ne3A_188, %add3A_190, %add3A_197 : vector<864x64xi1>, vector<864x64xf32>
    %get3A_199 = arith.constant 0 : index
    %get3A_200 = arith.constant 0 : index
    %get3A_201 = arith.constant 2 : index
    %get3A_202 = arith.constant 0 : index
    %get3A_203 = arith.constant 0 : index
    %get3A_204 = arith.constant 0 : index
    %get3A_205 = arith.constant 0 : index
    %get3A_206 = arith.constant 0 : index
    %get3A_207 = vector.load %arg5[%get3A_199, %get3A_200, %get3A_201, %get3A_202, %get3A_203, %get3A_204, %get3A_205, %get3A_206] : memref<1x1x7x3x3x3x32x64xf32, #tpu.memory_space<vmem>>, vector<1x1x1x3x3x3x32x64xf32>
    %get3A_208 = vector.shape_cast %get3A_207 : vector<1x1x1x3x3x3x32x64xf32> to vector<3x3x3x32x64xf32>
    %reshape3A_209 = vector.shape_cast %get3A_208 : vector<3x3x3x32x64xf32> to vector<864x64xf32>
    %mul3A_210 = arith.mulf %select_n3A_198, %reshape3A_209 : vector<864x64xf32>
    %dot_general3A_211 = arith.constant dense<0.000000e+00> : vector<8x64xf32>
    %dot_general3A_212 = tpu.matmul %get3A_156, %reshape3A_171, %dot_general3A_211 {dimension_numbers = #tpu.dot_dimension_numbers<[1], [0], [0], [1], [0, 0, 1, 1], [], []>, transpose_lhs_hint = false} : vector<8x864xf32>, vector<864x64xf32>, vector<8x64xf32> -> vector<8x64xf32>
    %dot_general3A_213 = arith.constant dense<0.000000e+00> : vector<8x64xf32>
    %dot_general3A_214 = tpu.matmul %mul3A_160, %mul3A_210, %dot_general3A_213 {dimension_numbers = #tpu.dot_dimension_numbers<[1], [0], [0], [1], [0, 0, 1, 1], [], []>, transpose_lhs_hint = false} : vector<8x864xf32>, vector<864x64xf32>, vector<8x64xf32> -> vector<8x64xf32>
    %get3A_215 = arith.constant 0 : index
    %get3A_216 = arith.constant 0 : index
    %get3A_217 = arith.constant 2 : index
    %get3A_218 = arith.constant 0 : index
    %get3A_219 = vector.load %arg6[%get3A_215, %get3A_216, %get3A_217, %get3A_218] : memref<1x1x7x64xf32, #tpu.memory_space<vmem>>, vector<1x1x1x64xf32>
    %get3A_220 = vector.shape_cast %get3A_219 : vector<1x1x1x64xf32> to vector<64xf32>
    %broadcast_in_dim3A_221 = vector.shape_cast %get3A_220 : vector<64xf32> to vector<1x64xf32>
    %add3A_222 = vector.broadcast %broadcast_in_dim3A_221 : vector<1x64xf32> to vector<8x64xf32>
    %add3A_223 = arith.addf %dot_general3A_212, %add3A_222 : vector<8x64xf32>
    %get3A_224 = arith.constant 0 : index
    %get3A_225 = arith.constant 0 : index
    %get3A_226 = arith.constant 0 : index
    %get3A_227 = arith.constant 2 : index
    %get3A_228 = arith.constant 0 : index
    %get3A_229 = vector.load %arg7[%get3A_224, %get3A_225, %get3A_226, %get3A_227, %get3A_228] : memref<8x1x1x7x64xf32, #tpu.memory_space<vmem>>, vector<8x1x1x1x64xf32>
    %get3A_230 = vector.shape_cast %get3A_229 : vector<8x1x1x1x64xf32> to vector<8x64xf32>
    %mul3A_231 = arith.mulf %dot_general3A_214, %get3A_230 : vector<8x64xf32>
    %add3A_232 = arith.addf %add3A_223, %mul3A_231 : vector<8x64xf32>
    %swap3A_233 = arith.constant 2 : index
    %swap3A_234 = arith.constant 0 : index
    %swap3A_235 = arith.constant 0 : index
    %swap3A_236 = vector.load %arg8[%swap3A_233, %swap3A_234, %swap3A_235] : memref<7x8x64xf32, #tpu.memory_space<vmem>>, vector<1x8x64xf32>
    %swap3A_237 = vector.shape_cast %swap3A_236 : vector<1x8x64xf32> to vector<8x64xf32>
    %swap3A_238 = vector.shape_cast %add3A_232 : vector<8x64xf32> to vector<1x8x64xf32>
    tpu.vector_store %arg8[%swap3A_233, %swap3A_234, %swap3A_235], %swap3A_238 {strides = array<i32>} : memref<7x8x64xf32, #tpu.memory_space<vmem>>, vector<1x8x64xf32>,
    %get3A_239 = arith.constant 24 : index
    %get3A_240 = arith.constant 0 : index
    %get3A_241 = vector.load %arg1[%get3A_239, %get3A_240] : memref<56x864xf32, #tpu.memory_space<vmem>>, vector<8x864xf32>
    %get3A_242 = arith.constant 24 : index
    %get3A_243 = arith.constant 0 : index
    %get3A_244 = vector.load %arg2[%get3A_242, %get3A_243] : memref<56x864xf32, #tpu.memory_space<vmem>>, vector<8x864xf32>
    %mul3A_245 = arith.mulf %get3A_241, %get3A_244 : vector<8x864xf32>
    %get3A_246 = arith.constant 0 : index
    %get3A_247 = arith.constant 0 : index
    %get3A_248 = arith.constant 3 : index
    %get3A_249 = arith.constant 0 : index
    %get3A_250 = arith.constant 0 : index
    %get3A_251 = arith.constant 0 : index
    %get3A_252 = arith.constant 0 : index
    %get3A_253 = arith.constant 0 : index
    %get3A_254 = vector.load %arg3[%get3A_246, %get3A_247, %get3A_248, %get3A_249, %get3A_250, %get3A_251, %get3A_252, %get3A_253] : memref<1x1x7x3x3x3x32x64xf32, #tpu.memory_space<vmem>>, vector<1x1x1x3x3x3x32x64xf32>
    %get3A_255 = vector.shape_cast %get3A_254 : vector<1x1x1x3x3x3x32x64xf32> to vector<3x3x3x32x64xf32>
    %reshape3A_256 = vector.shape_cast %get3A_255 : vector<3x3x3x32x64xf32> to vector<864x64xf32>
    %get3A_257 = arith.constant 0 : index
    %get3A_258 = arith.constant 0 : index
    %get3A_259 = arith.constant 3 : index
    %get3A_260 = arith.constant 0 : index
    %get3A_261 = arith.constant 0 : index
    %get3A_262 = arith.constant 0 : index
    %get3A_263 = arith.constant 0 : index
    %get3A_264 = arith.constant 0 : index
    %get3A_265 = vector.load %arg4[%get3A_257, %get3A_258, %get3A_259, %get3A_260, %get3A_261, %get3A_262, %get3A_263, %get3A_264] : memref<1x1x7x3x3x3x32x64xf32, #tpu.memory_space<vmem>>, vector<1x1x1x3x3x3x32x64xf32>
    %get3A_266 = vector.shape_cast %get3A_265 : vector<1x1x1x3x3x3x32x64xf32> to vector<3x3x3x32x64xf32>
    %reshape3A_267 = vector.shape_cast %get3A_266 : vector<3x3x3x32x64xf32> to vector<864x64xf32>
    %custom_jvp_call3A_268 = arith.constant 0.000000e+00 : f32
    %max3A_269 = vector.broadcast %custom_jvp_call3A_268 : f32 to vector<864x64xf32>
    %max3A_270 = arith.maximumf %reshape3A_267, %max3A_269 : vector<864x64xf32>
    %sub3A_271 = vector.broadcast %custom_jvp_call3A_268 : f32 to vector<864x64xf32>
    %sub3A_272 = arith.subf %reshape3A_267, %sub3A_271 : vector<864x64xf32>
    %ne3A_273 = arith.cmpf one, %sub3A_272, %sub3A_272 : vector<864x64xf32>
    %add3A_274 = vector.broadcast %custom_jvp_call3A_268 : f32 to vector<864x64xf32>
    %add3A_275 = arith.addf %reshape3A_267, %add3A_274 : vector<864x64xf32>
    %abs3A_276 = math.absf %sub3A_272 : vector<864x64xf32>
    %neg3A_277 = arith.constant 0.000000e+00 : f32
    %neg3A_278 = vector.broadcast %neg3A_277 : f32 to vector<864x64xf32>
    %neg3A_279 = arith.subf %neg3A_278, %abs3A_276 : vector<864x64xf32>
    %exp3A_280 = math.exp %neg3A_279 : vector<864x64xf32>
    %log1p3A_281 = math.log1p %exp3A_280 : vector<864x64xf32>
    %add3A_282 = arith.addf %max3A_270, %log1p3A_281 : vector<864x64xf32>
    %select_n3A_283 = arith.select %ne3A_273, %add3A_275, %add3A_282 : vector<864x64xi1>, vector<864x64xf32>
    %get3A_284 = arith.constant 0 : index
    %get3A_285 = arith.constant 0 : index
    %get3A_286 = arith.constant 3 : index
    %get3A_287 = arith.constant 0 : index
    %get3A_288 = arith.constant 0 : index
    %get3A_289 = arith.constant 0 : index
    %get3A_290 = arith.constant 0 : index
    %get3A_291 = arith.constant 0 : index
    %get3A_292 = vector.load %arg5[%get3A_284, %get3A_285, %get3A_286, %get3A_287, %get3A_288, %get3A_289, %get3A_290, %get3A_291] : memref<1x1x7x3x3x3x32x64xf32, #tpu.memory_space<vmem>>, vector<1x1x1x3x3x3x32x64xf32>
    %get3A_293 = vector.shape_cast %get3A_292 : vector<1x1x1x3x3x3x32x64xf32> to vector<3x3x3x32x64xf32>
    %reshape3A_294 = vector.shape_cast %get3A_293 : vector<3x3x3x32x64xf32> to vector<864x64xf32>
    %mul3A_295 = arith.mulf %select_n3A_283, %reshape3A_294 : vector<864x64xf32>
    %dot_general3A_296 = arith.constant dense<0.000000e+00> : vector<8x64xf32>
    %dot_general3A_297 = tpu.matmul %get3A_241, %reshape3A_256, %dot_general3A_296 {dimension_numbers = #tpu.dot_dimension_numbers<[1], [0], [0], [1], [0, 0, 1, 1], [], []>, transpose_lhs_hint = false} : vector<8x864xf32>, vector<864x64xf32>, vector<8x64xf32> -> vector<8x64xf32>
    %dot_general3A_298 = arith.constant dense<0.000000e+00> : vector<8x64xf32>
    %dot_general3A_299 = tpu.matmul %mul3A_245, %mul3A_295, %dot_general3A_298 {dimension_numbers = #tpu.dot_dimension_numbers<[1], [0], [0], [1], [0, 0, 1, 1], [], []>, transpose_lhs_hint = false} : vector<8x864xf32>, vector<864x64xf32>, vector<8x64xf32> -> vector<8x64xf32>
    %get3A_300 = arith.constant 0 : index
    %get3A_301 = arith.constant 0 : index
    %get3A_302 = arith.constant 3 : index
    %get3A_303 = arith.constant 0 : index
    %get3A_304 = vector.load %arg6[%get3A_300, %get3A_301, %get3A_302, %get3A_303] : memref<1x1x7x64xf32, #tpu.memory_space<vmem>>, vector<1x1x1x64xf32>
    %get3A_305 = vector.shape_cast %get3A_304 : vector<1x1x1x64xf32> to vector<64xf32>
    %broadcast_in_dim3A_306 = vector.shape_cast %get3A_305 : vector<64xf32> to vector<1x64xf32>
    %add3A_307 = vector.broadcast %broadcast_in_dim3A_306 : vector<1x64xf32> to vector<8x64xf32>
    %add3A_308 = arith.addf %dot_general3A_297, %add3A_307 : vector<8x64xf32>
    %get3A_309 = arith.constant 0 : index
    %get3A_310 = arith.constant 0 : index
    %get3A_311 = arith.constant 0 : index
    %get3A_312 = arith.constant 3 : index
    %get3A_313 = arith.constant 0 : index
    %get3A_314 = vector.load %arg7[%get3A_309, %get3A_310, %get3A_311, %get3A_312, %get3A_313] : memref<8x1x1x7x64xf32, #tpu.memory_space<vmem>>, vector<8x1x1x1x64xf32>
    %get3A_315 = vector.shape_cast %get3A_314 : vector<8x1x1x1x64xf32> to vector<8x64xf32>
    %mul3A_316 = arith.mulf %dot_general3A_299, %get3A_315 : vector<8x64xf32>
    %add3A_317 = arith.addf %add3A_308, %mul3A_316 : vector<8x64xf32>
    %swap3A_318 = arith.constant 3 : index
    %swap3A_319 = arith.constant 0 : index
    %swap3A_320 = arith.constant 0 : index
    %swap3A_321 = vector.load %arg8[%swap3A_318, %swap3A_319, %swap3A_320] : memref<7x8x64xf32, #tpu.memory_space<vmem>>, vector<1x8x64xf32>
    %swap3A_322 = vector.shape_cast %swap3A_321 : vector<1x8x64xf32> to vector<8x64xf32>
    %swap3A_323 = vector.shape_cast %add3A_317 : vector<8x64xf32> to vector<1x8x64xf32>
    tpu.vector_store %arg8[%swap3A_318, %swap3A_319, %swap3A_320], %swap3A_323 {strides = array<i32>} : memref<7x8x64xf32, #tpu.memory_space<vmem>>, vector<1x8x64xf32>,
    %get3A_324 = arith.constant 32 : index
    %get3A_325 = arith.constant 0 : index
    %get3A_326 = vector.load %arg1[%get3A_324, %get3A_325] : memref<56x864xf32, #tpu.memory_space<vmem>>, vector<8x864xf32>
    %get3A_327 = arith.constant 32 : index
    %get3A_328 = arith.constant 0 : index
    %get3A_329 = vector.load %arg2[%get3A_327, %get3A_328] : memref<56x864xf32, #tpu.memory_space<vmem>>, vector<8x864xf32>
    %mul3A_330 = arith.mulf %get3A_326, %get3A_329 : vector<8x864xf32>
    %get3A_331 = arith.constant 0 : index
    %get3A_332 = arith.constant 0 : index
    %get3A_333 = arith.constant 4 : index
    %get3A_334 = arith.constant 0 : index
    %get3A_335 = arith.constant 0 : index
    %get3A_336 = arith.constant 0 : index
    %get3A_337 = arith.constant 0 : index
    %get3A_338 = arith.constant 0 : index
    %get3A_339 = vector.load %arg3[%get3A_331, %get3A_332, %get3A_333, %get3A_334, %get3A_335, %get3A_336, %get3A_337, %get3A_338] : memref<1x1x7x3x3x3x32x64xf32, #tpu.memory_space<vmem>>, vector<1x1x1x3x3x3x32x64xf32>
    %get3A_340 = vector.shape_cast %get3A_339 : vector<1x1x1x3x3x3x32x64xf32> to vector<3x3x3x32x64xf32>
    %reshape3A_341 = vector.shape_cast %get3A_340 : vector<3x3x3x32x64xf32> to vector<864x64xf32>
    %get3A_342 = arith.constant 0 : index
    %get3A_343 = arith.constant 0 : index
    %get3A_344 = arith.constant 4 : index
    %get3A_345 = arith.constant 0 : index
    %get3A_346 = arith.constant 0 : index
    %get3A_347 = arith.constant 0 : index
    %get3A_348 = arith.constant 0 : index
    %get3A_349 = arith.constant 0 : index
    %get3A_350 = vector.load %arg4[%get3A_342, %get3A_343, %get3A_344, %get3A_345, %get3A_346, %get3A_347, %get3A_348, %get3A_349] : memref<1x1x7x3x3x3x32x64xf32, #tpu.memory_space<vmem>>, vector<1x1x1x3x3x3x32x64xf32>
    %get3A_351 = vector.shape_cast %get3A_350 : vector<1x1x1x3x3x3x32x64xf32> to vector<3x3x3x32x64xf32>
    %reshape3A_352 = vector.shape_cast %get3A_351 : vector<3x3x3x32x64xf32> to vector<864x64xf32>
    %custom_jvp_call3A_353 = arith.constant 0.000000e+00 : f32
    %max3A_354 = vector.broadcast %custom_jvp_call3A_353 : f32 to vector<864x64xf32>
    %max3A_355 = arith.maximumf %reshape3A_352, %max3A_354 : vector<864x64xf32>
    %sub3A_356 = vector.broadcast %custom_jvp_call3A_353 : f32 to vector<864x64xf32>
    %sub3A_357 = arith.subf %reshape3A_352, %sub3A_356 : vector<864x64xf32>
    %ne3A_358 = arith.cmpf one, %sub3A_357, %sub3A_357 : vector<864x64xf32>
    %add3A_359 = vector.broadcast %custom_jvp_call3A_353 : f32 to vector<864x64xf32>
    %add3A_360 = arith.addf %reshape3A_352, %add3A_359 : vector<864x64xf32>
    %abs3A_361 = math.absf %sub3A_357 : vector<864x64xf32>
    %neg3A_362 = arith.constant 0.000000e+00 : f32
    %neg3A_363 = vector.broadcast %neg3A_362 : f32 to vector<864x64xf32>
    %neg3A_364 = arith.subf %neg3A_363, %abs3A_361 : vector<864x64xf32>
    %exp3A_365 = math.exp %neg3A_364 : vector<864x64xf32>
    %log1p3A_366 = math.log1p %exp3A_365 : vector<864x64xf32>
    %add3A_367 = arith.addf %max3A_355, %log1p3A_366 : vector<864x64xf32>
    %select_n3A_368 = arith.select %ne3A_358, %add3A_360, %add3A_367 : vector<864x64xi1>, vector<864x64xf32>
    %get3A_369 = arith.constant 0 : index
    %get3A_370 = arith.constant 0 : index
    %get3A_371 = arith.constant 4 : index
    %get3A_372 = arith.constant 0 : index
    %get3A_373 = arith.constant 0 : index
    %get3A_374 = arith.constant 0 : index
    %get3A_375 = arith.constant 0 : index
    %get3A_376 = arith.constant 0 : index
    %get3A_377 = vector.load %arg5[%get3A_369, %get3A_370, %get3A_371, %get3A_372, %get3A_373, %get3A_374, %get3A_375, %get3A_376] : memref<1x1x7x3x3x3x32x64xf32, #tpu.memory_space<vmem>>, vector<1x1x1x3x3x3x32x64xf32>
    %get3A_378 = vector.shape_cast %get3A_377 : vector<1x1x1x3x3x3x32x64xf32> to vector<3x3x3x32x64xf32>
    %reshape3A_379 = vector.shape_cast %get3A_378 : vector<3x3x3x32x64xf32> to vector<864x64xf32>
    %mul3A_380 = arith.mulf %select_n3A_368, %reshape3A_379 : vector<864x64xf32>
    %dot_general3A_381 = arith.constant dense<0.000000e+00> : vector<8x64xf32>
    %dot_general3A_382 = tpu.matmul %get3A_326, %reshape3A_341, %dot_general3A_381 {dimension_numbers = #tpu.dot_dimension_numbers<[1], [0], [0], [1], [0, 0, 1, 1], [], []>, transpose_lhs_hint = false} : vector<8x864xf32>, vector<864x64xf32>, vector<8x64xf32> -> vector<8x64xf32>
    %dot_general3A_383 = arith.constant dense<0.000000e+00> : vector<8x64xf32>
    %dot_general3A_384 = tpu.matmul %mul3A_330, %mul3A_380, %dot_general3A_383 {dimension_numbers = #tpu.dot_dimension_numbers<[1], [0], [0], [1], [0, 0, 1, 1], [], []>, transpose_lhs_hint = false} : vector<8x864xf32>, vector<864x64xf32>, vector<8x64xf32> -> vector<8x64xf32>
    %get3A_385 = arith.constant 0 : index
    %get3A_386 = arith.constant 0 : index
    %get3A_387 = arith.constant 4 : index
    %get3A_388 = arith.constant 0 : index
    %get3A_389 = vector.load %arg6[%get3A_385, %get3A_386, %get3A_387, %get3A_388] : memref<1x1x7x64xf32, #tpu.memory_space<vmem>>, vector<1x1x1x64xf32>
    %get3A_390 = vector.shape_cast %get3A_389 : vector<1x1x1x64xf32> to vector<64xf32>
    %broadcast_in_dim3A_391 = vector.shape_cast %get3A_390 : vector<64xf32> to vector<1x64xf32>
    %add3A_392 = vector.broadcast %broadcast_in_dim3A_391 : vector<1x64xf32> to vector<8x64xf32>
    %add3A_393 = arith.addf %dot_general3A_382, %add3A_392 : vector<8x64xf32>
    %get3A_394 = arith.constant 0 : index
    %get3A_395 = arith.constant 0 : index
    %get3A_396 = arith.constant 0 : index
    %get3A_397 = arith.constant 4 : index
    %get3A_398 = arith.constant 0 : index
    %get3A_399 = vector.load %arg7[%get3A_394, %get3A_395, %get3A_396, %get3A_397, %get3A_398] : memref<8x1x1x7x64xf32, #tpu.memory_space<vmem>>, vector<8x1x1x1x64xf32>
    %get3A_400 = vector.shape_cast %get3A_399 : vector<8x1x1x1x64xf32> to vector<8x64xf32>
    %mul3A_401 = arith.mulf %dot_general3A_384, %get3A_400 : vector<8x64xf32>
    %add3A_402 = arith.addf %add3A_393, %mul3A_401 : vector<8x64xf32>
    %swap3A_403 = arith.constant 4 : index
    %swap3A_404 = arith.constant 0 : index
    %swap3A_405 = arith.constant 0 : index
    %swap3A_406 = vector.load %arg8[%swap3A_403, %swap3A_404, %swap3A_405] : memref<7x8x64xf32, #tpu.memory_space<vmem>>, vector<1x8x64xf32>
    %swap3A_407 = vector.shape_cast %swap3A_406 : vector<1x8x64xf32> to vector<8x64xf32>
    %swap3A_408 = vector.shape_cast %add3A_402 : vector<8x64xf32> to vector<1x8x64xf32>
    tpu.vector_store %arg8[%swap3A_403, %swap3A_404, %swap3A_405], %swap3A_408 {strides = array<i32>} : memref<7x8x64xf32, #tpu.memory_space<vmem>>, vector<1x8x64xf32>,
    %get3A_409 = arith.constant 40 : index
    %get3A_410 = arith.constant 0 : index
    %get3A_411 = vector.load %arg1[%get3A_409, %get3A_410] : memref<56x864xf32, #tpu.memory_space<vmem>>, vector<8x864xf32>
    %get3A_412 = arith.constant 40 : index
    %get3A_413 = arith.constant 0 : index
    %get3A_414 = vector.load %arg2[%get3A_412, %get3A_413] : memref<56x864xf32, #tpu.memory_space<vmem>>, vector<8x864xf32>
    %mul3A_415 = arith.mulf %get3A_411, %get3A_414 : vector<8x864xf32>
    %get3A_416 = arith.constant 0 : index
    %get3A_417 = arith.constant 0 : index
    %get3A_418 = arith.constant 5 : index
    %get3A_419 = arith.constant 0 : index
    %get3A_420 = arith.constant 0 : index
    %get3A_421 = arith.constant 0 : index
    %get3A_422 = arith.constant 0 : index
    %get3A_423 = arith.constant 0 : index
    %get3A_424 = vector.load %arg3[%get3A_416, %get3A_417, %get3A_418, %get3A_419, %get3A_420, %get3A_421, %get3A_422, %get3A_423] : memref<1x1x7x3x3x3x32x64xf32, #tpu.memory_space<vmem>>, vector<1x1x1x3x3x3x32x64xf32>
    %get3A_425 = vector.shape_cast %get3A_424 : vector<1x1x1x3x3x3x32x64xf32> to vector<3x3x3x32x64xf32>
    %reshape3A_426 = vector.shape_cast %get3A_425 : vector<3x3x3x32x64xf32> to vector<864x64xf32>
    %get3A_427 = arith.constant 0 : index
    %get3A_428 = arith.constant 0 : index
    %get3A_429 = arith.constant 5 : index
    %get3A_430 = arith.constant 0 : index
    %get3A_431 = arith.constant 0 : index
    %get3A_432 = arith.constant 0 : index
    %get3A_433 = arith.constant 0 : index
    %get3A_434 = arith.constant 0 : index
    %get3A_435 = vector.load %arg4[%get3A_427, %get3A_428, %get3A_429, %get3A_430, %get3A_431, %get3A_432, %get3A_433, %get3A_434] : memref<1x1x7x3x3x3x32x64xf32, #tpu.memory_space<vmem>>, vector<1x1x1x3x3x3x32x64xf32>
    %get3A_436 = vector.shape_cast %get3A_435 : vector<1x1x1x3x3x3x32x64xf32> to vector<3x3x3x32x64xf32>
    %reshape3A_437 = vector.shape_cast %get3A_436 : vector<3x3x3x32x64xf32> to vector<864x64xf32>
    %custom_jvp_call3A_438 = arith.constant 0.000000e+00 : f32
    %max3A_439 = vector.broadcast %custom_jvp_call3A_438 : f32 to vector<864x64xf32>
    %max3A_440 = arith.maximumf %reshape3A_437, %max3A_439 : vector<864x64xf32>
    %sub3A_441 = vector.broadcast %custom_jvp_call3A_438 : f32 to vector<864x64xf32>
    %sub3A_442 = arith.subf %reshape3A_437, %sub3A_441 : vector<864x64xf32>
    %ne3A_443 = arith.cmpf one, %sub3A_442, %sub3A_442 : vector<864x64xf32>
    %add3A_444 = vector.broadcast %custom_jvp_call3A_438 : f32 to vector<864x64xf32>
    %add3A_445 = arith.addf %reshape3A_437, %add3A_444 : vector<864x64xf32>
    %abs3A_446 = math.absf %sub3A_442 : vector<864x64xf32>
    %neg3A_447 = arith.constant 0.000000e+00 : f32
    %neg3A_448 = vector.broadcast %neg3A_447 : f32 to vector<864x64xf32>
    %neg3A_449 = arith.subf %neg3A_448, %abs3A_446 : vector<864x64xf32>
    %exp3A_450 = math.exp %neg3A_449 : vector<864x64xf32>
    %log1p3A_451 = math.log1p %exp3A_450 : vector<864x64xf32>
    %add3A_452 = arith.addf %max3A_440, %log1p3A_451 : vector<864x64xf32>
    %select_n3A_453 = arith.select %ne3A_443, %add3A_445, %add3A_452 : vector<864x64xi1>, vector<864x64xf32>
    %get3A_454 = arith.constant 0 : index
    %get3A_455 = arith.constant 0 : index
    %get3A_456 = arith.constant 5 : index
    %get3A_457 = arith.constant 0 : index
    %get3A_458 = arith.constant 0 : index
    %get3A_459 = arith.constant 0 : index
    %get3A_460 = arith.constant 0 : index
    %get3A_461 = arith.constant 0 : index
    %get3A_462 = vector.load %arg5[%get3A_454, %get3A_455, %get3A_456, %get3A_457, %get3A_458, %get3A_459, %get3A_460, %get3A_461] : memref<1x1x7x3x3x3x32x64xf32, #tpu.memory_space<vmem>>, vector<1x1x1x3x3x3x32x64xf32>
    %get3A_463 = vector.shape_cast %get3A_462 : vector<1x1x1x3x3x3x32x64xf32> to vector<3x3x3x32x64xf32>
    %reshape3A_464 = vector.shape_cast %get3A_463 : vector<3x3x3x32x64xf32> to vector<864x64xf32>
    %mul3A_465 = arith.mulf %select_n3A_453, %reshape3A_464 : vector<864x64xf32>
    %dot_general3A_466 = arith.constant dense<0.000000e+00> : vector<8x64xf32>
    %dot_general3A_467 = tpu.matmul %get3A_411, %reshape3A_426, %dot_general3A_466 {dimension_numbers = #tpu.dot_dimension_numbers<[1], [0], [0], [1], [0, 0, 1, 1], [], []>, transpose_lhs_hint = false} : vector<8x864xf32>, vector<864x64xf32>, vector<8x64xf32> -> vector<8x64xf32>
    %dot_general3A_468 = arith.constant dense<0.000000e+00> : vector<8x64xf32>
    %dot_general3A_469 = tpu.matmul %mul3A_415, %mul3A_465, %dot_general3A_468 {dimension_numbers = #tpu.dot_dimension_numbers<[1], [0], [0], [1], [0, 0, 1, 1], [], []>, transpose_lhs_hint = false} : vector<8x864xf32>, vector<864x64xf32>, vector<8x64xf32> -> vector<8x64xf32>
    %get3A_470 = arith.constant 0 : index
    %get3A_471 = arith.constant 0 : index
    %get3A_472 = arith.constant 5 : index
    %get3A_473 = arith.constant 0 : index
    %get3A_474 = vector.load %arg6[%get3A_470, %get3A_471, %get3A_472, %get3A_473] : memref<1x1x7x64xf32, #tpu.memory_space<vmem>>, vector<1x1x1x64xf32>
    %get3A_475 = vector.shape_cast %get3A_474 : vector<1x1x1x64xf32> to vector<64xf32>
    %broadcast_in_dim3A_476 = vector.shape_cast %get3A_475 : vector<64xf32> to vector<1x64xf32>
    %add3A_477 = vector.broadcast %broadcast_in_dim3A_476 : vector<1x64xf32> to vector<8x64xf32>
    %add3A_478 = arith.addf %dot_general3A_467, %add3A_477 : vector<8x64xf32>
    %get3A_479 = arith.constant 0 : index
    %get3A_480 = arith.constant 0 : index
    %get3A_481 = arith.constant 0 : index
    %get3A_482 = arith.constant 5 : index
    %get3A_483 = arith.constant 0 : index
    %get3A_484 = vector.load %arg7[%get3A_479, %get3A_480, %get3A_481, %get3A_482, %get3A_483] : memref<8x1x1x7x64xf32, #tpu.memory_space<vmem>>, vector<8x1x1x1x64xf32>
    %get3A_485 = vector.shape_cast %get3A_484 : vector<8x1x1x1x64xf32> to vector<8x64xf32>
    %mul3A_486 = arith.mulf %dot_general3A_469, %get3A_485 : vector<8x64xf32>
    %add3A_487 = arith.addf %add3A_478, %mul3A_486 : vector<8x64xf32>
    %swap3A_488 = arith.constant 5 : index
    %swap3A_489 = arith.constant 0 : index
    %swap3A_490 = arith.constant 0 : index
    %swap3A_491 = vector.load %arg8[%swap3A_488, %swap3A_489, %swap3A_490] : memref<7x8x64xf32, #tpu.memory_space<vmem>>, vector<1x8x64xf32>
    %swap3A_492 = vector.shape_cast %swap3A_491 : vector<1x8x64xf32> to vector<8x64xf32>
    %swap3A_493 = vector.shape_cast %add3A_487 : vector<8x64xf32> to vector<1x8x64xf32>
    tpu.vector_store %arg8[%swap3A_488, %swap3A_489, %swap3A_490], %swap3A_493 {strides = array<i32>} : memref<7x8x64xf32, #tpu.memory_space<vmem>>, vector<1x8x64xf32>,
    %get3A_494 = arith.constant 48 : index
    %get3A_495 = arith.constant 0 : index
    %get3A_496 = vector.load %arg1[%get3A_494, %get3A_495] : memref<56x864xf32, #tpu.memory_space<vmem>>, vector<8x864xf32>
    %get3A_497 = arith.constant 48 : index
    %get3A_498 = arith.constant 0 : index
    %get3A_499 = vector.load %arg2[%get3A_497, %get3A_498] : memref<56x864xf32, #tpu.memory_space<vmem>>, vector<8x864xf32>
    %mul3A_500 = arith.mulf %get3A_496, %get3A_499 : vector<8x864xf32>
    %get3A_501 = arith.constant 0 : index
    %get3A_502 = arith.constant 0 : index
    %get3A_503 = arith.constant 6 : index
    %get3A_504 = arith.constant 0 : index
    %get3A_505 = arith.constant 0 : index
    %get3A_506 = arith.constant 0 : index
    %get3A_507 = arith.constant 0 : index
    %get3A_508 = arith.constant 0 : index
    %get3A_509 = vector.load %arg3[%get3A_501, %get3A_502, %get3A_503, %get3A_504, %get3A_505, %get3A_506, %get3A_507, %get3A_508] : memref<1x1x7x3x3x3x32x64xf32, #tpu.memory_space<vmem>>, vector<1x1x1x3x3x3x32x64xf32>
    %get3A_510 = vector.shape_cast %get3A_509 : vector<1x1x1x3x3x3x32x64xf32> to vector<3x3x3x32x64xf32>
    %reshape3A_511 = vector.shape_cast %get3A_510 : vector<3x3x3x32x64xf32> to vector<864x64xf32>
    %get3A_512 = arith.constant 0 : index
    %get3A_513 = arith.constant 0 : index
    %get3A_514 = arith.constant 6 : index
    %get3A_515 = arith.constant 0 : index
    %get3A_516 = arith.constant 0 : index
    %get3A_517 = arith.constant 0 : index
    %get3A_518 = arith.constant 0 : index
    %get3A_519 = arith.constant 0 : index
    %get3A_520 = vector.load %arg4[%get3A_512, %get3A_513, %get3A_514, %get3A_515, %get3A_516, %get3A_517, %get3A_518, %get3A_519] : memref<1x1x7x3x3x3x32x64xf32, #tpu.memory_space<vmem>>, vector<1x1x1x3x3x3x32x64xf32>
    %get3A_521 = vector.shape_cast %get3A_520 : vector<1x1x1x3x3x3x32x64xf32> to vector<3x3x3x32x64xf32>
    %reshape3A_522 = vector.shape_cast %get3A_521 : vector<3x3x3x32x64xf32> to vector<864x64xf32>
    %custom_jvp_call3A_523 = arith.constant 0.000000e+00 : f32
    %max3A_524 = vector.broadcast %custom_jvp_call3A_523 : f32 to vector<864x64xf32>
    %max3A_525 = arith.maximumf %reshape3A_522, %max3A_524 : vector<864x64xf32>
    %sub3A_526 = vector.broadcast %custom_jvp_call3A_523 : f32 to vector<864x64xf32>
    %sub3A_527 = arith.subf %reshape3A_522, %sub3A_526 : vector<864x64xf32>
    %ne3A_528 = arith.cmpf one, %sub3A_527, %sub3A_527 : vector<864x64xf32>
    %add3A_529 = vector.broadcast %custom_jvp_call3A_523 : f32 to vector<864x64xf32>
    %add3A_530 = arith.addf %reshape3A_522, %add3A_529 : vector<864x64xf32>
    %abs3A_531 = math.absf %sub3A_527 : vector<864x64xf32>
    %neg3A_532 = arith.constant 0.000000e+00 : f32
    %neg3A_533 = vector.broadcast %neg3A_532 : f32 to vector<864x64xf32>
    %neg3A_534 = arith.subf %neg3A_533, %abs3A_531 : vector<864x64xf32>
    %exp3A_535 = math.exp %neg3A_534 : vector<864x64xf32>
    %log1p3A_536 = math.log1p %exp3A_535 : vector<864x64xf32>
    %add3A_537 = arith.addf %max3A_525, %log1p3A_536 : vector<864x64xf32>
    %select_n3A_538 = arith.select %ne3A_528, %add3A_530, %add3A_537 : vector<864x64xi1>, vector<864x64xf32>
    %get3A_539 = arith.constant 0 : index
    %get3A_540 = arith.constant 0 : index
    %get3A_541 = arith.constant 6 : index
    %get3A_542 = arith.constant 0 : index
    %get3A_543 = arith.constant 0 : index
    %get3A_544 = arith.constant 0 : index
    %get3A_545 = arith.constant 0 : index
    %get3A_546 = arith.constant 0 : index
    %get3A_547 = vector.load %arg5[%get3A_539, %get3A_540, %get3A_541, %get3A_542, %get3A_543, %get3A_544, %get3A_545, %get3A_546] : memref<1x1x7x3x3x3x32x64xf32, #tpu.memory_space<vmem>>, vector<1x1x1x3x3x3x32x64xf32>
    %get3A_548 = vector.shape_cast %get3A_547 : vector<1x1x1x3x3x3x32x64xf32> to vector<3x3x3x32x64xf32>
    %reshape3A_549 = vector.shape_cast %get3A_548 : vector<3x3x3x32x64xf32> to vector<864x64xf32>
    %mul3A_550 = arith.mulf %select_n3A_538, %reshape3A_549 : vector<864x64xf32>
    %dot_general3A_551 = arith.constant dense<0.000000e+00> : vector<8x64xf32>
    %dot_general3A_552 = tpu.matmul %get3A_496, %reshape3A_511, %dot_general3A_551 {dimension_numbers = #tpu.dot_dimension_numbers<[1], [0], [0], [1], [0, 0, 1, 1], [], []>, transpose_lhs_hint = false} : vector<8x864xf32>, vector<864x64xf32>, vector<8x64xf32> -> vector<8x64xf32>
    %dot_general3A_553 = arith.constant dense<0.000000e+00> : vector<8x64xf32>
    %dot_general3A_554 = tpu.matmul %mul3A_500, %mul3A_550, %dot_general3A_553 {dimension_numbers = #tpu.dot_dimension_numbers<[1], [0], [0], [1], [0, 0, 1, 1], [], []>, transpose_lhs_hint = false} : vector<8x864xf32>, vector<864x64xf32>, vector<8x64xf32> -> vector<8x64xf32>
    %get3A_555 = arith.constant 0 : index
    %get3A_556 = arith.constant 0 : index
    %get3A_557 = arith.constant 6 : index
    %get3A_558 = arith.constant 0 : index
    %get3A_559 = vector.load %arg6[%get3A_555, %get3A_556, %get3A_557, %get3A_558] : memref<1x1x7x64xf32, #tpu.memory_space<vmem>>, vector<1x1x1x64xf32>
    %get3A_560 = vector.shape_cast %get3A_559 : vector<1x1x1x64xf32> to vector<64xf32>
    %broadcast_in_dim3A_561 = vector.shape_cast %get3A_560 : vector<64xf32> to vector<1x64xf32>
    %add3A_562 = vector.broadcast %broadcast_in_dim3A_561 : vector<1x64xf32> to vector<8x64xf32>
    %add3A_563 = arith.addf %dot_general3A_552, %add3A_562 : vector<8x64xf32>
    %get3A_564 = arith.constant 0 : index
    %get3A_565 = arith.constant 0 : index
    %get3A_566 = arith.constant 0 : index
    %get3A_567 = arith.constant 6 : index
    %get3A_568 = arith.constant 0 : index
    %get3A_569 = vector.load %arg7[%get3A_564, %get3A_565, %get3A_566, %get3A_567, %get3A_568] : memref<8x1x1x7x64xf32, #tpu.memory_space<vmem>>, vector<8x1x1x1x64xf32>
    %get3A_570 = vector.shape_cast %get3A_569 : vector<8x1x1x1x64xf32> to vector<8x64xf32>
    %mul3A_571 = arith.mulf %dot_general3A_554, %get3A_570 : vector<8x64xf32>
    %add3A_572 = arith.addf %add3A_563, %mul3A_571 : vector<8x64xf32>
    %swap3A_573 = arith.constant 6 : index
    %swap3A_574 = arith.constant 0 : index
    %swap3A_575 = arith.constant 0 : index
    %swap3A_576 = vector.load %arg8[%swap3A_573, %swap3A_574, %swap3A_575] : memref<7x8x64xf32, #tpu.memory_space<vmem>>, vector<1x8x64xf32>
    %swap3A_577 = vector.shape_cast %swap3A_576 : vector<1x8x64xf32> to vector<8x64xf32>
    %swap3A_578 = vector.shape_cast %add3A_572 : vector<8x64xf32> to vector<1x8x64xf32>
    tpu.vector_store %arg8[%swap3A_573, %swap3A_574, %swap3A_575], %swap3A_578 {strides = array<i32>} : memref<7x8x64xf32, #tpu.memory_space<vmem>>, vector<1x8x64xf32>,
    return
  }
  func.func @transform_0(%arg0: i32) -> (i32, i32) {
    %c0_i32 = arith.constant 0 : i32
    %c0_i32_0 = arith.constant 0 : i32
    return %arg0, %c0_i32 : i32, i32
  }
  func.func @transform_1(%arg0: i32) -> (i32, i32) {
    %c0_i32 = arith.constant 0 : i32
    %c0_i32_0 = arith.constant 0 : i32
    return %arg0, %c0_i32 : i32, i32
  }
  func.func @transform_2(%arg0: i32) -> (i32, i32, i32, i32, i32, i32, i32, i32) {
    %jit3A = arith.constant 7 : i32
    %div3A = arith.divsi %arg0, %jit3A : i32
    %sign3A = arith.constant 0 : i32
    %sign3A_0 = arith.cmpi sgt, %arg0, %sign3A : i32
    %sign3A_1 = arith.extui %sign3A_0 : i1 to i32
    %sign3A_2 = arith.constant 0 : i32
    %sign3A_3 = arith.cmpi slt, %arg0, %sign3A_2 : i32
    %sign3A_4 = arith.extui %sign3A_3 : i1 to i32
    %sign3A_5 = arith.subi %sign3A_1, %sign3A_4 : i32
    %sign3A_6 = arith.constant 0 : i32
    %sign3A_7 = arith.cmpi sgt, %jit3A, %sign3A_6 : i32
    %sign3A_8 = arith.extui %sign3A_7 : i1 to i32
    %sign3A_9 = arith.constant 0 : i32
    %sign3A_10 = arith.cmpi slt, %jit3A, %sign3A_9 : i32
    %sign3A_11 = arith.extui %sign3A_10 : i1 to i32
    %sign3A_12 = arith.subi %sign3A_8, %sign3A_11 : i32
    %ne3A = arith.cmpi ne, %sign3A_5, %sign3A_12 : i32
    %rem3A = arith.remsi %arg0, %jit3A : i32
    %ne3A_13 = arith.constant 0 : i32
    %ne3A_14 = arith.cmpi ne, %rem3A, %ne3A_13 : i32
    %and3A = arith.andi %ne3A, %ne3A_14 : i1
    %sub3A = arith.constant 1 : i32
    %sub3A_15 = arith.subi %div3A, %sub3A : i32
    %select_n3A = arith.select %and3A, %sub3A_15, %div3A : i32
    %add3A = arith.constant 4 : i32
    %add3A_16 = arith.addi %add3A, %select_n3A : i32
    %jit3A_17 = arith.constant 7 : i32
    %eq3A = arith.constant 0 : i32
    %eq3A_18 = arith.cmpi eq, %jit3A_17, %eq3A : i32
    %jit3A_19 = arith.constant 1 : i32
    %select_n3A_20 = arith.select %eq3A_18, %jit3A_19, %jit3A_17 : i32
    %rem3A_21 = arith.remsi %arg0, %select_n3A_20 : i32
    %ne3A_22 = arith.constant 0 : i32
    %ne3A_23 = arith.cmpi ne, %rem3A_21, %ne3A_22 : i32
    %lt3A = arith.constant 0 : i32
    %lt3A_24 = arith.cmpi slt, %rem3A_21, %lt3A : i32
    %lt3A_25 = arith.constant 0 : i32
    %lt3A_26 = arith.cmpi slt, %select_n3A_20, %lt3A_25 : i32
    %ne3A_27 = arith.xori %lt3A_24, %lt3A_26 : i1
    %and3A_28 = arith.andi %ne3A_27, %ne3A_23 : i1
    %add3A_29 = arith.addi %rem3A_21, %select_n3A_20 : i32
    %select_n3A_30 = arith.select %and3A_28, %add3A_29, %rem3A_21 : i32
    %c0_i32 = arith.constant 0 : i32
    %c0_i32_31 = arith.constant 0 : i32
    %c0_i32_32 = arith.constant 0 : i32
    %c0_i32_33 = arith.constant 0 : i32
    %c0_i32_34 = arith.constant 0 : i32
    %c0_i32_35 = arith.constant 0 : i32
    %c0_i32_36 = arith.constant 0 : i32
    return %add3A_16, %select_n3A_30, %c0_i32, %c0_i32_31, %c0_i32_32, %c0_i32_33, %c0_i32_34, %c0_i32_35 : i32, i32, i32, i32, i32, i32, i32, i32
  }
  func.func @transform_3(%arg0: i32) -> (i32, i32, i32, i32, i32, i32, i32, i32) {
    %jit3A = arith.constant 7 : i32
    %div3A = arith.divsi %arg0, %jit3A : i32
    %sign3A = arith.constant 0 : i32
    %sign3A_0 = arith.cmpi sgt, %arg0, %sign3A : i32
    %sign3A_1 = arith.extui %sign3A_0 : i1 to i32
    %sign3A_2 = arith.constant 0 : i32
    %sign3A_3 = arith.cmpi slt, %arg0, %sign3A_2 : i32
    %sign3A_4 = arith.extui %sign3A_3 : i1 to i32
    %sign3A_5 = arith.subi %sign3A_1, %sign3A_4 : i32
    %sign3A_6 = arith.constant 0 : i32
    %sign3A_7 = arith.cmpi sgt, %jit3A, %sign3A_6 : i32
    %sign3A_8 = arith.extui %sign3A_7 : i1 to i32
    %sign3A_9 = arith.constant 0 : i32
    %sign3A_10 = arith.cmpi slt, %jit3A, %sign3A_9 : i32
    %sign3A_11 = arith.extui %sign3A_10 : i1 to i32
    %sign3A_12 = arith.subi %sign3A_8, %sign3A_11 : i32
    %ne3A = arith.cmpi ne, %sign3A_5, %sign3A_12 : i32
    %rem3A = arith.remsi %arg0, %jit3A : i32
    %ne3A_13 = arith.constant 0 : i32
    %ne3A_14 = arith.cmpi ne, %rem3A, %ne3A_13 : i32
    %and3A = arith.andi %ne3A, %ne3A_14 : i1
    %sub3A = arith.constant 1 : i32
    %sub3A_15 = arith.subi %div3A, %sub3A : i32
    %select_n3A = arith.select %and3A, %sub3A_15, %div3A : i32
    %add3A = arith.constant 4 : i32
    %add3A_16 = arith.addi %add3A, %select_n3A : i32
    %jit3A_17 = arith.constant 7 : i32
    %eq3A = arith.constant 0 : i32
    %eq3A_18 = arith.cmpi eq, %jit3A_17, %eq3A : i32
    %jit3A_19 = arith.constant 1 : i32
    %select_n3A_20 = arith.select %eq3A_18, %jit3A_19, %jit3A_17 : i32
    %rem3A_21 = arith.remsi %arg0, %select_n3A_20 : i32
    %ne3A_22 = arith.constant 0 : i32
    %ne3A_23 = arith.cmpi ne, %rem3A_21, %ne3A_22 : i32
    %lt3A = arith.constant 0 : i32
    %lt3A_24 = arith.cmpi slt, %rem3A_21, %lt3A : i32
    %lt3A_25 = arith.constant 0 : i32
    %lt3A_26 = arith.cmpi slt, %select_n3A_20, %lt3A_25 : i32
    %ne3A_27 = arith.xori %lt3A_24, %lt3A_26 : i1
    %and3A_28 = arith.andi %ne3A_27, %ne3A_23 : i1
    %add3A_29 = arith.addi %rem3A_21, %select_n3A_20 : i32
    %select_n3A_30 = arith.select %and3A_28, %add3A_29, %rem3A_21 : i32
    %c0_i32 = arith.constant 0 : i32
    %c0_i32_31 = arith.constant 0 : i32
    %c0_i32_32 = arith.constant 0 : i32
    %c0_i32_33 = arith.constant 0 : i32
    %c0_i32_34 = arith.constant 0 : i32
    %c0_i32_35 = arith.constant 0 : i32
    %c0_i32_36 = arith.constant 0 : i32
    return %add3A_16, %select_n3A_30, %c0_i32, %c0_i32_31, %c0_i32_32, %c0_i32_33, %c0_i32_34, %c0_i32_35 : i32, i32, i32, i32, i32, i32, i32, i32
  }
  func.func @transform_4(%arg0: i32) -> (i32, i32, i32, i32, i32, i32, i32, i32) {
    %jit3A = arith.constant 7 : i32
    %div3A = arith.divsi %arg0, %jit3A : i32
    %sign3A = arith.constant 0 : i32
    %sign3A_0 = arith.cmpi sgt, %arg0, %sign3A : i32
    %sign3A_1 = arith.extui %sign3A_0 : i1 to i32
    %sign3A_2 = arith.constant 0 : i32
    %sign3A_3 = arith.cmpi slt, %arg0, %sign3A_2 : i32
    %sign3A_4 = arith.extui %sign3A_3 : i1 to i32
    %sign3A_5 = arith.subi %sign3A_1, %sign3A_4 : i32
    %sign3A_6 = arith.constant 0 : i32
    %sign3A_7 = arith.cmpi sgt, %jit3A, %sign3A_6 : i32
    %sign3A_8 = arith.extui %sign3A_7 : i1 to i32
    %sign3A_9 = arith.constant 0 : i32
    %sign3A_10 = arith.cmpi slt, %jit3A, %sign3A_9 : i32
    %sign3A_11 = arith.extui %sign3A_10 : i1 to i32
    %sign3A_12 = arith.subi %sign3A_8, %sign3A_11 : i32
    %ne3A = arith.cmpi ne, %sign3A_5, %sign3A_12 : i32
    %rem3A = arith.remsi %arg0, %jit3A : i32
    %ne3A_13 = arith.constant 0 : i32
    %ne3A_14 = arith.cmpi ne, %rem3A, %ne3A_13 : i32
    %and3A = arith.andi %ne3A, %ne3A_14 : i1
    %sub3A = arith.constant 1 : i32
    %sub3A_15 = arith.subi %div3A, %sub3A : i32
    %select_n3A = arith.select %and3A, %sub3A_15, %div3A : i32
    %add3A = arith.constant 4 : i32
    %add3A_16 = arith.addi %add3A, %select_n3A : i32
    %jit3A_17 = arith.constant 7 : i32
    %eq3A = arith.constant 0 : i32
    %eq3A_18 = arith.cmpi eq, %jit3A_17, %eq3A : i32
    %jit3A_19 = arith.constant 1 : i32
    %select_n3A_20 = arith.select %eq3A_18, %jit3A_19, %jit3A_17 : i32
    %rem3A_21 = arith.remsi %arg0, %select_n3A_20 : i32
    %ne3A_22 = arith.constant 0 : i32
    %ne3A_23 = arith.cmpi ne, %rem3A_21, %ne3A_22 : i32
    %lt3A = arith.constant 0 : i32
    %lt3A_24 = arith.cmpi slt, %rem3A_21, %lt3A : i32
    %lt3A_25 = arith.constant 0 : i32
    %lt3A_26 = arith.cmpi slt, %select_n3A_20, %lt3A_25 : i32
    %ne3A_27 = arith.xori %lt3A_24, %lt3A_26 : i1
    %and3A_28 = arith.andi %ne3A_27, %ne3A_23 : i1
    %add3A_29 = arith.addi %rem3A_21, %select_n3A_20 : i32
    %select_n3A_30 = arith.select %and3A_28, %add3A_29, %rem3A_21 : i32
    %c0_i32 = arith.constant 0 : i32
    %c0_i32_31 = arith.constant 0 : i32
    %c0_i32_32 = arith.constant 0 : i32
    %c0_i32_33 = arith.constant 0 : i32
    %c0_i32_34 = arith.constant 0 : i32
    %c0_i32_35 = arith.constant 0 : i32
    %c0_i32_36 = arith.constant 0 : i32
    return %add3A_16, %select_n3A_30, %c0_i32, %c0_i32_31, %c0_i32_32, %c0_i32_33, %c0_i32_34, %c0_i32_35 : i32, i32, i32, i32, i32, i32, i32, i32
  }
  func.func @transform_5(%arg0: i32) -> (i32, i32, i32, i32) {
    %jit3A = arith.constant 7 : i32
    %div3A = arith.divsi %arg0, %jit3A : i32
    %sign3A = arith.constant 0 : i32
    %sign3A_0 = arith.cmpi sgt, %arg0, %sign3A : i32
    %sign3A_1 = arith.extui %sign3A_0 : i1 to i32
    %sign3A_2 = arith.constant 0 : i32
    %sign3A_3 = arith.cmpi slt, %arg0, %sign3A_2 : i32
    %sign3A_4 = arith.extui %sign3A_3 : i1 to i32
    %sign3A_5 = arith.subi %sign3A_1, %sign3A_4 : i32
    %sign3A_6 = arith.constant 0 : i32
    %sign3A_7 = arith.cmpi sgt, %jit3A, %sign3A_6 : i32
    %sign3A_8 = arith.extui %sign3A_7 : i1 to i32
    %sign3A_9 = arith.constant 0 : i32
    %sign3A_10 = arith.cmpi slt, %jit3A, %sign3A_9 : i32
    %sign3A_11 = arith.extui %sign3A_10 : i1 to i32
    %sign3A_12 = arith.subi %sign3A_8, %sign3A_11 : i32
    %ne3A = arith.cmpi ne, %sign3A_5, %sign3A_12 : i32
    %rem3A = arith.remsi %arg0, %jit3A : i32
    %ne3A_13 = arith.constant 0 : i32
    %ne3A_14 = arith.cmpi ne, %rem3A, %ne3A_13 : i32
    %and3A = arith.andi %ne3A, %ne3A_14 : i1
    %sub3A = arith.constant 1 : i32
    %sub3A_15 = arith.subi %div3A, %sub3A : i32
    %select_n3A = arith.select %and3A, %sub3A_15, %div3A : i32
    %add3A = arith.constant 4 : i32
    %add3A_16 = arith.addi %add3A, %select_n3A : i32
    %jit3A_17 = arith.constant 7 : i32
    %eq3A = arith.constant 0 : i32
    %eq3A_18 = arith.cmpi eq, %jit3A_17, %eq3A : i32
    %jit3A_19 = arith.constant 1 : i32
    %select_n3A_20 = arith.select %eq3A_18, %jit3A_19, %jit3A_17 : i32
    %rem3A_21 = arith.remsi %arg0, %select_n3A_20 : i32
    %ne3A_22 = arith.constant 0 : i32
    %ne3A_23 = arith.cmpi ne, %rem3A_21, %ne3A_22 : i32
    %lt3A = arith.constant 0 : i32
    %lt3A_24 = arith.cmpi slt, %rem3A_21, %lt3A : i32
    %lt3A_25 = arith.constant 0 : i32
    %lt3A_26 = arith.cmpi slt, %select_n3A_20, %lt3A_25 : i32
    %ne3A_27 = arith.xori %lt3A_24, %lt3A_26 : i1
    %and3A_28 = arith.andi %ne3A_27, %ne3A_23 : i1
    %add3A_29 = arith.addi %rem3A_21, %select_n3A_20 : i32
    %select_n3A_30 = arith.select %and3A_28, %add3A_29, %rem3A_21 : i32
    %c0_i32 = arith.constant 0 : i32
    %c0_i32_31 = arith.constant 0 : i32
    %c0_i32_32 = arith.constant 0 : i32
    return %add3A_16, %select_n3A_30, %c0_i32, %c0_i32_31 : i32, i32, i32, i32
  }
  func.func @transform_6(%arg0: i32) -> (i32, i32, i32, i32, i32) {
    %jit3A = arith.constant 7 : i32
    %div3A = arith.divsi %arg0, %jit3A : i32
    %sign3A = arith.constant 0 : i32
    %sign3A_0 = arith.cmpi sgt, %arg0, %sign3A : i32
    %sign3A_1 = arith.extui %sign3A_0 : i1 to i32
    %sign3A_2 = arith.constant 0 : i32
    %sign3A_3 = arith.cmpi slt, %arg0, %sign3A_2 : i32
    %sign3A_4 = arith.extui %sign3A_3 : i1 to i32
    %sign3A_5 = arith.subi %sign3A_1, %sign3A_4 : i32
    %sign3A_6 = arith.constant 0 : i32
    %sign3A_7 = arith.cmpi sgt, %jit3A, %sign3A_6 : i32
    %sign3A_8 = arith.extui %sign3A_7 : i1 to i32
    %sign3A_9 = arith.constant 0 : i32
    %sign3A_10 = arith.cmpi slt, %jit3A, %sign3A_9 : i32
    %sign3A_11 = arith.extui %sign3A_10 : i1 to i32
    %sign3A_12 = arith.subi %sign3A_8, %sign3A_11 : i32
    %ne3A = arith.cmpi ne, %sign3A_5, %sign3A_12 : i32
    %rem3A = arith.remsi %arg0, %jit3A : i32
    %ne3A_13 = arith.constant 0 : i32
    %ne3A_14 = arith.cmpi ne, %rem3A, %ne3A_13 : i32
    %and3A = arith.andi %ne3A, %ne3A_14 : i1
    %sub3A = arith.constant 1 : i32
    %sub3A_15 = arith.subi %div3A, %sub3A : i32
    %select_n3A = arith.select %and3A, %sub3A_15, %div3A : i32
    %add3A = arith.constant 4 : i32
    %add3A_16 = arith.addi %add3A, %select_n3A : i32
    %jit3A_17 = arith.constant 7 : i32
    %eq3A = arith.constant 0 : i32
    %eq3A_18 = arith.cmpi eq, %jit3A_17, %eq3A : i32
    %jit3A_19 = arith.constant 1 : i32
    %select_n3A_20 = arith.select %eq3A_18, %jit3A_19, %jit3A_17 : i32
    %rem3A_21 = arith.remsi %arg0, %select_n3A_20 : i32
    %ne3A_22 = arith.constant 0 : i32
    %ne3A_23 = arith.cmpi ne, %rem3A_21, %ne3A_22 : i32
    %lt3A = arith.constant 0 : i32
    %lt3A_24 = arith.cmpi slt, %rem3A_21, %lt3A : i32
    %lt3A_25 = arith.constant 0 : i32
    %lt3A_26 = arith.cmpi slt, %select_n3A_20, %lt3A_25 : i32
    %ne3A_27 = arith.xori %lt3A_24, %lt3A_26 : i1
    %and3A_28 = arith.andi %ne3A_27, %ne3A_23 : i1
    %add3A_29 = arith.addi %rem3A_21, %select_n3A_20 : i32
    %select_n3A_30 = arith.select %and3A_28, %add3A_29, %rem3A_21 : i32
    %c0_i32 = arith.constant 0 : i32
    %c0_i32_31 = arith.constant 0 : i32
    %c0_i32_32 = arith.constant 0 : i32
    %c0_i32_33 = arith.constant 0 : i32
    return %c0_i32, %add3A_16, %select_n3A_30, %c0_i32_31, %c0_i32_32 : i32, i32, i32, i32, i32
  }
  func.func @transform_7(%arg0: i32) -> (i32, i32, i32) {
    %c0_i32 = arith.constant 0 : i32
    %c0_i32_0 = arith.constant 0 : i32
    %c0_i32_1 = arith.constant 0 : i32
    return %arg0, %c0_i32, %c0_i32_0 : i32, i32, i32
  }
}

module attributes {stable_mosaic.version = 14 : i64} {
  func.func @_mm_body(%arg0: i32, %arg1: memref<56x864xf32, #tpu.memory_space<vmem>>, %arg2: memref<56x864xf32, #tpu.memory_space<vmem>>, %arg3: memref<1x1x7x3x3x3x32x64xf32, #tpu.memory_space<vmem>>, %arg4: memref<1x1x7x3x3x3x32x64xf32, #tpu.memory_space<vmem>>, %arg5: memref<1x1x7x3x3x3x32x64xf32, #tpu.memory_space<vmem>>, %arg6: memref<1x1x7x64xf32, #tpu.memory_space<vmem>>, %arg7: memref<8x1x1x7x64xf32, #tpu.memory_space<vmem>>, %arg8: memref<7x8x64xf32, #tpu.memory_space<vmem>>) attributes {dimension_semantics = [#tpu.dimension_semantics<arbitrary>], iteration_bounds = array<i64: 28>, scalar_prefetch = 0 : i64, scratch_operands = 0 : i64, tpu.core_type = #tpu.core_type<tc>, window_params = [{transform_indices = @transform_0, window_bounds = array<i64: 56, 864>}, {transform_indices = @transform_1, window_bounds = array<i64: 56, 864>}, {transform_indices = @transform_2, window_bounds = array<i64: 1, 1, 7, 3, 3, 3, 32, 64>}, {transform_indices = @transform_3, window_bounds = array<i64: 1, 1, 7, 3, 3, 3, 32, 64>}, {transform_indices = @transform_4, window_bounds = array<i64: 1, 1, 7, 3, 3, 3, 32, 64>}, {transform_indices = @transform_5, window_bounds = array<i64: 1, 1, 7, 64>}, {transform_indices = @transform_6, window_bounds = array<i64: 8, 1, 1, 7, 64>}, {transform_indices = @transform_7, window_bounds = array<i64: 7, 8, 64>}]} {
    %get3A = arith.constant 0 : index
    %get3A_0 = arith.constant 0 : index
    %get3A_1 = vector.load %arg1[%get3A, %get3A_0] : memref<56x864xf32, #tpu.memory_space<vmem>>, vector<8x864xf32>
    %get3A_2 = arith.constant 0 : index
    %get3A_3 = arith.constant 0 : index
    %get3A_4 = vector.load %arg2[%get3A_2, %get3A_3] : memref<56x864xf32, #tpu.memory_space<vmem>>, vector<8x864xf32>
    %mul3A = arith.mulf %get3A_1, %get3A_4 : vector<8x864xf32>
    %get3A_5 = arith.constant 0 : index
    %get3A_6 = arith.constant 0 : index
    %get3A_7 = arith.constant 0 : index
    %get3A_8 = arith.constant 0 : index
    %get3A_9 = arith.constant 0 : index
    %get3A_10 = arith.constant 0 : index
    %get3A_11 = arith.constant 0 : index
    %get3A_12 = arith.constant 0 : index
    %get3A_13 = vector.load %arg3[%get3A_5, %get3A_6, %get3A_7, %get3A_8, %get3A_9, %get3A_10, %get3A_11, %get3A_12] : memref<1x1x7x3x3x3x32x64xf32, #tpu.memory_space<vmem>>, vector<1x1x1x3x3x3x32x64xf32>
    %get3A_14 = vector.shape_cast %get3A_13 : vector<1x1x1x3x3x3x32x64xf32> to vector<3x3x3x32x64xf32>
    %reshape3A = vector.shape_cast %get3A_14 : vector<3x3x3x32x64xf32> to vector<864x64xf32>
    %get3A_15 = arith.constant 0 : index
    %get3A_16 = arith.constant 0 : index
    %get3A_17 = arith.constant 0 : index
    %get3A_18 = arith.constant 0 : index
    %get3A_19 = arith.constant 0 : index
    %get3A_20 = arith.constant 0 : index
    %get3A_21 = arith.constant 0 : index
    %get3A_22 = arith.constant 0 : index
    %get3A_23 = vector.load %arg4[%get3A_15, %get3A_16, %get3A_17, %get3A_18, %get3A_19, %get3A_20, %get3A_21, %get3A_22] : memref<1x1x7x3x3x3x32x64xf32, #tpu.memory_space<vmem>>, vector<1x1x1x3x3x3x32x64xf32>
    %get3A_24 = vector.shape_cast %get3A_23 : vector<1x1x1x3x3x3x32x64xf32> to vector<3x3x3x32x64xf32>
    %reshape3A_25 = vector.shape_cast %get3A_24 : vector<3x3x3x32x64xf32> to vector<864x64xf32>
    %custom_jvp_call3A = arith.constant 0.000000e+00 : f32
    %max3A = vector.broadcast %custom_jvp_call3A : f32 to vector<864x64xf32>
    %max3A_26 = arith.maximumf %reshape3A_25, %max3A : vector<864x64xf32>
    %sub3A = vector.broadcast %custom_jvp_call3A : f32 to vector<864x64xf32>
    %sub3A_27 = arith.subf %reshape3A_25, %sub3A : vector<864x64xf32>
    %ne3A = arith.cmpf one, %sub3A_27, %sub3A_27 : vector<864x64xf32>
    %add3A = vector.broadcast %custom_jvp_call3A : f32 to vector<864x64xf32>
    %add3A_28 = arith.addf %reshape3A_25, %add3A : vector<864x64xf32>
    %abs3A = math.absf %sub3A_27 : vector<864x64xf32>
    %neg3A = arith.constant 0.000000e+00 : f32
    %neg3A_29 = vector.broadcast %neg3A : f32 to vector<864x64xf32>
    %neg3A_30 = arith.subf %neg3A_29, %abs3A : vector<864x64xf32>
    %exp3A = math.exp %neg3A_30 : vector<864x64xf32>
    %log1p3A = math.log1p %exp3A : vector<864x64xf32>
    %add3A_31 = arith.addf %max3A_26, %log1p3A : vector<864x64xf32>
    %select_n3A = arith.select %ne3A, %add3A_28, %add3A_31 : vector<864x64xi1>, vector<864x64xf32>
    %get3A_32 = arith.constant 0 : index
    %get3A_33 = arith.constant 0 : index
    %get3A_34 = arith.constant 0 : index
    %get3A_35 = arith.constant 0 : index
    %get3A_36 = arith.constant 0 : index
    %get3A_37 = arith.constant 0 : index
    %get3A_38 = arith.constant 0 : index
    %get3A_39 = arith.constant 0 : index
    %get3A_40 = vector.load %arg5[%get3A_32, %get3A_33, %get3A_34, %get3A_35, %get3A_36, %get3A_37, %get3A_38, %get3A_39] : memref<1x1x7x3x3x3x32x64xf32, #tpu.memory_space<vmem>>, vector<1x1x1x3x3x3x32x64xf32>
    %get3A_41 = vector.shape_cast %get3A_40 : vector<1x1x1x3x3x3x32x64xf32> to vector<3x3x3x32x64xf32>
    %reshape3A_42 = vector.shape_cast %get3A_41 : vector<3x3x3x32x64xf32> to vector<864x64xf32>
    %mul3A_43 = arith.mulf %select_n3A, %reshape3A_42 : vector<864x64xf32>
    %dot_general3A = arith.constant dense<0.000000e+00> : vector<8x64xf32>
    %dot_general3A_44 = tpu.matmul %get3A_1, %reshape3A, %dot_general3A {dimension_numbers = #tpu.dot_dimension_numbers<[1], [0], [0], [1], [0, 0, 1, 1], [], []>, transpose_lhs_hint = false} : vector<8x864xf32>, vector<864x64xf32>, vector<8x64xf32> -> vector<8x64xf32>
    %dot_general3A_45 = arith.constant dense<0.000000e+00> : vector<8x64xf32>
    %dot_general3A_46 = tpu.matmul %mul3A, %mul3A_43, %dot_general3A_45 {dimension_numbers = #tpu.dot_dimension_numbers<[1], [0], [0], [1], [0, 0, 1, 1], [], []>, transpose_lhs_hint = false} : vector<8x864xf32>, vector<864x64xf32>, vector<8x64xf32> -> vector<8x64xf32>
    %get3A_47 = arith.constant 0 : index
    %get3A_48 = arith.constant 0 : index
    %get3A_49 = arith.constant 0 : index
    %get3A_50 = arith.constant 0 : index
    %get3A_51 = vector.load %arg6[%get3A_47, %get3A_48, %get3A_49, %get3A_50] : memref<1x1x7x64xf32, #tpu.memory_space<vmem>>, vector<1x1x1x64xf32>
    %get3A_52 = vector.shape_cast %get3A_51 : vector<1x1x1x64xf32> to vector<64xf32>
    %broadcast_in_dim3A = vector.shape_cast %get3A_52 : vector<64xf32> to vector<1x64xf32>
    %add3A_53 = vector.broadcast %broadcast_in_dim3A : vector<1x64xf32> to vector<8x64xf32>
    %add3A_54 = arith.addf %dot_general3A_44, %add3A_53 : vector<8x64xf32>
    %get3A_55 = arith.constant 0 : index
    %get3A_56 = arith.constant 0 : index
    %get3A_57 = arith.constant 0 : index
    %get3A_58 = arith.constant 0 : index
    %get3A_59 = arith.constant 0 : index
    %get3A_60 = vector.load %arg7[%get3A_55, %get3A_56, %get3A_57, %get3A_58, %get3A_59] : memref<8x1x1x7x64xf32, #tpu.memory_space<vmem>>, vector<8x1x1x1x64xf32>
    %get3A_61 = vector.shape_cast %get3A_60 : vector<8x1x1x1x64xf32> to vector<8x64xf32>
    %mul3A_62 = arith.mulf %dot_general3A_46, %get3A_61 : vector<8x64xf32>
    %add3A_63 = arith.addf %add3A_54, %mul3A_62 : vector<8x64xf32>
    %swap3A = arith.constant 0 : index
    %swap3A_64 = arith.constant 0 : index
    %swap3A_65 = arith.constant 0 : index
    %swap3A_66 = vector.load %arg8[%swap3A, %swap3A_64, %swap3A_65] : memref<7x8x64xf32, #tpu.memory_space<vmem>>, vector<1x8x64xf32>
    %swap3A_67 = vector.shape_cast %swap3A_66 : vector<1x8x64xf32> to vector<8x64xf32>
    %swap3A_68 = vector.shape_cast %add3A_63 : vector<8x64xf32> to vector<1x8x64xf32>
    tpu.vector_store %arg8[%swap3A, %swap3A_64, %swap3A_65], %swap3A_68 {strides = array<i32>} : memref<7x8x64xf32, #tpu.memory_space<vmem>>, vector<1x8x64xf32>,
    %get3A_69 = arith.constant 8 : index
    %get3A_70 = arith.constant 0 : index
    %get3A_71 = vector.load %arg1[%get3A_69, %get3A_70] : memref<56x864xf32, #tpu.memory_space<vmem>>, vector<8x864xf32>
    %get3A_72 = arith.constant 8 : index
    %get3A_73 = arith.constant 0 : index
    %get3A_74 = vector.load %arg2[%get3A_72, %get3A_73] : memref<56x864xf32, #tpu.memory_space<vmem>>, vector<8x864xf32>
    %mul3A_75 = arith.mulf %get3A_71, %get3A_74 : vector<8x864xf32>
    %get3A_76 = arith.constant 0 : index
    %get3A_77 = arith.constant 0 : index
    %get3A_78 = arith.constant 1 : index
    %get3A_79 = arith.constant 0 : index
    %get3A_80 = arith.constant 0 : index
    %get3A_81 = arith.constant 0 : index
    %get3A_82 = arith.constant 0 : index
    %get3A_83 = arith.constant 0 : index
    %get3A_84 = vector.load %arg3[%get3A_76, %get3A_77, %get3A_78, %get3A_79, %get3A_80, %get3A_81, %get3A_82, %get3A_83] : memref<1x1x7x3x3x3x32x64xf32, #tpu.memory_space<vmem>>, vector<1x1x1x3x3x3x32x64xf32>
    %get3A_85 = vector.shape_cast %get3A_84 : vector<1x1x1x3x3x3x32x64xf32> to vector<3x3x3x32x64xf32>
    %reshape3A_86 = vector.shape_cast %get3A_85 : vector<3x3x3x32x64xf32> to vector<864x64xf32>
    %get3A_87 = arith.constant 0 : index
    %get3A_88 = arith.constant 0 : index
    %get3A_89 = arith.constant 1 : index
    %get3A_90 = arith.constant 0 : index
    %get3A_91 = arith.constant 0 : index
    %get3A_92 = arith.constant 0 : index
    %get3A_93 = arith.constant 0 : index
    %get3A_94 = arith.constant 0 : index
    %get3A_95 = vector.load %arg4[%get3A_87, %get3A_88, %get3A_89, %get3A_90, %get3A_91, %get3A_92, %get3A_93, %get3A_94] : memref<1x1x7x3x3x3x32x64xf32, #tpu.memory_space<vmem>>, vector<1x1x1x3x3x3x32x64xf32>
    %get3A_96 = vector.shape_cast %get3A_95 : vector<1x1x1x3x3x3x32x64xf32> to vector<3x3x3x32x64xf32>
    %reshape3A_97 = vector.shape_cast %get3A_96 : vector<3x3x3x32x64xf32> to vector<864x64xf32>
    %custom_jvp_call3A_98 = arith.constant 0.000000e+00 : f32
    %max3A_99 = vector.broadcast %custom_jvp_call3A_98 : f32 to vector<864x64xf32>
    %max3A_100 = arith.maximumf %reshape3A_97, %max3A_99 : vector<864x64xf32>
    %sub3A_101 = vector.broadcast %custom_jvp_call3A_98 : f32 to vector<864x64xf32>
    %sub3A_102 = arith.subf %reshape3A_97, %sub3A_101 : vector<864x64xf32>
    %ne3A_103 = arith.cmpf one, %sub3A_102, %sub3A_102 : vector<864x64xf32>
    %add3A_104 = vector.broadcast %custom_jvp_call3A_98 : f32 to vector<864x64xf32>
    %add3A_105 = arith.addf %reshape3A_97, %add3A_104 : vector<864x64xf32>
    %abs3A_106 = math.absf %sub3A_102 : vector<864x64xf32>
    %neg3A_107 = arith.constant 0.000000e+00 : f32
    %neg3A_108 = vector.broadcast %neg3A_107 : f32 to vector<864x64xf32>
    %neg3A_109 = arith.subf %neg3A_108, %abs3A_106 : vector<864x64xf32>
    %exp3A_110 = math.exp %neg3A_109 : vector<864x64xf32>
    %log1p3A_111 = math.log1p %exp3A_110 : vector<864x64xf32>
    %add3A_112 = arith.addf %max3A_100, %log1p3A_111 : vector<864x64xf32>
    %select_n3A_113 = arith.select %ne3A_103, %add3A_105, %add3A_112 : vector<864x64xi1>, vector<864x64xf32>
    %get3A_114 = arith.constant 0 : index
    %get3A_115 = arith.constant 0 : index
    %get3A_116 = arith.constant 1 : index
    %get3A_117 = arith.constant 0 : index
    %get3A_118 = arith.constant 0 : index
    %get3A_119 = arith.constant 0 : index
    %get3A_120 = arith.constant 0 : index
    %get3A_121 = arith.constant 0 : index
    %get3A_122 = vector.load %arg5[%get3A_114, %get3A_115, %get3A_116, %get3A_117, %get3A_118, %get3A_119, %get3A_120, %get3A_121] : memref<1x1x7x3x3x3x32x64xf32, #tpu.memory_space<vmem>>, vector<1x1x1x3x3x3x32x64xf32>
    %get3A_123 = vector.shape_cast %get3A_122 : vector<1x1x1x3x3x3x32x64xf32> to vector<3x3x3x32x64xf32>
    %reshape3A_124 = vector.shape_cast %get3A_123 : vector<3x3x3x32x64xf32> to vector<864x64xf32>
    %mul3A_125 = arith.mulf %select_n3A_113, %reshape3A_124 : vector<864x64xf32>
    %dot_general3A_126 = arith.constant dense<0.000000e+00> : vector<8x64xf32>
    %dot_general3A_127 = tpu.matmul %get3A_71, %reshape3A_86, %dot_general3A_126 {dimension_numbers = #tpu.dot_dimension_numbers<[1], [0], [0], [1], [0, 0, 1, 1], [], []>, transpose_lhs_hint = false} : vector<8x864xf32>, vector<864x64xf32>, vector<8x64xf32> -> vector<8x64xf32>
    %dot_general3A_128 = arith.constant dense<0.000000e+00> : vector<8x64xf32>
    %dot_general3A_129 = tpu.matmul %mul3A_75, %mul3A_125, %dot_general3A_128 {dimension_numbers = #tpu.dot_dimension_numbers<[1], [0], [0], [1], [0, 0, 1, 1], [], []>, transpose_lhs_hint = false} : vector<8x864xf32>, vector<864x64xf32>, vector<8x64xf32> -> vector<8x64xf32>
    %get3A_130 = arith.constant 0 : index
    %get3A_131 = arith.constant 0 : index
    %get3A_132 = arith.constant 1 : index
    %get3A_133 = arith.constant 0 : index
    %get3A_134 = vector.load %arg6[%get3A_130, %get3A_131, %get3A_132, %get3A_133] : memref<1x1x7x64xf32, #tpu.memory_space<vmem>>, vector<1x1x1x64xf32>
    %get3A_135 = vector.shape_cast %get3A_134 : vector<1x1x1x64xf32> to vector<64xf32>
    %broadcast_in_dim3A_136 = vector.shape_cast %get3A_135 : vector<64xf32> to vector<1x64xf32>
    %add3A_137 = vector.broadcast %broadcast_in_dim3A_136 : vector<1x64xf32> to vector<8x64xf32>
    %add3A_138 = arith.addf %dot_general3A_127, %add3A_137 : vector<8x64xf32>
    %get3A_139 = arith.constant 0 : index
    %get3A_140 = arith.constant 0 : index
    %get3A_141 = arith.constant 0 : index
    %get3A_142 = arith.constant 1 : index
    %get3A_143 = arith.constant 0 : index
    %get3A_144 = vector.load %arg7[%get3A_139, %get3A_140, %get3A_141, %get3A_142, %get3A_143] : memref<8x1x1x7x64xf32, #tpu.memory_space<vmem>>, vector<8x1x1x1x64xf32>
    %get3A_145 = vector.shape_cast %get3A_144 : vector<8x1x1x1x64xf32> to vector<8x64xf32>
    %mul3A_146 = arith.mulf %dot_general3A_129, %get3A_145 : vector<8x64xf32>
    %add3A_147 = arith.addf %add3A_138, %mul3A_146 : vector<8x64xf32>
    %swap3A_148 = arith.constant 1 : index
    %swap3A_149 = arith.constant 0 : index
    %swap3A_150 = arith.constant 0 : index
    %swap3A_151 = vector.load %arg8[%swap3A_148, %swap3A_149, %swap3A_150] : memref<7x8x64xf32, #tpu.memory_space<vmem>>, vector<1x8x64xf32>
    %swap3A_152 = vector.shape_cast %swap3A_151 : vector<1x8x64xf32> to vector<8x64xf32>
    %swap3A_153 = vector.shape_cast %add3A_147 : vector<8x64xf32> to vector<1x8x64xf32>
    tpu.vector_store %arg8[%swap3A_148, %swap3A_149, %swap3A_150], %swap3A_153 {strides = array<i32>} : memref<7x8x64xf32, #tpu.memory_space<vmem>>, vector<1x8x64xf32>,
    %get3A_154 = arith.constant 16 : index
    %get3A_155 = arith.constant 0 : index
    %get3A_156 = vector.load %arg1[%get3A_154, %get3A_155] : memref<56x864xf32, #tpu.memory_space<vmem>>, vector<8x864xf32>
    %get3A_157 = arith.constant 16 : index
    %get3A_158 = arith.constant 0 : index
    %get3A_159 = vector.load %arg2[%get3A_157, %get3A_158] : memref<56x864xf32, #tpu.memory_space<vmem>>, vector<8x864xf32>
    %mul3A_160 = arith.mulf %get3A_156, %get3A_159 : vector<8x864xf32>
    %get3A_161 = arith.constant 0 : index
    %get3A_162 = arith.constant 0 : index
    %get3A_163 = arith.constant 2 : index
    %get3A_164 = arith.constant 0 : index
    %get3A_165 = arith.constant 0 : index
    %get3A_166 = arith.constant 0 : index
    %get3A_167 = arith.constant 0 : index
    %get3A_168 = arith.constant 0 : index
    %get3A_169 = vector.load %arg3[%get3A_161, %get3A_162, %get3A_163, %get3A_164, %get3A_165, %get3A_166, %get3A_167, %get3A_168] : memref<1x1x7x3x3x3x32x64xf32, #tpu.memory_space<vmem>>, vector<1x1x1x3x3x3x32x64xf32>
    %get3A_170 = vector.shape_cast %get3A_169 : vector<1x1x1x3x3x3x32x64xf32> to vector<3x3x3x32x64xf32>
    %reshape3A_171 = vector.shape_cast %get3A_170 : vector<3x3x3x32x64xf32> to vector<864x64xf32>
    %get3A_172 = arith.constant 0 : index
    %get3A_173 = arith.constant 0 : index
    %get3A_174 = arith.constant 2 : index
    %get3A_175 = arith.constant 0 : index
    %get3A_176 = arith.constant 0 : index
    %get3A_177 = arith.constant 0 : index
    %get3A_178 = arith.constant 0 : index
    %get3A_179 = arith.constant 0 : index
    %get3A_180 = vector.load %arg4[%get3A_172, %get3A_173, %get3A_174, %get3A_175, %get3A_176, %get3A_177, %get3A_178, %get3A_179] : memref<1x1x7x3x3x3x32x64xf32, #tpu.memory_space<vmem>>, vector<1x1x1x3x3x3x32x64xf32>
    %get3A_181 = vector.shape_cast %get3A_180 : vector<1x1x1x3x3x3x32x64xf32> to vector<3x3x3x32x64xf32>
    %reshape3A_182 = vector.shape_cast %get3A_181 : vector<3x3x3x32x64xf32> to vector<864x64xf32>
    %custom_jvp_call3A_183 = arith.constant 0.000000e+00 : f32
    %max3A_184 = vector.broadcast %custom_jvp_call3A_183 : f32 to vector<864x64xf32>
    %max3A_185 = arith.maximumf %reshape3A_182, %max3A_184 : vector<864x64xf32>
    %sub3A_186 = vector.broadcast %custom_jvp_call3A_183 : f32 to vector<864x64xf32>
    %sub3A_187 = arith.subf %reshape3A_182, %sub3A_186 : vector<864x64xf32>
    %ne3A_188 = arith.cmpf one, %sub3A_187, %sub3A_187 : vector<864x64xf32>
    %add3A_189 = vector.broadcast %custom_jvp_call3A_183 : f32 to vector<864x64xf32>
    %add3A_190 = arith.addf %reshape3A_182, %add3A_189 : vector<864x64xf32>
    %abs3A_191 = math.absf %sub3A_187 : vector<864x64xf32>
    %neg3A_192 = arith.constant 0.000000e+00 : f32
    %neg3A_193 = vector.broadcast %neg3A_192 : f32 to vector<864x64xf32>
    %neg3A_194 = arith.subf %neg3A_193, %abs3A_191 : vector<864x64xf32>
    %exp3A_195 = math.exp %neg3A_194 : vector<864x64xf32>
    %log1p3A_196 = math.log1p %exp3A_195 : vector<864x64xf32>
    %add3A_197 = arith.addf %max3A_185, %log1p3A_196 : vector<864x64xf32>
    %select_n3A_198 = arith.select %ne3A_188, %add3A_190, %add3A_197 : vector<864x64xi1>, vector<864x64xf32>
    %get3A_199 = arith.constant 0 : index
    %get3A_200 = arith.constant 0 : index
    %get3A_201 = arith.constant 2 : index
    %get3A_202 = arith.constant 0 : index
    %get3A_203 = arith.constant 0 : index
    %get3A_204 = arith.constant 0 : index
    %get3A_205 = arith.constant 0 : index
    %get3A_206 = arith.constant 0 : index
    %get3A_207 = vector.load %arg5[%get3A_199, %get3A_200, %get3A_201, %get3A_202, %get3A_203, %get3A_204, %get3A_205, %get3A_206] : memref<1x1x7x3x3x3x32x64xf32, #tpu.memory_space<vmem>>, vector<1x1x1x3x3x3x32x64xf32>
    %get3A_208 = vector.shape_cast %get3A_207 : vector<1x1x1x3x3x3x32x64xf32> to vector<3x3x3x32x64xf32>
    %reshape3A_209 = vector.shape_cast %get3A_208 : vector<3x3x3x32x64xf32> to vector<864x64xf32>
    %mul3A_210 = arith.mulf %select_n3A_198, %reshape3A_209 : vector<864x64xf32>
    %dot_general3A_211 = arith.constant dense<0.000000e+00> : vector<8x64xf32>
    %dot_general3A_212 = tpu.matmul %get3A_156, %reshape3A_171, %dot_general3A_211 {dimension_numbers = #tpu.dot_dimension_numbers<[1], [0], [0], [1], [0, 0, 1, 1], [], []>, transpose_lhs_hint = false} : vector<8x864xf32>, vector<864x64xf32>, vector<8x64xf32> -> vector<8x64xf32>
    %dot_general3A_213 = arith.constant dense<0.000000e+00> : vector<8x64xf32>
    %dot_general3A_214 = tpu.matmul %mul3A_160, %mul3A_210, %dot_general3A_213 {dimension_numbers = #tpu.dot_dimension_numbers<[1], [0], [0], [1], [0, 0, 1, 1], [], []>, transpose_lhs_hint = false} : vector<8x864xf32>, vector<864x64xf32>, vector<8x64xf32> -> vector<8x64xf32>
    %get3A_215 = arith.constant 0 : index
    %get3A_216 = arith.constant 0 : index
    %get3A_217 = arith.constant 2 : index
    %get3A_218 = arith.constant 0 : index
    %get3A_219 = vector.load %arg6[%get3A_215, %get3A_216, %get3A_217, %get3A_218] : memref<1x1x7x64xf32, #tpu.memory_space<vmem>>, vector<1x1x1x64xf32>
    %get3A_220 = vector.shape_cast %get3A_219 : vector<1x1x1x64xf32> to vector<64xf32>
    %broadcast_in_dim3A_221 = vector.shape_cast %get3A_220 : vector<64xf32> to vector<1x64xf32>
    %add3A_222 = vector.broadcast %broadcast_in_dim3A_221 : vector<1x64xf32> to vector<8x64xf32>
    %add3A_223 = arith.addf %dot_general3A_212, %add3A_222 : vector<8x64xf32>
    %get3A_224 = arith.constant 0 : index
    %get3A_225 = arith.constant 0 : index
    %get3A_226 = arith.constant 0 : index
    %get3A_227 = arith.constant 2 : index
    %get3A_228 = arith.constant 0 : index
    %get3A_229 = vector.load %arg7[%get3A_224, %get3A_225, %get3A_226, %get3A_227, %get3A_228] : memref<8x1x1x7x64xf32, #tpu.memory_space<vmem>>, vector<8x1x1x1x64xf32>
    %get3A_230 = vector.shape_cast %get3A_229 : vector<8x1x1x1x64xf32> to vector<8x64xf32>
    %mul3A_231 = arith.mulf %dot_general3A_214, %get3A_230 : vector<8x64xf32>
    %add3A_232 = arith.addf %add3A_223, %mul3A_231 : vector<8x64xf32>
    %swap3A_233 = arith.constant 2 : index
    %swap3A_234 = arith.constant 0 : index
    %swap3A_235 = arith.constant 0 : index
    %swap3A_236 = vector.load %arg8[%swap3A_233, %swap3A_234, %swap3A_235] : memref<7x8x64xf32, #tpu.memory_space<vmem>>, vector<1x8x64xf32>
    %swap3A_237 = vector.shape_cast %swap3A_236 : vector<1x8x64xf32> to vector<8x64xf32>
    %swap3A_238 = vector.shape_cast %add3A_232 : vector<8x64xf32> to vector<1x8x64xf32>
    tpu.vector_store %arg8[%swap3A_233, %swap3A_234, %swap3A_235], %swap3A_238 {strides = array<i32>} : memref<7x8x64xf32, #tpu.memory_space<vmem>>, vector<1x8x64xf32>,
    %get3A_239 = arith.constant 24 : index
    %get3A_240 = arith.constant 0 : index
    %get3A_241 = vector.load %arg1[%get3A_239, %get3A_240] : memref<56x864xf32, #tpu.memory_space<vmem>>, vector<8x864xf32>
    %get3A_242 = arith.constant 24 : index
    %get3A_243 = arith.constant 0 : index
    %get3A_244 = vector.load %arg2[%get3A_242, %get3A_243] : memref<56x864xf32, #tpu.memory_space<vmem>>, vector<8x864xf32>
    %mul3A_245 = arith.mulf %get3A_241, %get3A_244 : vector<8x864xf32>
    %get3A_246 = arith.constant 0 : index
    %get3A_247 = arith.constant 0 : index
    %get3A_248 = arith.constant 3 : index
    %get3A_249 = arith.constant 0 : index
    %get3A_250 = arith.constant 0 : index
    %get3A_251 = arith.constant 0 : index
    %get3A_252 = arith.constant 0 : index
    %get3A_253 = arith.constant 0 : index
    %get3A_254 = vector.load %arg3[%get3A_246, %get3A_247, %get3A_248, %get3A_249, %get3A_250, %get3A_251, %get3A_252, %get3A_253] : memref<1x1x7x3x3x3x32x64xf32, #tpu.memory_space<vmem>>, vector<1x1x1x3x3x3x32x64xf32>
    %get3A_255 = vector.shape_cast %get3A_254 : vector<1x1x1x3x3x3x32x64xf32> to vector<3x3x3x32x64xf32>
    %reshape3A_256 = vector.shape_cast %get3A_255 : vector<3x3x3x32x64xf32> to vector<864x64xf32>
    %get3A_257 = arith.constant 0 : index
    %get3A_258 = arith.constant 0 : index
    %get3A_259 = arith.constant 3 : index
    %get3A_260 = arith.constant 0 : index
    %get3A_261 = arith.constant 0 : index
    %get3A_262 = arith.constant 0 : index
    %get3A_263 = arith.constant 0 : index
    %get3A_264 = arith.constant 0 : index
    %get3A_265 = vector.load %arg4[%get3A_257, %get3A_258, %get3A_259, %get3A_260, %get3A_261, %get3A_262, %get3A_263, %get3A_264] : memref<1x1x7x3x3x3x32x64xf32, #tpu.memory_space<vmem>>, vector<1x1x1x3x3x3x32x64xf32>
    %get3A_266 = vector.shape_cast %get3A_265 : vector<1x1x1x3x3x3x32x64xf32> to vector<3x3x3x32x64xf32>
    %reshape3A_267 = vector.shape_cast %get3A_266 : vector<3x3x3x32x64xf32> to vector<864x64xf32>
    %custom_jvp_call3A_268 = arith.constant 0.000000e+00 : f32
    %max3A_269 = vector.broadcast %custom_jvp_call3A_268 : f32 to vector<864x64xf32>
    %max3A_270 = arith.maximumf %reshape3A_267, %max3A_269 : vector<864x64xf32>
    %sub3A_271 = vector.broadcast %custom_jvp_call3A_268 : f32 to vector<864x64xf32>
    %sub3A_272 = arith.subf %reshape3A_267, %sub3A_271 : vector<864x64xf32>
    %ne3A_273 = arith.cmpf one, %sub3A_272, %sub3A_272 : vector<864x64xf32>
    %add3A_274 = vector.broadcast %custom_jvp_call3A_268 : f32 to vector<864x64xf32>
    %add3A_275 = arith.addf %reshape3A_267, %add3A_274 : vector<864x64xf32>
    %abs3A_276 = math.absf %sub3A_272 : vector<864x64xf32>
    %neg3A_277 = arith.constant 0.000000e+00 : f32
    %neg3A_278 = vector.broadcast %neg3A_277 : f32 to vector<864x64xf32>
    %neg3A_279 = arith.subf %neg3A_278, %abs3A_276 : vector<864x64xf32>
    %exp3A_280 = math.exp %neg3A_279 : vector<864x64xf32>
    %log1p3A_281 = math.log1p %exp3A_280 : vector<864x64xf32>
    %add3A_282 = arith.addf %max3A_270, %log1p3A_281 : vector<864x64xf32>
    %select_n3A_283 = arith.select %ne3A_273, %add3A_275, %add3A_282 : vector<864x64xi1>, vector<864x64xf32>
    %get3A_284 = arith.constant 0 : index
    %get3A_285 = arith.constant 0 : index
    %get3A_286 = arith.constant 3 : index
    %get3A_287 = arith.constant 0 : index
    %get3A_288 = arith.constant 0 : index
    %get3A_289 = arith.constant 0 : index
    %get3A_290 = arith.constant 0 : index
    %get3A_291 = arith.constant 0 : index
    %get3A_292 = vector.load %arg5[%get3A_284, %get3A_285, %get3A_286, %get3A_287, %get3A_288, %get3A_289, %get3A_290, %get3A_291] : memref<1x1x7x3x3x3x32x64xf32, #tpu.memory_space<vmem>>, vector<1x1x1x3x3x3x32x64xf32>
    %get3A_293 = vector.shape_cast %get3A_292 : vector<1x1x1x3x3x3x32x64xf32> to vector<3x3x3x32x64xf32>
    %reshape3A_294 = vector.shape_cast %get3A_293 : vector<3x3x3x32x64xf32> to vector<864x64xf32>
    %mul3A_295 = arith.mulf %select_n3A_283, %reshape3A_294 : vector<864x64xf32>
    %dot_general3A_296 = arith.constant dense<0.000000e+00> : vector<8x64xf32>
    %dot_general3A_297 = tpu.matmul %get3A_241, %reshape3A_256, %dot_general3A_296 {dimension_numbers = #tpu.dot_dimension_numbers<[1], [0], [0], [1], [0, 0, 1, 1], [], []>, transpose_lhs_hint = false} : vector<8x864xf32>, vector<864x64xf32>, vector<8x64xf32> -> vector<8x64xf32>
    %dot_general3A_298 = arith.constant dense<0.000000e+00> : vector<8x64xf32>
    %dot_general3A_299 = tpu.matmul %mul3A_245, %mul3A_295, %dot_general3A_298 {dimension_numbers = #tpu.dot_dimension_numbers<[1], [0], [0], [1], [0, 0, 1, 1], [], []>, transpose_lhs_hint = false} : vector<8x864xf32>, vector<864x64xf32>, vector<8x64xf32> -> vector<8x64xf32>
    %get3A_300 = arith.constant 0 : index
    %get3A_301 = arith.constant 0 : index
    %get3A_302 = arith.constant 3 : index
    %get3A_303 = arith.constant 0 : index
    %get3A_304 = vector.load %arg6[%get3A_300, %get3A_301, %get3A_302, %get3A_303] : memref<1x1x7x64xf32, #tpu.memory_space<vmem>>, vector<1x1x1x64xf32>
    %get3A_305 = vector.shape_cast %get3A_304 : vector<1x1x1x64xf32> to vector<64xf32>
    %broadcast_in_dim3A_306 = vector.shape_cast %get3A_305 : vector<64xf32> to vector<1x64xf32>
    %add3A_307 = vector.broadcast %broadcast_in_dim3A_306 : vector<1x64xf32> to vector<8x64xf32>
    %add3A_308 = arith.addf %dot_general3A_297, %add3A_307 : vector<8x64xf32>
    %get3A_309 = arith.constant 0 : index
    %get3A_310 = arith.constant 0 : index
    %get3A_311 = arith.constant 0 : index
    %get3A_312 = arith.constant 3 : index
    %get3A_313 = arith.constant 0 : index
    %get3A_314 = vector.load %arg7[%get3A_309, %get3A_310, %get3A_311, %get3A_312, %get3A_313] : memref<8x1x1x7x64xf32, #tpu.memory_space<vmem>>, vector<8x1x1x1x64xf32>
    %get3A_315 = vector.shape_cast %get3A_314 : vector<8x1x1x1x64xf32> to vector<8x64xf32>
    %mul3A_316 = arith.mulf %dot_general3A_299, %get3A_315 : vector<8x64xf32>
    %add3A_317 = arith.addf %add3A_308, %mul3A_316 : vector<8x64xf32>
    %swap3A_318 = arith.constant 3 : index
    %swap3A_319 = arith.constant 0 : index
    %swap3A_320 = arith.constant 0 : index
    %swap3A_321 = vector.load %arg8[%swap3A_318, %swap3A_319, %swap3A_320] : memref<7x8x64xf32, #tpu.memory_space<vmem>>, vector<1x8x64xf32>
    %swap3A_322 = vector.shape_cast %swap3A_321 : vector<1x8x64xf32> to vector<8x64xf32>
    %swap3A_323 = vector.shape_cast %add3A_317 : vector<8x64xf32> to vector<1x8x64xf32>
    tpu.vector_store %arg8[%swap3A_318, %swap3A_319, %swap3A_320], %swap3A_323 {strides = array<i32>} : memref<7x8x64xf32, #tpu.memory_space<vmem>>, vector<1x8x64xf32>,
    %get3A_324 = arith.constant 32 : index
    %get3A_325 = arith.constant 0 : index
    %get3A_326 = vector.load %arg1[%get3A_324, %get3A_325] : memref<56x864xf32, #tpu.memory_space<vmem>>, vector<8x864xf32>
    %get3A_327 = arith.constant 32 : index
    %get3A_328 = arith.constant 0 : index
    %get3A_329 = vector.load %arg2[%get3A_327, %get3A_328] : memref<56x864xf32, #tpu.memory_space<vmem>>, vector<8x864xf32>
    %mul3A_330 = arith.mulf %get3A_326, %get3A_329 : vector<8x864xf32>
    %get3A_331 = arith.constant 0 : index
    %get3A_332 = arith.constant 0 : index
    %get3A_333 = arith.constant 4 : index
    %get3A_334 = arith.constant 0 : index
    %get3A_335 = arith.constant 0 : index
    %get3A_336 = arith.constant 0 : index
    %get3A_337 = arith.constant 0 : index
    %get3A_338 = arith.constant 0 : index
    %get3A_339 = vector.load %arg3[%get3A_331, %get3A_332, %get3A_333, %get3A_334, %get3A_335, %get3A_336, %get3A_337, %get3A_338] : memref<1x1x7x3x3x3x32x64xf32, #tpu.memory_space<vmem>>, vector<1x1x1x3x3x3x32x64xf32>
    %get3A_340 = vector.shape_cast %get3A_339 : vector<1x1x1x3x3x3x32x64xf32> to vector<3x3x3x32x64xf32>
    %reshape3A_341 = vector.shape_cast %get3A_340 : vector<3x3x3x32x64xf32> to vector<864x64xf32>
    %get3A_342 = arith.constant 0 : index
    %get3A_343 = arith.constant 0 : index
    %get3A_344 = arith.constant 4 : index
    %get3A_345 = arith.constant 0 : index
    %get3A_346 = arith.constant 0 : index
    %get3A_347 = arith.constant 0 : index
    %get3A_348 = arith.constant 0 : index
    %get3A_349 = arith.constant 0 : index
    %get3A_350 = vector.load %arg4[%get3A_342, %get3A_343, %get3A_344, %get3A_345, %get3A_346, %get3A_347, %get3A_348, %get3A_349] : memref<1x1x7x3x3x3x32x64xf32, #tpu.memory_space<vmem>>, vector<1x1x1x3x3x3x32x64xf32>
    %get3A_351 = vector.shape_cast %get3A_350 : vector<1x1x1x3x3x3x32x64xf32> to vector<3x3x3x32x64xf32>
    %reshape3A_352 = vector.shape_cast %get3A_351 : vector<3x3x3x32x64xf32> to vector<864x64xf32>
    %custom_jvp_call3A_353 = arith.constant 0.000000e+00 : f32
    %max3A_354 = vector.broadcast %custom_jvp_call3A_353 : f32 to vector<864x64xf32>
    %max3A_355 = arith.maximumf %reshape3A_352, %max3A_354 : vector<864x64xf32>
    %sub3A_356 = vector.broadcast %custom_jvp_call3A_353 : f32 to vector<864x64xf32>
    %sub3A_357 = arith.subf %reshape3A_352, %sub3A_356 : vector<864x64xf32>
    %ne3A_358 = arith.cmpf one, %sub3A_357, %sub3A_357 : vector<864x64xf32>
    %add3A_359 = vector.broadcast %custom_jvp_call3A_353 : f32 to vector<864x64xf32>
    %add3A_360 = arith.addf %reshape3A_352, %add3A_359 : vector<864x64xf32>
    %abs3A_361 = math.absf %sub3A_357 : vector<864x64xf32>
    %neg3A_362 = arith.constant 0.000000e+00 : f32
    %neg3A_363 = vector.broadcast %neg3A_362 : f32 to vector<864x64xf32>
    %neg3A_364 = arith.subf %neg3A_363, %abs3A_361 : vector<864x64xf32>
    %exp3A_365 = math.exp %neg3A_364 : vector<864x64xf32>
    %log1p3A_366 = math.log1p %exp3A_365 : vector<864x64xf32>
    %add3A_367 = arith.addf %max3A_355, %log1p3A_366 : vector<864x64xf32>
    %select_n3A_368 = arith.select %ne3A_358, %add3A_360, %add3A_367 : vector<864x64xi1>, vector<864x64xf32>
    %get3A_369 = arith.constant 0 : index
    %get3A_370 = arith.constant 0 : index
    %get3A_371 = arith.constant 4 : index
    %get3A_372 = arith.constant 0 : index
    %get3A_373 = arith.constant 0 : index
    %get3A_374 = arith.constant 0 : index
    %get3A_375 = arith.constant 0 : index
    %get3A_376 = arith.constant 0 : index
    %get3A_377 = vector.load %arg5[%get3A_369, %get3A_370, %get3A_371, %get3A_372, %get3A_373, %get3A_374, %get3A_375, %get3A_376] : memref<1x1x7x3x3x3x32x64xf32, #tpu.memory_space<vmem>>, vector<1x1x1x3x3x3x32x64xf32>
    %get3A_378 = vector.shape_cast %get3A_377 : vector<1x1x1x3x3x3x32x64xf32> to vector<3x3x3x32x64xf32>
    %reshape3A_379 = vector.shape_cast %get3A_378 : vector<3x3x3x32x64xf32> to vector<864x64xf32>
    %mul3A_380 = arith.mulf %select_n3A_368, %reshape3A_379 : vector<864x64xf32>
    %dot_general3A_381 = arith.constant dense<0.000000e+00> : vector<8x64xf32>
    %dot_general3A_382 = tpu.matmul %get3A_326, %reshape3A_341, %dot_general3A_381 {dimension_numbers = #tpu.dot_dimension_numbers<[1], [0], [0], [1], [0, 0, 1, 1], [], []>, transpose_lhs_hint = false} : vector<8x864xf32>, vector<864x64xf32>, vector<8x64xf32> -> vector<8x64xf32>
    %dot_general3A_383 = arith.constant dense<0.000000e+00> : vector<8x64xf32>
    %dot_general3A_384 = tpu.matmul %mul3A_330, %mul3A_380, %dot_general3A_383 {dimension_numbers = #tpu.dot_dimension_numbers<[1], [0], [0], [1], [0, 0, 1, 1], [], []>, transpose_lhs_hint = false} : vector<8x864xf32>, vector<864x64xf32>, vector<8x64xf32> -> vector<8x64xf32>
    %get3A_385 = arith.constant 0 : index
    %get3A_386 = arith.constant 0 : index
    %get3A_387 = arith.constant 4 : index
    %get3A_388 = arith.constant 0 : index
    %get3A_389 = vector.load %arg6[%get3A_385, %get3A_386, %get3A_387, %get3A_388] : memref<1x1x7x64xf32, #tpu.memory_space<vmem>>, vector<1x1x1x64xf32>
    %get3A_390 = vector.shape_cast %get3A_389 : vector<1x1x1x64xf32> to vector<64xf32>
    %broadcast_in_dim3A_391 = vector.shape_cast %get3A_390 : vector<64xf32> to vector<1x64xf32>
    %add3A_392 = vector.broadcast %broadcast_in_dim3A_391 : vector<1x64xf32> to vector<8x64xf32>
    %add3A_393 = arith.addf %dot_general3A_382, %add3A_392 : vector<8x64xf32>
    %get3A_394 = arith.constant 0 : index
    %get3A_395 = arith.constant 0 : index
    %get3A_396 = arith.constant 0 : index
    %get3A_397 = arith.constant 4 : index
    %get3A_398 = arith.constant 0 : index
    %get3A_399 = vector.load %arg7[%get3A_394, %get3A_395, %get3A_396, %get3A_397, %get3A_398] : memref<8x1x1x7x64xf32, #tpu.memory_space<vmem>>, vector<8x1x1x1x64xf32>
    %get3A_400 = vector.shape_cast %get3A_399 : vector<8x1x1x1x64xf32> to vector<8x64xf32>
    %mul3A_401 = arith.mulf %dot_general3A_384, %get3A_400 : vector<8x64xf32>
    %add3A_402 = arith.addf %add3A_393, %mul3A_401 : vector<8x64xf32>
    %swap3A_403 = arith.constant 4 : index
    %swap3A_404 = arith.constant 0 : index
    %swap3A_405 = arith.constant 0 : index
    %swap3A_406 = vector.load %arg8[%swap3A_403, %swap3A_404, %swap3A_405] : memref<7x8x64xf32, #tpu.memory_space<vmem>>, vector<1x8x64xf32>
    %swap3A_407 = vector.shape_cast %swap3A_406 : vector<1x8x64xf32> to vector<8x64xf32>
    %swap3A_408 = vector.shape_cast %add3A_402 : vector<8x64xf32> to vector<1x8x64xf32>
    tpu.vector_store %arg8[%swap3A_403, %swap3A_404, %swap3A_405], %swap3A_408 {strides = array<i32>} : memref<7x8x64xf32, #tpu.memory_space<vmem>>, vector<1x8x64xf32>,
    %get3A_409 = arith.constant 40 : index
    %get3A_410 = arith.constant 0 : index
    %get3A_411 = vector.load %arg1[%get3A_409, %get3A_410] : memref<56x864xf32, #tpu.memory_space<vmem>>, vector<8x864xf32>
    %get3A_412 = arith.constant 40 : index
    %get3A_413 = arith.constant 0 : index
    %get3A_414 = vector.load %arg2[%get3A_412, %get3A_413] : memref<56x864xf32, #tpu.memory_space<vmem>>, vector<8x864xf32>
    %mul3A_415 = arith.mulf %get3A_411, %get3A_414 : vector<8x864xf32>
    %get3A_416 = arith.constant 0 : index
    %get3A_417 = arith.constant 0 : index
    %get3A_418 = arith.constant 5 : index
    %get3A_419 = arith.constant 0 : index
    %get3A_420 = arith.constant 0 : index
    %get3A_421 = arith.constant 0 : index
    %get3A_422 = arith.constant 0 : index
    %get3A_423 = arith.constant 0 : index
    %get3A_424 = vector.load %arg3[%get3A_416, %get3A_417, %get3A_418, %get3A_419, %get3A_420, %get3A_421, %get3A_422, %get3A_423] : memref<1x1x7x3x3x3x32x64xf32, #tpu.memory_space<vmem>>, vector<1x1x1x3x3x3x32x64xf32>
    %get3A_425 = vector.shape_cast %get3A_424 : vector<1x1x1x3x3x3x32x64xf32> to vector<3x3x3x32x64xf32>
    %reshape3A_426 = vector.shape_cast %get3A_425 : vector<3x3x3x32x64xf32> to vector<864x64xf32>
    %get3A_427 = arith.constant 0 : index
    %get3A_428 = arith.constant 0 : index
    %get3A_429 = arith.constant 5 : index
    %get3A_430 = arith.constant 0 : index
    %get3A_431 = arith.constant 0 : index
    %get3A_432 = arith.constant 0 : index
    %get3A_433 = arith.constant 0 : index
    %get3A_434 = arith.constant 0 : index
    %get3A_435 = vector.load %arg4[%get3A_427, %get3A_428, %get3A_429, %get3A_430, %get3A_431, %get3A_432, %get3A_433, %get3A_434] : memref<1x1x7x3x3x3x32x64xf32, #tpu.memory_space<vmem>>, vector<1x1x1x3x3x3x32x64xf32>
    %get3A_436 = vector.shape_cast %get3A_435 : vector<1x1x1x3x3x3x32x64xf32> to vector<3x3x3x32x64xf32>
    %reshape3A_437 = vector.shape_cast %get3A_436 : vector<3x3x3x32x64xf32> to vector<864x64xf32>
    %custom_jvp_call3A_438 = arith.constant 0.000000e+00 : f32
    %max3A_439 = vector.broadcast %custom_jvp_call3A_438 : f32 to vector<864x64xf32>
    %max3A_440 = arith.maximumf %reshape3A_437, %max3A_439 : vector<864x64xf32>
    %sub3A_441 = vector.broadcast %custom_jvp_call3A_438 : f32 to vector<864x64xf32>
    %sub3A_442 = arith.subf %reshape3A_437, %sub3A_441 : vector<864x64xf32>
    %ne3A_443 = arith.cmpf one, %sub3A_442, %sub3A_442 : vector<864x64xf32>
    %add3A_444 = vector.broadcast %custom_jvp_call3A_438 : f32 to vector<864x64xf32>
    %add3A_445 = arith.addf %reshape3A_437, %add3A_444 : vector<864x64xf32>
    %abs3A_446 = math.absf %sub3A_442 : vector<864x64xf32>
    %neg3A_447 = arith.constant 0.000000e+00 : f32
    %neg3A_448 = vector.broadcast %neg3A_447 : f32 to vector<864x64xf32>
    %neg3A_449 = arith.subf %neg3A_448, %abs3A_446 : vector<864x64xf32>
    %exp3A_450 = math.exp %neg3A_449 : vector<864x64xf32>
    %log1p3A_451 = math.log1p %exp3A_450 : vector<864x64xf32>
    %add3A_452 = arith.addf %max3A_440, %log1p3A_451 : vector<864x64xf32>
    %select_n3A_453 = arith.select %ne3A_443, %add3A_445, %add3A_452 : vector<864x64xi1>, vector<864x64xf32>
    %get3A_454 = arith.constant 0 : index
    %get3A_455 = arith.constant 0 : index
    %get3A_456 = arith.constant 5 : index
    %get3A_457 = arith.constant 0 : index
    %get3A_458 = arith.constant 0 : index
    %get3A_459 = arith.constant 0 : index
    %get3A_460 = arith.constant 0 : index
    %get3A_461 = arith.constant 0 : index
    %get3A_462 = vector.load %arg5[%get3A_454, %get3A_455, %get3A_456, %get3A_457, %get3A_458, %get3A_459, %get3A_460, %get3A_461] : memref<1x1x7x3x3x3x32x64xf32, #tpu.memory_space<vmem>>, vector<1x1x1x3x3x3x32x64xf32>
    %get3A_463 = vector.shape_cast %get3A_462 : vector<1x1x1x3x3x3x32x64xf32> to vector<3x3x3x32x64xf32>
    %reshape3A_464 = vector.shape_cast %get3A_463 : vector<3x3x3x32x64xf32> to vector<864x64xf32>
    %mul3A_465 = arith.mulf %select_n3A_453, %reshape3A_464 : vector<864x64xf32>
    %dot_general3A_466 = arith.constant dense<0.000000e+00> : vector<8x64xf32>
    %dot_general3A_467 = tpu.matmul %get3A_411, %reshape3A_426, %dot_general3A_466 {dimension_numbers = #tpu.dot_dimension_numbers<[1], [0], [0], [1], [0, 0, 1, 1], [], []>, transpose_lhs_hint = false} : vector<8x864xf32>, vector<864x64xf32>, vector<8x64xf32> -> vector<8x64xf32>
    %dot_general3A_468 = arith.constant dense<0.000000e+00> : vector<8x64xf32>
    %dot_general3A_469 = tpu.matmul %mul3A_415, %mul3A_465, %dot_general3A_468 {dimension_numbers = #tpu.dot_dimension_numbers<[1], [0], [0], [1], [0, 0, 1, 1], [], []>, transpose_lhs_hint = false} : vector<8x864xf32>, vector<864x64xf32>, vector<8x64xf32> -> vector<8x64xf32>
    %get3A_470 = arith.constant 0 : index
    %get3A_471 = arith.constant 0 : index
    %get3A_472 = arith.constant 5 : index
    %get3A_473 = arith.constant 0 : index
    %get3A_474 = vector.load %arg6[%get3A_470, %get3A_471, %get3A_472, %get3A_473] : memref<1x1x7x64xf32, #tpu.memory_space<vmem>>, vector<1x1x1x64xf32>
    %get3A_475 = vector.shape_cast %get3A_474 : vector<1x1x1x64xf32> to vector<64xf32>
    %broadcast_in_dim3A_476 = vector.shape_cast %get3A_475 : vector<64xf32> to vector<1x64xf32>
    %add3A_477 = vector.broadcast %broadcast_in_dim3A_476 : vector<1x64xf32> to vector<8x64xf32>
    %add3A_478 = arith.addf %dot_general3A_467, %add3A_477 : vector<8x64xf32>
    %get3A_479 = arith.constant 0 : index
    %get3A_480 = arith.constant 0 : index
    %get3A_481 = arith.constant 0 : index
    %get3A_482 = arith.constant 5 : index
    %get3A_483 = arith.constant 0 : index
    %get3A_484 = vector.load %arg7[%get3A_479, %get3A_480, %get3A_481, %get3A_482, %get3A_483] : memref<8x1x1x7x64xf32, #tpu.memory_space<vmem>>, vector<8x1x1x1x64xf32>
    %get3A_485 = vector.shape_cast %get3A_484 : vector<8x1x1x1x64xf32> to vector<8x64xf32>
    %mul3A_486 = arith.mulf %dot_general3A_469, %get3A_485 : vector<8x64xf32>
    %add3A_487 = arith.addf %add3A_478, %mul3A_486 : vector<8x64xf32>
    %swap3A_488 = arith.constant 5 : index
    %swap3A_489 = arith.constant 0 : index
    %swap3A_490 = arith.constant 0 : index
    %swap3A_491 = vector.load %arg8[%swap3A_488, %swap3A_489, %swap3A_490] : memref<7x8x64xf32, #tpu.memory_space<vmem>>, vector<1x8x64xf32>
    %swap3A_492 = vector.shape_cast %swap3A_491 : vector<1x8x64xf32> to vector<8x64xf32>
    %swap3A_493 = vector.shape_cast %add3A_487 : vector<8x64xf32> to vector<1x8x64xf32>
    tpu.vector_store %arg8[%swap3A_488, %swap3A_489, %swap3A_490], %swap3A_493 {strides = array<i32>} : memref<7x8x64xf32, #tpu.memory_space<vmem>>, vector<1x8x64xf32>,
    %get3A_494 = arith.constant 48 : index
    %get3A_495 = arith.constant 0 : index
    %get3A_496 = vector.load %arg1[%get3A_494, %get3A_495] : memref<56x864xf32, #tpu.memory_space<vmem>>, vector<8x864xf32>
    %get3A_497 = arith.constant 48 : index
    %get3A_498 = arith.constant 0 : index
    %get3A_499 = vector.load %arg2[%get3A_497, %get3A_498] : memref<56x864xf32, #tpu.memory_space<vmem>>, vector<8x864xf32>
    %mul3A_500 = arith.mulf %get3A_496, %get3A_499 : vector<8x864xf32>
    %get3A_501 = arith.constant 0 : index
    %get3A_502 = arith.constant 0 : index
    %get3A_503 = arith.constant 6 : index
    %get3A_504 = arith.constant 0 : index
    %get3A_505 = arith.constant 0 : index
    %get3A_506 = arith.constant 0 : index
    %get3A_507 = arith.constant 0 : index
    %get3A_508 = arith.constant 0 : index
    %get3A_509 = vector.load %arg3[%get3A_501, %get3A_502, %get3A_503, %get3A_504, %get3A_505, %get3A_506, %get3A_507, %get3A_508] : memref<1x1x7x3x3x3x32x64xf32, #tpu.memory_space<vmem>>, vector<1x1x1x3x3x3x32x64xf32>
    %get3A_510 = vector.shape_cast %get3A_509 : vector<1x1x1x3x3x3x32x64xf32> to vector<3x3x3x32x64xf32>
    %reshape3A_511 = vector.shape_cast %get3A_510 : vector<3x3x3x32x64xf32> to vector<864x64xf32>
    %get3A_512 = arith.constant 0 : index
    %get3A_513 = arith.constant 0 : index
    %get3A_514 = arith.constant 6 : index
    %get3A_515 = arith.constant 0 : index
    %get3A_516 = arith.constant 0 : index
    %get3A_517 = arith.constant 0 : index
    %get3A_518 = arith.constant 0 : index
    %get3A_519 = arith.constant 0 : index
    %get3A_520 = vector.load %arg4[%get3A_512, %get3A_513, %get3A_514, %get3A_515, %get3A_516, %get3A_517, %get3A_518, %get3A_519] : memref<1x1x7x3x3x3x32x64xf32, #tpu.memory_space<vmem>>, vector<1x1x1x3x3x3x32x64xf32>
    %get3A_521 = vector.shape_cast %get3A_520 : vector<1x1x1x3x3x3x32x64xf32> to vector<3x3x3x32x64xf32>
    %reshape3A_522 = vector.shape_cast %get3A_521 : vector<3x3x3x32x64xf32> to vector<864x64xf32>
    %custom_jvp_call3A_523 = arith.constant 0.000000e+00 : f32
    %max3A_524 = vector.broadcast %custom_jvp_call3A_523 : f32 to vector<864x64xf32>
    %max3A_525 = arith.maximumf %reshape3A_522, %max3A_524 : vector<864x64xf32>
    %sub3A_526 = vector.broadcast %custom_jvp_call3A_523 : f32 to vector<864x64xf32>
    %sub3A_527 = arith.subf %reshape3A_522, %sub3A_526 : vector<864x64xf32>
    %ne3A_528 = arith.cmpf one, %sub3A_527, %sub3A_527 : vector<864x64xf32>
    %add3A_529 = vector.broadcast %custom_jvp_call3A_523 : f32 to vector<864x64xf32>
    %add3A_530 = arith.addf %reshape3A_522, %add3A_529 : vector<864x64xf32>
    %abs3A_531 = math.absf %sub3A_527 : vector<864x64xf32>
    %neg3A_532 = arith.constant 0.000000e+00 : f32
    %neg3A_533 = vector.broadcast %neg3A_532 : f32 to vector<864x64xf32>
    %neg3A_534 = arith.subf %neg3A_533, %abs3A_531 : vector<864x64xf32>
    %exp3A_535 = math.exp %neg3A_534 : vector<864x64xf32>
    %log1p3A_536 = math.log1p %exp3A_535 : vector<864x64xf32>
    %add3A_537 = arith.addf %max3A_525, %log1p3A_536 : vector<864x64xf32>
    %select_n3A_538 = arith.select %ne3A_528, %add3A_530, %add3A_537 : vector<864x64xi1>, vector<864x64xf32>
    %get3A_539 = arith.constant 0 : index
    %get3A_540 = arith.constant 0 : index
    %get3A_541 = arith.constant 6 : index
    %get3A_542 = arith.constant 0 : index
    %get3A_543 = arith.constant 0 : index
    %get3A_544 = arith.constant 0 : index
    %get3A_545 = arith.constant 0 : index
    %get3A_546 = arith.constant 0 : index
    %get3A_547 = vector.load %arg5[%get3A_539, %get3A_540, %get3A_541, %get3A_542, %get3A_543, %get3A_544, %get3A_545, %get3A_546] : memref<1x1x7x3x3x3x32x64xf32, #tpu.memory_space<vmem>>, vector<1x1x1x3x3x3x32x64xf32>
    %get3A_548 = vector.shape_cast %get3A_547 : vector<1x1x1x3x3x3x32x64xf32> to vector<3x3x3x32x64xf32>
    %reshape3A_549 = vector.shape_cast %get3A_548 : vector<3x3x3x32x64xf32> to vector<864x64xf32>
    %mul3A_550 = arith.mulf %select_n3A_538, %reshape3A_549 : vector<864x64xf32>
    %dot_general3A_551 = arith.constant dense<0.000000e+00> : vector<8x64xf32>
    %dot_general3A_552 = tpu.matmul %get3A_496, %reshape3A_511, %dot_general3A_551 {dimension_numbers = #tpu.dot_dimension_numbers<[1], [0], [0], [1], [0, 0, 1, 1], [], []>, transpose_lhs_hint = false} : vector<8x864xf32>, vector<864x64xf32>, vector<8x64xf32> -> vector<8x64xf32>
    %dot_general3A_553 = arith.constant dense<0.000000e+00> : vector<8x64xf32>
    %dot_general3A_554 = tpu.matmul %mul3A_500, %mul3A_550, %dot_general3A_553 {dimension_numbers = #tpu.dot_dimension_numbers<[1], [0], [0], [1], [0, 0, 1, 1], [], []>, transpose_lhs_hint = false} : vector<8x864xf32>, vector<864x64xf32>, vector<8x64xf32> -> vector<8x64xf32>
    %get3A_555 = arith.constant 0 : index
    %get3A_556 = arith.constant 0 : index
    %get3A_557 = arith.constant 6 : index
    %get3A_558 = arith.constant 0 : index
    %get3A_559 = vector.load %arg6[%get3A_555, %get3A_556, %get3A_557, %get3A_558] : memref<1x1x7x64xf32, #tpu.memory_space<vmem>>, vector<1x1x1x64xf32>
    %get3A_560 = vector.shape_cast %get3A_559 : vector<1x1x1x64xf32> to vector<64xf32>
    %broadcast_in_dim3A_561 = vector.shape_cast %get3A_560 : vector<64xf32> to vector<1x64xf32>
    %add3A_562 = vector.broadcast %broadcast_in_dim3A_561 : vector<1x64xf32> to vector<8x64xf32>
    %add3A_563 = arith.addf %dot_general3A_552, %add3A_562 : vector<8x64xf32>
    %get3A_564 = arith.constant 0 : index
    %get3A_565 = arith.constant 0 : index
    %get3A_566 = arith.constant 0 : index
    %get3A_567 = arith.constant 6 : index
    %get3A_568 = arith.constant 0 : index
    %get3A_569 = vector.load %arg7[%get3A_564, %get3A_565, %get3A_566, %get3A_567, %get3A_568] : memref<8x1x1x7x64xf32, #tpu.memory_space<vmem>>, vector<8x1x1x1x64xf32>
    %get3A_570 = vector.shape_cast %get3A_569 : vector<8x1x1x1x64xf32> to vector<8x64xf32>
    %mul3A_571 = arith.mulf %dot_general3A_554, %get3A_570 : vector<8x64xf32>
    %add3A_572 = arith.addf %add3A_563, %mul3A_571 : vector<8x64xf32>
    %swap3A_573 = arith.constant 6 : index
    %swap3A_574 = arith.constant 0 : index
    %swap3A_575 = arith.constant 0 : index
    %swap3A_576 = vector.load %arg8[%swap3A_573, %swap3A_574, %swap3A_575] : memref<7x8x64xf32, #tpu.memory_space<vmem>>, vector<1x8x64xf32>
    %swap3A_577 = vector.shape_cast %swap3A_576 : vector<1x8x64xf32> to vector<8x64xf32>
    %swap3A_578 = vector.shape_cast %add3A_572 : vector<8x64xf32> to vector<1x8x64xf32>
    tpu.vector_store %arg8[%swap3A_573, %swap3A_574, %swap3A_575], %swap3A_578 {strides = array<i32>} : memref<7x8x64xf32, #tpu.memory_space<vmem>>, vector<1x8x64xf32>,
    return
  }
  func.func @transform_0(%arg0: i32) -> (i32, i32) {
    %c0_i32 = arith.constant 0 : i32
    %c0_i32_0 = arith.constant 0 : i32
    return %arg0, %c0_i32 : i32, i32
  }
  func.func @transform_1(%arg0: i32) -> (i32, i32) {
    %c0_i32 = arith.constant 0 : i32
    %c0_i32_0 = arith.constant 0 : i32
    return %arg0, %c0_i32 : i32, i32
  }
  func.func @transform_2(%arg0: i32) -> (i32, i32, i32, i32, i32, i32, i32, i32) {
    %jit3A = arith.constant 7 : i32
    %div3A = arith.divsi %arg0, %jit3A : i32
    %sign3A = arith.constant 0 : i32
    %sign3A_0 = arith.cmpi sgt, %arg0, %sign3A : i32
    %sign3A_1 = arith.extui %sign3A_0 : i1 to i32
    %sign3A_2 = arith.constant 0 : i32
    %sign3A_3 = arith.cmpi slt, %arg0, %sign3A_2 : i32
    %sign3A_4 = arith.extui %sign3A_3 : i1 to i32
    %sign3A_5 = arith.subi %sign3A_1, %sign3A_4 : i32
    %sign3A_6 = arith.constant 0 : i32
    %sign3A_7 = arith.cmpi sgt, %jit3A, %sign3A_6 : i32
    %sign3A_8 = arith.extui %sign3A_7 : i1 to i32
    %sign3A_9 = arith.constant 0 : i32
    %sign3A_10 = arith.cmpi slt, %jit3A, %sign3A_9 : i32
    %sign3A_11 = arith.extui %sign3A_10 : i1 to i32
    %sign3A_12 = arith.subi %sign3A_8, %sign3A_11 : i32
    %ne3A = arith.cmpi ne, %sign3A_5, %sign3A_12 : i32
    %rem3A = arith.remsi %arg0, %jit3A : i32
    %ne3A_13 = arith.constant 0 : i32
    %ne3A_14 = arith.cmpi ne, %rem3A, %ne3A_13 : i32
    %and3A = arith.andi %ne3A, %ne3A_14 : i1
    %sub3A = arith.constant 1 : i32
    %sub3A_15 = arith.subi %div3A, %sub3A : i32
    %select_n3A = arith.select %and3A, %sub3A_15, %div3A : i32
    %add3A = arith.constant 0 : i32
    %add3A_16 = arith.addi %add3A, %select_n3A : i32
    %jit3A_17 = arith.constant 7 : i32
    %eq3A = arith.constant 0 : i32
    %eq3A_18 = arith.cmpi eq, %jit3A_17, %eq3A : i32
    %jit3A_19 = arith.constant 1 : i32
    %select_n3A_20 = arith.select %eq3A_18, %jit3A_19, %jit3A_17 : i32
    %rem3A_21 = arith.remsi %arg0, %select_n3A_20 : i32
    %ne3A_22 = arith.constant 0 : i32
    %ne3A_23 = arith.cmpi ne, %rem3A_21, %ne3A_22 : i32
    %lt3A = arith.constant 0 : i32
    %lt3A_24 = arith.cmpi slt, %rem3A_21, %lt3A : i32
    %lt3A_25 = arith.constant 0 : i32
    %lt3A_26 = arith.cmpi slt, %select_n3A_20, %lt3A_25 : i32
    %ne3A_27 = arith.xori %lt3A_24, %lt3A_26 : i1
    %and3A_28 = arith.andi %ne3A_27, %ne3A_23 : i1
    %add3A_29 = arith.addi %rem3A_21, %select_n3A_20 : i32
    %select_n3A_30 = arith.select %and3A_28, %add3A_29, %rem3A_21 : i32
    %c0_i32 = arith.constant 0 : i32
    %c0_i32_31 = arith.constant 0 : i32
    %c0_i32_32 = arith.constant 0 : i32
    %c0_i32_33 = arith.constant 0 : i32
    %c0_i32_34 = arith.constant 0 : i32
    %c0_i32_35 = arith.constant 0 : i32
    %c0_i32_36 = arith.constant 0 : i32
    return %add3A_16, %select_n3A_30, %c0_i32, %c0_i32_31, %c0_i32_32, %c0_i32_33, %c0_i32_34, %c0_i32_35 : i32, i32, i32, i32, i32, i32, i32, i32
  }
  func.func @transform_3(%arg0: i32) -> (i32, i32, i32, i32, i32, i32, i32, i32) {
    %jit3A = arith.constant 7 : i32
    %div3A = arith.divsi %arg0, %jit3A : i32
    %sign3A = arith.constant 0 : i32
    %sign3A_0 = arith.cmpi sgt, %arg0, %sign3A : i32
    %sign3A_1 = arith.extui %sign3A_0 : i1 to i32
    %sign3A_2 = arith.constant 0 : i32
    %sign3A_3 = arith.cmpi slt, %arg0, %sign3A_2 : i32
    %sign3A_4 = arith.extui %sign3A_3 : i1 to i32
    %sign3A_5 = arith.subi %sign3A_1, %sign3A_4 : i32
    %sign3A_6 = arith.constant 0 : i32
    %sign3A_7 = arith.cmpi sgt, %jit3A, %sign3A_6 : i32
    %sign3A_8 = arith.extui %sign3A_7 : i1 to i32
    %sign3A_9 = arith.constant 0 : i32
    %sign3A_10 = arith.cmpi slt, %jit3A, %sign3A_9 : i32
    %sign3A_11 = arith.extui %sign3A_10 : i1 to i32
    %sign3A_12 = arith.subi %sign3A_8, %sign3A_11 : i32
    %ne3A = arith.cmpi ne, %sign3A_5, %sign3A_12 : i32
    %rem3A = arith.remsi %arg0, %jit3A : i32
    %ne3A_13 = arith.constant 0 : i32
    %ne3A_14 = arith.cmpi ne, %rem3A, %ne3A_13 : i32
    %and3A = arith.andi %ne3A, %ne3A_14 : i1
    %sub3A = arith.constant 1 : i32
    %sub3A_15 = arith.subi %div3A, %sub3A : i32
    %select_n3A = arith.select %and3A, %sub3A_15, %div3A : i32
    %add3A = arith.constant 0 : i32
    %add3A_16 = arith.addi %add3A, %select_n3A : i32
    %jit3A_17 = arith.constant 7 : i32
    %eq3A = arith.constant 0 : i32
    %eq3A_18 = arith.cmpi eq, %jit3A_17, %eq3A : i32
    %jit3A_19 = arith.constant 1 : i32
    %select_n3A_20 = arith.select %eq3A_18, %jit3A_19, %jit3A_17 : i32
    %rem3A_21 = arith.remsi %arg0, %select_n3A_20 : i32
    %ne3A_22 = arith.constant 0 : i32
    %ne3A_23 = arith.cmpi ne, %rem3A_21, %ne3A_22 : i32
    %lt3A = arith.constant 0 : i32
    %lt3A_24 = arith.cmpi slt, %rem3A_21, %lt3A : i32
    %lt3A_25 = arith.constant 0 : i32
    %lt3A_26 = arith.cmpi slt, %select_n3A_20, %lt3A_25 : i32
    %ne3A_27 = arith.xori %lt3A_24, %lt3A_26 : i1
    %and3A_28 = arith.andi %ne3A_27, %ne3A_23 : i1
    %add3A_29 = arith.addi %rem3A_21, %select_n3A_20 : i32
    %select_n3A_30 = arith.select %and3A_28, %add3A_29, %rem3A_21 : i32
    %c0_i32 = arith.constant 0 : i32
    %c0_i32_31 = arith.constant 0 : i32
    %c0_i32_32 = arith.constant 0 : i32
    %c0_i32_33 = arith.constant 0 : i32
    %c0_i32_34 = arith.constant 0 : i32
    %c0_i32_35 = arith.constant 0 : i32
    %c0_i32_36 = arith.constant 0 : i32
    return %add3A_16, %select_n3A_30, %c0_i32, %c0_i32_31, %c0_i32_32, %c0_i32_33, %c0_i32_34, %c0_i32_35 : i32, i32, i32, i32, i32, i32, i32, i32
  }
  func.func @transform_4(%arg0: i32) -> (i32, i32, i32, i32, i32, i32, i32, i32) {
    %jit3A = arith.constant 7 : i32
    %div3A = arith.divsi %arg0, %jit3A : i32
    %sign3A = arith.constant 0 : i32
    %sign3A_0 = arith.cmpi sgt, %arg0, %sign3A : i32
    %sign3A_1 = arith.extui %sign3A_0 : i1 to i32
    %sign3A_2 = arith.constant 0 : i32
    %sign3A_3 = arith.cmpi slt, %arg0, %sign3A_2 : i32
    %sign3A_4 = arith.extui %sign3A_3 : i1 to i32
    %sign3A_5 = arith.subi %sign3A_1, %sign3A_4 : i32
    %sign3A_6 = arith.constant 0 : i32
    %sign3A_7 = arith.cmpi sgt, %jit3A, %sign3A_6 : i32
    %sign3A_8 = arith.extui %sign3A_7 : i1 to i32
    %sign3A_9 = arith.constant 0 : i32
    %sign3A_10 = arith.cmpi slt, %jit3A, %sign3A_9 : i32
    %sign3A_11 = arith.extui %sign3A_10 : i1 to i32
    %sign3A_12 = arith.subi %sign3A_8, %sign3A_11 : i32
    %ne3A = arith.cmpi ne, %sign3A_5, %sign3A_12 : i32
    %rem3A = arith.remsi %arg0, %jit3A : i32
    %ne3A_13 = arith.constant 0 : i32
    %ne3A_14 = arith.cmpi ne, %rem3A, %ne3A_13 : i32
    %and3A = arith.andi %ne3A, %ne3A_14 : i1
    %sub3A = arith.constant 1 : i32
    %sub3A_15 = arith.subi %div3A, %sub3A : i32
    %select_n3A = arith.select %and3A, %sub3A_15, %div3A : i32
    %add3A = arith.constant 0 : i32
    %add3A_16 = arith.addi %add3A, %select_n3A : i32
    %jit3A_17 = arith.constant 7 : i32
    %eq3A = arith.constant 0 : i32
    %eq3A_18 = arith.cmpi eq, %jit3A_17, %eq3A : i32
    %jit3A_19 = arith.constant 1 : i32
    %select_n3A_20 = arith.select %eq3A_18, %jit3A_19, %jit3A_17 : i32
    %rem3A_21 = arith.remsi %arg0, %select_n3A_20 : i32
    %ne3A_22 = arith.constant 0 : i32
    %ne3A_23 = arith.cmpi ne, %rem3A_21, %ne3A_22 : i32
    %lt3A = arith.constant 0 : i32
    %lt3A_24 = arith.cmpi slt, %rem3A_21, %lt3A : i32
    %lt3A_25 = arith.constant 0 : i32
    %lt3A_26 = arith.cmpi slt, %select_n3A_20, %lt3A_25 : i32
    %ne3A_27 = arith.xori %lt3A_24, %lt3A_26 : i1
    %and3A_28 = arith.andi %ne3A_27, %ne3A_23 : i1
    %add3A_29 = arith.addi %rem3A_21, %select_n3A_20 : i32
    %select_n3A_30 = arith.select %and3A_28, %add3A_29, %rem3A_21 : i32
    %c0_i32 = arith.constant 0 : i32
    %c0_i32_31 = arith.constant 0 : i32
    %c0_i32_32 = arith.constant 0 : i32
    %c0_i32_33 = arith.constant 0 : i32
    %c0_i32_34 = arith.constant 0 : i32
    %c0_i32_35 = arith.constant 0 : i32
    %c0_i32_36 = arith.constant 0 : i32
    return %add3A_16, %select_n3A_30, %c0_i32, %c0_i32_31, %c0_i32_32, %c0_i32_33, %c0_i32_34, %c0_i32_35 : i32, i32, i32, i32, i32, i32, i32, i32
  }
  func.func @transform_5(%arg0: i32) -> (i32, i32, i32, i32) {
    %jit3A = arith.constant 7 : i32
    %div3A = arith.divsi %arg0, %jit3A : i32
    %sign3A = arith.constant 0 : i32
    %sign3A_0 = arith.cmpi sgt, %arg0, %sign3A : i32
    %sign3A_1 = arith.extui %sign3A_0 : i1 to i32
    %sign3A_2 = arith.constant 0 : i32
    %sign3A_3 = arith.cmpi slt, %arg0, %sign3A_2 : i32
    %sign3A_4 = arith.extui %sign3A_3 : i1 to i32
    %sign3A_5 = arith.subi %sign3A_1, %sign3A_4 : i32
    %sign3A_6 = arith.constant 0 : i32
    %sign3A_7 = arith.cmpi sgt, %jit3A, %sign3A_6 : i32
    %sign3A_8 = arith.extui %sign3A_7 : i1 to i32
    %sign3A_9 = arith.constant 0 : i32
    %sign3A_10 = arith.cmpi slt, %jit3A, %sign3A_9 : i32
    %sign3A_11 = arith.extui %sign3A_10 : i1 to i32
    %sign3A_12 = arith.subi %sign3A_8, %sign3A_11 : i32
    %ne3A = arith.cmpi ne, %sign3A_5, %sign3A_12 : i32
    %rem3A = arith.remsi %arg0, %jit3A : i32
    %ne3A_13 = arith.constant 0 : i32
    %ne3A_14 = arith.cmpi ne, %rem3A, %ne3A_13 : i32
    %and3A = arith.andi %ne3A, %ne3A_14 : i1
    %sub3A = arith.constant 1 : i32
    %sub3A_15 = arith.subi %div3A, %sub3A : i32
    %select_n3A = arith.select %and3A, %sub3A_15, %div3A : i32
    %add3A = arith.constant 0 : i32
    %add3A_16 = arith.addi %add3A, %select_n3A : i32
    %jit3A_17 = arith.constant 7 : i32
    %eq3A = arith.constant 0 : i32
    %eq3A_18 = arith.cmpi eq, %jit3A_17, %eq3A : i32
    %jit3A_19 = arith.constant 1 : i32
    %select_n3A_20 = arith.select %eq3A_18, %jit3A_19, %jit3A_17 : i32
    %rem3A_21 = arith.remsi %arg0, %select_n3A_20 : i32
    %ne3A_22 = arith.constant 0 : i32
    %ne3A_23 = arith.cmpi ne, %rem3A_21, %ne3A_22 : i32
    %lt3A = arith.constant 0 : i32
    %lt3A_24 = arith.cmpi slt, %rem3A_21, %lt3A : i32
    %lt3A_25 = arith.constant 0 : i32
    %lt3A_26 = arith.cmpi slt, %select_n3A_20, %lt3A_25 : i32
    %ne3A_27 = arith.xori %lt3A_24, %lt3A_26 : i1
    %and3A_28 = arith.andi %ne3A_27, %ne3A_23 : i1
    %add3A_29 = arith.addi %rem3A_21, %select_n3A_20 : i32
    %select_n3A_30 = arith.select %and3A_28, %add3A_29, %rem3A_21 : i32
    %c0_i32 = arith.constant 0 : i32
    %c0_i32_31 = arith.constant 0 : i32
    %c0_i32_32 = arith.constant 0 : i32
    return %add3A_16, %select_n3A_30, %c0_i32, %c0_i32_31 : i32, i32, i32, i32
  }
  func.func @transform_6(%arg0: i32) -> (i32, i32, i32, i32, i32) {
    %jit3A = arith.constant 7 : i32
    %div3A = arith.divsi %arg0, %jit3A : i32
    %sign3A = arith.constant 0 : i32
    %sign3A_0 = arith.cmpi sgt, %arg0, %sign3A : i32
    %sign3A_1 = arith.extui %sign3A_0 : i1 to i32
    %sign3A_2 = arith.constant 0 : i32
    %sign3A_3 = arith.cmpi slt, %arg0, %sign3A_2 : i32
    %sign3A_4 = arith.extui %sign3A_3 : i1 to i32
    %sign3A_5 = arith.subi %sign3A_1, %sign3A_4 : i32
    %sign3A_6 = arith.constant 0 : i32
    %sign3A_7 = arith.cmpi sgt, %jit3A, %sign3A_6 : i32
    %sign3A_8 = arith.extui %sign3A_7 : i1 to i32
    %sign3A_9 = arith.constant 0 : i32
    %sign3A_10 = arith.cmpi slt, %jit3A, %sign3A_9 : i32
    %sign3A_11 = arith.extui %sign3A_10 : i1 to i32
    %sign3A_12 = arith.subi %sign3A_8, %sign3A_11 : i32
    %ne3A = arith.cmpi ne, %sign3A_5, %sign3A_12 : i32
    %rem3A = arith.remsi %arg0, %jit3A : i32
    %ne3A_13 = arith.constant 0 : i32
    %ne3A_14 = arith.cmpi ne, %rem3A, %ne3A_13 : i32
    %and3A = arith.andi %ne3A, %ne3A_14 : i1
    %sub3A = arith.constant 1 : i32
    %sub3A_15 = arith.subi %div3A, %sub3A : i32
    %select_n3A = arith.select %and3A, %sub3A_15, %div3A : i32
    %add3A = arith.constant 0 : i32
    %add3A_16 = arith.addi %add3A, %select_n3A : i32
    %jit3A_17 = arith.constant 7 : i32
    %eq3A = arith.constant 0 : i32
    %eq3A_18 = arith.cmpi eq, %jit3A_17, %eq3A : i32
    %jit3A_19 = arith.constant 1 : i32
    %select_n3A_20 = arith.select %eq3A_18, %jit3A_19, %jit3A_17 : i32
    %rem3A_21 = arith.remsi %arg0, %select_n3A_20 : i32
    %ne3A_22 = arith.constant 0 : i32
    %ne3A_23 = arith.cmpi ne, %rem3A_21, %ne3A_22 : i32
    %lt3A = arith.constant 0 : i32
    %lt3A_24 = arith.cmpi slt, %rem3A_21, %lt3A : i32
    %lt3A_25 = arith.constant 0 : i32
    %lt3A_26 = arith.cmpi slt, %select_n3A_20, %lt3A_25 : i32
    %ne3A_27 = arith.xori %lt3A_24, %lt3A_26 : i1
    %and3A_28 = arith.andi %ne3A_27, %ne3A_23 : i1
    %add3A_29 = arith.addi %rem3A_21, %select_n3A_20 : i32
    %select_n3A_30 = arith.select %and3A_28, %add3A_29, %rem3A_21 : i32
    %c0_i32 = arith.constant 0 : i32
    %c0_i32_31 = arith.constant 0 : i32
    %c0_i32_32 = arith.constant 0 : i32
    %c0_i32_33 = arith.constant 0 : i32
    return %c0_i32, %add3A_16, %select_n3A_30, %c0_i32_31, %c0_i32_32 : i32, i32, i32, i32, i32
  }
  func.func @transform_7(%arg0: i32) -> (i32, i32, i32) {
    %c0_i32 = arith.constant 0 : i32
    %c0_i32_0 = arith.constant 0 : i32
    %c0_i32_1 = arith.constant 0 : i32
    return %arg0, %c0_i32, %c0_i32_0 : i32, i32, i32
  }
}

</mosaic_0001>

<sc_bundles>
// kernel: kernel.6.cloned.1.call-start
scs
__scs_entry_jumppad:
0x0: {  	(pc) =	sbr.rel $0x88, $3  }
0x1: {  	(tag) =	ssettag $0x0;
	lr =	simm.s32 $0x1  }
0x2: {  	[smem:$0x3F9A] =	sst lr;
	_ =	strace $0xD0000000  }
0x3: {  	_ = 	snop  }
0x4: {  	_ = 	snop  }
0x5: {  	_ = 	snop  }
0x6: {  	_ = 	snop  }
0x7: {  	_ = 	snop  }
__scs_overlays_trampoline_lowered:
0x8: {  	[smem:$0x3FA9] =	sst s0  }
0x9: {  	[smem:$0x3FAA] =	sst s1  }
0xa: {  	[smem:$0x3FAB] =	sst s2  }
0xb: {  	[smem:$0x3FAC] =	sst s3  }
0xc: {  	[smem:$0x3FAD] =	sst s4  }
0xd: {  	[smem:$0x3FAE] =	sst s5  }
0xe: {  	[smem:$0x3FAF] =	sst s6  }
0xf: {  	[smem:$0x3FB0] =	sst s7  }
0x10: {  	[smem:$0x3FB1] =	sst s8  }
0x11: {  	[smem:$0x3FB2] =	sst s9;
	s0 =	simm.s32 @!p0 $0x0  }
0x12: {  	s1 =	sld [smem:$0x3F98];
	s0 =	simm.s32 @p0 $0x1  }
0x13: {  	[smem:$0x3FB3] =	sst s0;
	s0 =	simm.s32 @!p1 $0x0  }
0x14: {  	s2 =	sld [smem:$0x3F97];
	s0 =	simm.s32 @p1 $0x1  }
0x15: {  	[smem:$0x3FB4] =	sst s0;
	s0 =	simm.s32 @!p2 $0x0  }
0x16: {  	s3 =	sld [smem:$0x3FDB];
	s0 =	simm.s32 @p2 $0x1  }
0x17: {  	s4 =	simm.s32 $0x1BF5;
	[smem:$0x3FB6] =	sst s0  }
0x18: {  	s0 =	sld [smem:$0x3F99];
	_ =	swait.ge [sflag:s4], $0x0  }
0x19: {  	s7 =	sld [smem:$0x3F9A]  }
0x1a: {  	s8 =	sadd.s32 $0xFFFFE003, lr  }
0x1b: {  	s9 =	sadd.s32 $0xFFFFFEF7, lr;
	s5 =	simm.s32 $0xFFFFFFFF;
	p2 =	slt.u32 s8, $0xFFFFF086  }
0x1c: {  	p1 =	slt.u32 s9, $0xF7A;
	s5 =	simm.s32 @!p2 $0x0  }
0x1d: {  	s5 =	simm.s32 @p1 $0x1;
	p0 =	seq.s32 s7, s2  }
0x1e: {  	s7 =	smul.u32 @!p0 $0xF7A, s2;
	p2 =	seq.s32 @!p0 s5, $0x0  }
0x1f: {  	s9 =	smul.u32 $0xF7A, s1;
	s8 =	simm.s32 @!p0 $0x1BF5;
	p2 =	por !p2, p0  }
0x20: {  	[sflag:s8] =	ssyncset.s32 @!p0 $0xFFFFF086;
	s6 =	sadd.s32 @!p0 s3, s7;
	s7 =	simm.s32 @!p0 $0x108  }
0x21: {  	s3 =	sadd.s32 s3, s9;
	s6 =	sadd.s32 @!p0 $0x88, s6;
	s7 =	simm.s32 @p2 $0x1082  }
0x22: {  	[simem:s7], [sflag:s8] =	dma.local @!p0 [hbm:s6], $0xF7A  }
0x23: {  	s9 =	sor.u32 $0xD0000000, s2;
	s6 =	simm.s32 $0x108;
	_ =	swait.ge @!p0 [sflag:s8], $0x0  }
0x24: {  	s3 =	sadd.s32 $0x88, s3;
	s6 =	simm.s32 @!p1 $0x1082;
	[sflag:s4] =	ssyncset.s32 $0xFFFFF086  }
0x25: {  	[simem:s6], [sflag:s4] =	dma.local [hbm:s3], $0xF7A  }
0x26: {  	[smem:$0x3F9A] =	sst s1;
	(tag) =	ssettag s2;
	_ =	strace s9  }
0x27: {  	s1 =	sld [smem:$0x3FAA]  }
0x28: {  	s2 =	sld [smem:$0x3FAB]  }
0x29: {  	s4 =	sld [smem:$0x3FAD]  }
0x2a: {  	p0 =	seq.s32 s5, $0x0;
	s5 =	sld [smem:$0x3FAE]  }
0x2b: {  	s6 =	sld [smem:$0x3FAF]  }
0x2c: {  	s7 =	sld [smem:$0x3FB0]  }
0x2d: {  	s3 =	simm.s32 $0x108;
	s8 =	sld [smem:$0x3FB1]  }
0x2e: {  	s3 =	simm.s32 @!p0 $0x1082;
	s9 =	sld [smem:$0x3FB2]  }
0x2f: {  	lr =	sadd.s32 s0, s3;
	s0 =	sld [smem:$0x3FA9]  }
0x30: {  	s3 =	sld [smem:$0x3FAC]  }
0x31: {  	[smem:$0x3FB5] =	sst s10  }
0x32: {  	s10 =	sld [smem:$0x3FB3];
	_ =	sdelay $0x3  }
0x33: {  	p0 =	seq.s32 s10, $0x1;
	s10 =	sld [smem:$0x3FB5];
	_ =	sdelay $0x3  }
0x34: {  	[smem:$0x3FB5] =	sst s10  }
0x35: {  	s10 =	sld [smem:$0x3FB4];
	_ =	sdelay $0x3  }
0x36: {  	p1 =	seq.s32 s10, $0x1;
	s10 =	sld [smem:$0x3FB5];
	_ =	sdelay $0x3  }
0x37: {  	[smem:$0x3FB5] =	sst s10  }
0x38: {  	s10 =	sld [smem:$0x3FB6]  }
0x39: {  	_ = 	snop;
	(pc) =	sbr.ind lr, $3  }
0x3a: {  	_ = 	snop  }
0x3b: {  	_ = 	snop  }
0x3c: {  	p2 =	seq.s32 s10, $0x1;
	s10 =	sld [smem:$0x3FB5]  }
0x3d: {  	_ =	shalt  }
0x3e: {  	_ =	shalt  }
0x3f: {  	_ =	shalt  }
0x40: {  	_ =	shalt  }
0x41: {  	_ =	shalt  }
0x42: {  	_ =	shalt  }
0x43: {  	_ =	shalt  }
0x44: {  	_ =	shalt  }
0x45: {  	_ =	shalt  }
0x46: {  	_ =	shalt  }
0x47: {  	_ =	shalt  }
0x48: {  	_ =	shalt  }
0x49: {  	_ =	shalt  }
0x4a: {  	_ =	shalt  }
0x4b: {  	_ =	shalt  }
0x4c: {  	_ =	shalt  }
0x4d: {  	_ =	shalt  }
0x4e: {  	_ =	shalt  }
0x4f: {  	_ =	shalt  }
0x50: {  	_ =	shalt  }
0x51: {  	_ =	shalt  }
0x52: {  	_ =	shalt  }
0x53: {  	_ =	shalt  }
0x54: {  	_ =	shalt  }
0x55: {  	_ =	shalt  }
0x56: {  	_ =	shalt  }
0x57: {  	_ =	shalt  }
0x58: {  	_ =	shalt  }
0x59: {  	_ =	shalt  }
0x5a: {  	_ =	shalt  }
0x5b: {  	_ =	shalt  }
0x5c: {  	_ =	shalt  }
0x5d: {  	_ =	shalt  }
0x5e: {  	_ =	shalt  }
0x5f: {  	_ =	shalt  }
0x60: {  	_ =	shalt  }
0x61: {  	_ =	shalt  }
0x62: {  	_ =	shalt  }
0x63: {  	_ =	shalt  }
0x64: {  	_ =	shalt  }
0x65: {  	_ =	shalt  }
0x66: {  	_ =	shalt  }
0x67: {  	_ =	shalt  }
0x68: {  	_ =	shalt  }
0x69: {  	_ =	shalt  }
0x6a: {  	_ =	shalt  }
0x6b: {  	_ =	shalt  }
0x6c: {  	_ =	shalt  }
0x6d: {  	_ =	shalt  }
0x6e: {  	_ =	shalt  }
0x6f: {  	_ =	shalt  }
0x70: {  	_ =	shalt  }
0x71: {  	_ =	shalt  }
0x72: {  	_ =	shalt  }
0x73: {  	_ =	shalt  }
0x74: {  	_ =	shalt  }
0x75: {  	_ =	shalt  }
0x76: {  	_ =	shalt  }
0x77: {  	_ =	shalt  }
0x78: {  	_ =	shalt  }
0x79: {  	_ =	shalt  }
0x7a: {  	_ =	shalt  }
0x7b: {  	_ =	shalt  }
0x7c: {  	_ =	shalt  }
0x7d: {  	_ =	shalt  }
0x7e: {  	_ =	shalt  }
0x7f: {  	_ =	shalt  }
0x80: {  	_ =	shalt  }
0x81: {  	_ =	shalt  }
0x82: {  	_ =	shalt  }
0x83: {  	_ =	shalt  }
0x84: {  	_ =	shalt  }
0x85: {  	_ =	shalt  }
0x86: {  	_ =	shalt  }
0x87: {  	_ =	shalt  }
.Lfunc_end0:
.L_simem_size_0:
called_computation_lowered:
.L_overlay_start_0:
0x88: {  	s2 =	sld [smem:$0x3FD9]  }
0x89: {  	s3 =	sld [smem:$0x3FFE];
	_ =	sdelay $0x1  }
0x8a: {  	s1 =	srdreg.scid  }
0x8b: {  	s0 =	sand.u32 $0x1, s1  }
0x8c: {  	s17 =	sshll.u32 s0, $0xA;
	s2 =	sadd.s32 s3, s2  }
0x8d: {  	s2 =	sadd.s32 s2, s17  }
0x8e: {  	[smem:$0x3FC1] =	sst s2  }
0x8f: {  	_ = 	snop  }
0x90: {  	s18 =	sld [smem:$0x3FD0];
	(tm) =	ssettm $0x1  }
0x91: {  	s19 =	sld [smem:$0x3FFB];
	_ =	sdelay $0x3  }
0x92: {  	_ =	strace s19  }
0x93: {  	s2 =	sld [smem:$0x3FFC];
	_ =	sdelay $0x3  }
0x94: {  	_ =	strace s2  }
0x95: {  	s2 =	sld [smem:$0x3FFD];
	_ =	sdelay $0x3  }
0x96: {  	_ =	strace s2  }
0x97: {  	_ =	strace $0x8FFFFFFF  }
0x98: {  	s20 =	sld [smem:$0x3FDB];
	_ =	sdelay $0x1  }
0x99: {  	s4 =	simm.s32 $_scs_section_size  }
0x9a: {  	s5 =	simm.s32 $_size__tile_overlayer_lowered;
	s6 =	simm.s32 $_tile_overlayer_lowered  }
0x9b: {  	s7 =	simm.s32 $0x1BFF;
	s21 =	sshll.u32 s6, $0x1;
	s4 =	sadd.s32 s4, s20  }
0x9c: {  	s22 =	simm.s32 $0x0;
	s5 =	sshll.u32 s5, $0x1;
	s6 =	sadd.s32 s21, s4  }
0x9d: {  	[timem:s22], [sflag:s7] =	dma.local [hbm:s6], s5  }
0x9e: {  	_ =	swait.ge [sflag:s7], s5  }
0x9f: {  	s5 =	ssub.s32 $0x0, s5;
	[sflag:s7] =	ssyncset.done $0x0  }
0xa0: {  	[sflag:s7] =	ssyncadd.s32 s5;
	_ =	sdelay $0x1  }
0xa1: {  	s23 =	simm.s32 $0x1B8B  }
0xa2: {  	_ =	swait.ge [sflag:s23], $0x1  }
0xa3: {  	[sflag:s23] =	ssyncset.done $0x0  }
0xa4: {  	[sflag:s23] =	ssyncadd.s32 $0xFFFFFFFF  }
0xa5: {  	s5 =	sld [smem:$0x0]  }
0xa6: {  	s6 =	sand.u32 $0xFFFFFFFE, s1  }
0xa7: {  	p0 =	sne.s32 s1, s6  }
0xa8: {  	s6 =	sshll.u32 @p0 s6, $0xE  }
0xa9: {  	s6 =	sadd.s32 @p0 $0x11B8D, s6;
	s7 =	sshll.u32 @p0 s5, $0x11  }
0xaa: {  	s6 =	sor.u32 @p0 s7, s6  }
0xab: {  	[sflag:s6] =	ssyncadd.remote.s32 @p0 $0x1;
	_ =	sdelay $0x1  }
0xac: {  	s6 =	simm.s32 @p0 $0x1B8D  }
0xad: {  	_ =	swait.eq @p0 [sflag:s6], $0x1  }
0xae: {  	[sflag:s6] =	ssyncadd.s32 @p0 $0xFFFFFFFF  }
0xaf: {  	s7 =	sshll.u32 @!p0 s1, $0xE  }
0xb0: {  	s7 =	sor.u32 @!p0 $0x4000, s7;
	s6 =	simm.s32 @!p0 $0x1B8D  }
0xb1: {  	s5 =	sshll.u32 @!p0 s5, $0x11;
	s7 =	sadd.s32 @!p0 $0x11B8D, s7;
	_ =	swait.eq @!p0 [sflag:s6], $0x1  }
0xb2: {  	s5 =	sor.u32 @!p0 s5, s7;
	[sflag:s6] =	ssyncadd.s32 @!p0 $0xFFFFFFFF  }
0xb3: {  	s25 =	simm.s32 $0x1B8E;
	s24 =	sld [smem:$0x3FFE];
	[sflag:s5] =	ssyncadd.remote.s32 @!p0 $0x1  }
0xb4: {  	s26 =	simm.s32 $execute0_lowered;
	[smem:$0x3FD2] =	sst s25  }
0xb5: {  	s6 =	sshll.u32 s26, $0x1;
	_ =	strace $0x80000049;
	[dreg:$0x1] =	wrdreg $0xFFFFFFFF  }
0xb6: {  	s28 =	simm.s32 $_size_execute0_lowered;
	s4 =	sadd.s32 s4, s6;
	[dreg:$0x0] =	wrdreg $0x0  }
0xb7: {  	s6 =	sshll.u32 s28, $0x1;
	[dreg:$0x2] =	wrdreg s4  }
0xb8: {  	[dreg:$0x3] =	wrdreg s6  }
0xb9: {  	[dreg:$0x4] =	wrdreg $0xC0  }
0xba: {  	_ =	task [dreg:s22], $0x5FFFF  }
0xbb: {  	[dreg:$0x1] =	wrdreg $0xFFFFFFFF  }
0xbc: {  	[dreg:$0x0] =	wrdreg $0x60  }
0xbd: {  	[dreg:$0x2] =	wrdreg s24  }
0xbe: {  	[dreg:$0x3] =	wrdreg s18  }
0xbf: {  	[dreg:$0x4] =	wrdreg $0x9  }
0xc0: {  	_ =	task.clear_ibuf [dreg:s22], $0x5FFFF;
	_ =	strace $0x90000049  }
0xc1: {  	s29 =	simm.s32 $0x9;
	_ =	strace $0x8000004B  }
0xc2: {  	_ =	swait.ge [sflag:s29], $0x1  }
0xc3: {  	[sflag:s29] =	ssyncadd.s32 $0xFFFFFFFF  }
0xc4: {  	_ =	strace $0x9000004B  }
0xc5: {  	_ =	sfence  }
0xc6: {  	s30 =	sld [smem:$0x0];
	_ =	sdelay $0x2  }
0xc7: {  	s31 =	sshll.u32 s1, $0xD;
	s1 =	sshrl.u32 s1, $0x2  }
0xc8: {  	s4 =	sand.u32 $0x4000, s31;
	s1 =	sadd.s32 s1, s30  }
0xc9: {  	s0 =	sor.u32 s4, s0;
	s1 =	sshll.u32 s1, $0x11  }
0xca: {  	s0 =	sor.u32 s1, s0  }
0xcb: {  	s0 =	sadd.s32 $0x8F2B, s0  }
0xcc: {  	[sflag:s0] =	ssyncadd.remote.s32 $0x1  }
0xcd: {  	_ =	sfence.sel $0xFFFF  }
0xce: {  	[dreg:$0x0] =	wrdreg $0xFFFFFFFF;
	(pc) =	sbr.abs _section_cstart, $3  }
0xcf: {  	[dreg:$0x1] =	wrdreg $0xFFFFFFFF  }
0xd0: {  	_ =	task.clear_ibuf [dreg:s22], $0x2FFFF;
	_ =	strace $0x9FFFFFFF  }
0xd1: {  	(tm) =	ssettm $0x7FFFFFFF  }
tec
execute0_lowered:
.L_overlay_start_1:
0x0: {  	(tag) =	ssettag $0x1  }
0x1: {  	s1 =	srdreg.scid;
	s0 =	stileid.u32  }
0x2: {  	s12 =	rddreg [dreg:$0x0];
	s17 =	sand.u32 $0x1, s1;
	s25 =	sshll.u32 s0, $0x1  }
0x3: {  	s16 =	rddreg [dreg:$0x1];
	s14 =	sor.u32 s17, s25  }
0x4: {  	s2 =	simm.s32 $0x0;
	s1 =	rddreg [dreg:$0x2];
	s3 =	smul.u32 $0xF3, s14  }
0x5: {  	[smem:$0x7FF] =	sst s2  }
0x6: {  	_ =	strace $0x8000004A;
	s4 =	sadd.s32 s16, s3;
	s3 =	simm.s32 $0x3  }
0x7: {  	[tilespmem:s2], [sflag:$0x3] =	stream.linear.gather [hbm4b:s4+s2], $0x288, $0x38;
	[tilespmem:$0xA488] =	vst v63  }
0x8: {  	_ =	swait.ge [sflag:s3], $0x288  }
0x9: {  	[sflag:s3] =	ssyncset.done $0x0  }
0xa: {  	s6 =	simm.s32 $0x288;
	s5 =	sadd.s32 $0x2A00, s12;
	[sflag:s3] =	ssyncadd.s32 $0xFFFFFD78  }
0xb: {  	[tilespmem:s6], [sflag:$0x1] =	stream.indirect.gather [hbm4b:s5+s6], $0x20, s2, s6, $0xb8;
	[tilespmem:$0xA488] =	vst v63  }
0xc: {  	s8 =	simm.s32 $0x5388;
	s9 =	simm.s32 $0x1;
	s7 =	sadd.s32 $0x22A00, s12  }
0xd: {  	[tilespmem:s8], [sflag:$0x2] =	stream.indirect.gather [hbm4b:s7+s6], $0x20, s2, s6, $0xb8;
	[tilespmem:$0xA488] =	vst v63  }
0xe: {  	_ =	swait.ge [sflag:s9], $0x5100  }
0xf: {  	[sflag:s9] =	ssyncset.done $0x0  }
0x10: {  	s10 =	simm.s32 $0x2;
	[sflag:s9] =	ssyncadd.s32 $0xFFFFAF00  }
0x11: {  	s13 =	smul.u32 $0x1E60, s14;
	_ =	swait.ge [sflag:s10], $0x5100  }
0x12: {  	s18 =	sadd.s32 $0xD0600, s12;
	[sflag:s10] =	ssyncset.done $0x0  }
0x13: {  	s11 =	sadd.s32 s18, s13;
	[sflag:s10] =	ssyncadd.s32 $0xFFFFAF00  }
0x14: {  	[hbm4b:s11+s2] =	stream.linear.scatter [tilespmem:s6], [sflag:$0x3], $0x5100, $0x38;
	[tilespmem:$0xA488] =	vst v63  }
0x15: {  	_ =	swait.ge [sflag:s3], $0x5100  }
0x16: {  	s19 =	sadd.s32 $0x93A00, s12;
	[sflag:s3] =	ssyncset.done $0x0  }
0x17: {  	s20 =	smul.u32 $0x798, s14;
	s12 =	sadd.s32 s19, s13;
	[sflag:s3] =	ssyncadd.s32 $0xFFFFAF00  }
0x18: {  	[hbm4b:s12+s2] =	stream.linear.scatter [tilespmem:s8], [sflag:$0x3], $0x5100, $0x38;
	[tilespmem:$0xA488] =	vst v63  }
0x19: {  	s26 =	sadd.s32 $0x288, s20;
	_ =	swait.ge [sflag:s3], $0x5100  }
0x1a: {  	s13 =	sshrl.u32 s26, $0x3;
	[sflag:s3] =	ssyncset.done $0x0  }
0x1b: {  	s13 =	sadd.s32 s16, s13;
	[sflag:s3] =	ssyncadd.s32 $0xFFFFAF00  }
0x1c: {  	[tilespmem:s2], [sflag:$0x3] =	stream.linear.gather [hbm4b:s13+s2], $0x288, $0x38;
	[tilespmem:$0xA488] =	vst v63  }
0x1d: {  	_ =	swait.ge [sflag:s3], $0x288  }
0x1e: {  	[sflag:s3] =	ssyncset.done $0x0  }
0x1f: {  	[sflag:s3] =	ssyncadd.s32 $0xFFFFFD78  }
0x20: {  	[tilespmem:s6], [sflag:$0x1] =	stream.indirect.gather [hbm4b:s5+s6], $0x20, s2, s6, $0xb8;
	[tilespmem:$0xA488] =	vst v63  }
0x21: {  	_ = 	snop  }
0x22: {  	[tilespmem:s8], [sflag:$0x2] =	stream.indirect.gather [hbm4b:s7+s6], $0x20, s2, s6, $0xb8;
	[tilespmem:$0xA488] =	vst v63  }
0x23: {  	_ =	swait.ge [sflag:s9], $0x5100  }
0x24: {  	s14 =	smul.u32 $0xF300, s14;
	[sflag:s9] =	ssyncset.done $0x0  }
0x25: {  	[sflag:s9] =	ssyncadd.s32 $0xFFFFAF00  }
0x26: {  	s21 =	sshrl.u32 s14, $0x3;
	_ =	swait.ge [sflag:s10], $0x5100  }
0x27: {  	s15 =	sadd.s32 $0xA20, s21;
	[sflag:s10] =	ssyncset.done $0x0  }
0x28: {  	s14 =	sadd.s32 s18, s15;
	[sflag:s10] =	ssyncadd.s32 $0xFFFFAF00  }
0x29: {  	[hbm4b:s14+s2] =	stream.linear.scatter [tilespmem:s6], [sflag:$0x3], $0x5100, $0x38;
	[tilespmem:$0xA488] =	vst v63  }
0x2a: {  	_ =	swait.ge [sflag:s3], $0x5100  }
0x2b: {  	[sflag:s3] =	ssyncset.done $0x0  }
0x2c: {  	s15 =	sadd.s32 s19, s15;
	[sflag:s3] =	ssyncadd.s32 $0xFFFFAF00  }
0x2d: {  	[hbm4b:s15+s2] =	stream.linear.scatter [tilespmem:s8], [sflag:$0x3], $0x5100, $0x38;
	[tilespmem:$0xA488] =	vst v63  }
0x2e: {  	s20 =	sshrl.u32 s20, $0x3;
	_ =	swait.ge [sflag:s3], $0x5100  }
0x2f: {  	s16 =	sadd.s32 s16, s20;
	[sflag:s3] =	ssyncset.done $0x0  }
0x30: {  	s16 =	sadd.s32 $0xA2, s16;
	[sflag:s3] =	ssyncadd.s32 $0xFFFFAF00  }
0x31: {  	[tilespmem:s2], [sflag:$0x3] =	stream.linear.gather [hbm4b:s16+s2], $0x288, $0x38;
	[tilespmem:$0xA488] =	vst v63  }
0x32: {  	_ =	swait.ge [sflag:s3], $0x288  }
0x33: {  	[sflag:s3] =	ssyncset.done $0x0  }
0x34: {  	[sflag:s3] =	ssyncadd.s32 $0xFFFFFD78  }
0x35: {  	[tilespmem:s6], [sflag:$0x1] =	stream.indirect.gather [hbm4b:s5+s6], $0x20, s2, s6, $0xb8;
	[tilespmem:$0xA488] =	vst v63  }
0x36: {  	_ = 	snop  }
0x37: {  	[tilespmem:s8], [sflag:$0x2] =	stream.indirect.gather [hbm4b:s7+s6], $0x20, s2, s6, $0xb8;
	[tilespmem:$0xA488] =	vst v63  }
0x38: {  	_ =	swait.ge [sflag:s9], $0x5100  }
0x39: {  	[sflag:s9] =	ssyncset.done $0x0  }
0x3a: {  	s29 =	ssub.s32 $0x2, s17;
	[sflag:s9] =	ssyncadd.s32 $0xFFFFAF00  }
0x3b: {  	s30 =	sshrl.u32 s29, $0x1;
	_ =	swait.ge [sflag:s10], $0x5100  }
0x3c: {  	s28 =	sadd.s32 $0x1440, s21;
	s21 =	ssub.s32 s29, s30;
	[sflag:s10] =	ssyncset.done $0x0  }
0x3d: {  	s17 =	sadd.s32 s18, s28;
	s31 =	smax.u32 s21, $0x1;
	[sflag:s10] =	ssyncadd.s32 $0xFFFFAF00  }
0x3e: {  	[hbm4b:s17+s2] =	stream.linear.scatter [tilespmem:s6], [sflag:$0x3], $0x5100, $0x38;
	[tilespmem:$0xA488] =	vst v63  }
0x3f: {  	p0 =	sne.s32 s31, $0x1;
	_ =	swait.ge [sflag:s3], $0x5100  }
.Ltmp0:
0x40: {  	[sflag:s3] =	ssyncset.done $0x0;
	(pc) =	sbr.rel @!p0 .LBB2_2-.Ltmp0, $4  }
0x41: {  	s18 =	sadd.s32 s19, s28;
	[sflag:s3] =	ssyncadd.s32 $0xFFFFAF00  }
0x42: {  	[hbm4b:s18+s2] =	stream.linear.scatter [tilespmem:s8], [sflag:$0x3], $0x5100, $0x38;
	[tilespmem:$0xA488] =	vst v63  }
0x43: {  	_ =	swait.ge [sflag:s3], $0x5100  }
0x44: {  	s19 =	sadd.s32 $0xFFFFFFFF, s31;
	[sflag:s3] =	ssyncset.done $0x0  }
.LBB2_1:
0x45: {  	p0 =	sne.s32 s19, $0x1;
	s19 =	sadd.s32 $0xFFFFFFFF, s19;
	[sflag:s3] =	ssyncadd.s32 $0xFFFFAF00  }
0x46: {  	[tilespmem:s2], [sflag:$0x3] =	stream.linear.gather [hbm4b:s4+s2], $0x288, $0x38;
	[tilespmem:$0xA488] =	vst v63  }
0x47: {  	_ =	swait.ge [sflag:s3], $0x288  }
0x48: {  	[sflag:s3] =	ssyncset.done $0x0  }
0x49: {  	[sflag:s3] =	ssyncadd.s32 $0xFFFFFD78  }
0x4a: {  	[tilespmem:s6], [sflag:$0x1] =	stream.indirect.gather [hbm4b:s5+s6], $0x20, s2, s6, $0xb8;
	[tilespmem:$0xA488] =	vst v63  }
0x4b: {  	_ = 	snop  }
0x4c: {  	[tilespmem:s8], [sflag:$0x2] =	stream.indirect.gather [hbm4b:s7+s6], $0x20, s2, s6, $0xb8;
	[tilespmem:$0xA488] =	vst v63  }
0x4d: {  	_ =	swait.ge [sflag:s9], $0x5100  }
0x4e: {  	[sflag:s9] =	ssyncset.done $0x0  }
0x4f: {  	[sflag:s9] =	ssyncadd.s32 $0xFFFFAF00  }
0x50: {  	_ =	swait.ge [sflag:s10], $0x5100  }
0x51: {  	[sflag:s10] =	ssyncset.done $0x0  }
0x52: {  	[sflag:s10] =	ssyncadd.s32 $0xFFFFAF00  }
0x53: {  	[hbm4b:s11+s2] =	stream.linear.scatter [tilespmem:s6], [sflag:$0x3], $0x5100, $0x38;
	[tilespmem:$0xA488] =	vst v63  }
0x54: {  	_ =	swait.ge [sflag:s3], $0x5100  }
0x55: {  	[sflag:s3] =	ssyncset.done $0x0  }
0x56: {  	[sflag:s3] =	ssyncadd.s32 $0xFFFFAF00  }
0x57: {  	[hbm4b:s12+s2] =	stream.linear.scatter [tilespmem:s8], [sflag:$0x3], $0x5100, $0x38;
	[tilespmem:$0xA488] =	vst v63  }
0x58: {  	_ =	swait.ge [sflag:s3], $0x5100  }
0x59: {  	[sflag:s3] =	ssyncset.done $0x0  }
0x5a: {  	[sflag:s3] =	ssyncadd.s32 $0xFFFFAF00  }
0x5b: {  	[tilespmem:s2], [sflag:$0x3] =	stream.linear.gather [hbm4b:s13+s2], $0x288, $0x38;
	[tilespmem:$0xA488] =	vst v63  }
0x5c: {  	_ =	swait.ge [sflag:s3], $0x288  }
0x5d: {  	[sflag:s3] =	ssyncset.done $0x0  }
0x5e: {  	[sflag:s3] =	ssyncadd.s32 $0xFFFFFD78  }
0x5f: {  	[tilespmem:s6], [sflag:$0x1] =	stream.indirect.gather [hbm4b:s5+s6], $0x20, s2, s6, $0xb8;
	[tilespmem:$0xA488] =	vst v63  }
0x60: {  	_ = 	snop  }
0x61: {  	[tilespmem:s8], [sflag:$0x2] =	stream.indirect.gather [hbm4b:s7+s6], $0x20, s2, s6, $0xb8;
	[tilespmem:$0xA488] =	vst v63  }
0x62: {  	_ =	swait.ge [sflag:s9], $0x5100  }
0x63: {  	[sflag:s9] =	ssyncset.done $0x0  }
0x64: {  	[sflag:s9] =	ssyncadd.s32 $0xFFFFAF00  }
0x65: {  	_ =	swait.ge [sflag:s10], $0x5100  }
0x66: {  	[sflag:s10] =	ssyncset.done $0x0  }
0x67: {  	[sflag:s10] =	ssyncadd.s32 $0xFFFFAF00  }
0x68: {  	[hbm4b:s14+s2] =	stream.linear.scatter [tilespmem:s6], [sflag:$0x3], $0x5100, $0x38;
	[tilespmem:$0xA488] =	vst v63  }
0x69: {  	_ =	swait.ge [sflag:s3], $0x5100  }
0x6a: {  	[sflag:s3] =	ssyncset.done $0x0  }
0x6b: {  	[sflag:s3] =	ssyncadd.s32 $0xFFFFAF00  }
0x6c: {  	[hbm4b:s15+s2] =	stream.linear.scatter [tilespmem:s8], [sflag:$0x3], $0x5100, $0x38;
	[tilespmem:$0xA488] =	vst v63  }
0x6d: {  	_ =	swait.ge [sflag:s3], $0x5100  }
0x6e: {  	[sflag:s3] =	ssyncset.done $0x0  }
0x6f: {  	[sflag:s3] =	ssyncadd.s32 $0xFFFFAF00  }
0x70: {  	[tilespmem:s2], [sflag:$0x3] =	stream.linear.gather [hbm4b:s16+s2], $0x288, $0x38;
	[tilespmem:$0xA488] =	vst v63  }
0x71: {  	_ =	swait.ge [sflag:s3], $0x288  }
0x72: {  	[sflag:s3] =	ssyncset.done $0x0  }
0x73: {  	[sflag:s3] =	ssyncadd.s32 $0xFFFFFD78  }
0x74: {  	[tilespmem:s6], [sflag:$0x1] =	stream.indirect.gather [hbm4b:s5+s6], $0x20, s2, s6, $0xb8;
	[tilespmem:$0xA488] =	vst v63  }
0x75: {  	_ = 	snop  }
0x76: {  	[tilespmem:s8], [sflag:$0x2] =	stream.indirect.gather [hbm4b:s7+s6], $0x20, s2, s6, $0xb8;
	[tilespmem:$0xA488] =	vst v63  }
0x77: {  	_ =	swait.ge [sflag:s9], $0x5100  }
0x78: {  	[sflag:s9] =	ssyncset.done $0x0  }
0x79: {  	[sflag:s9] =	ssyncadd.s32 $0xFFFFAF00  }
0x7a: {  	_ =	swait.ge [sflag:s10], $0x5100  }
0x7b: {  	[sflag:s10] =	ssyncset.done $0x0  }
0x7c: {  	[sflag:s10] =	ssyncadd.s32 $0xFFFFAF00  }
0x7d: {  	[hbm4b:s17+s2] =	stream.linear.scatter [tilespmem:s6], [sflag:$0x3], $0x5100, $0x38;
	[tilespmem:$0xA488] =	vst v63  }
0x7e: {  	_ =	swait.ge [sflag:s3], $0x5100  }
.Ltmp1:
0x7f: {  	[sflag:s3] =	ssyncset.done $0x0;
	(pc) =	sbr.rel @p0 .LBB2_1-.Ltmp1, $4  }
0x80: {  	[sflag:s3] =	ssyncadd.s32 $0xFFFFAF00  }
0x81: {  	[hbm4b:s18+s2] =	stream.linear.scatter [tilespmem:s8], [sflag:$0x3], $0x5100, $0x38;
	[tilespmem:$0xA488] =	vst v63  }
0x82: {  	_ =	swait.ge [sflag:s3], $0x5100  }
0x83: {  	[sflag:s3] =	ssyncset.done $0x0  }
.LBB2_2:
0x84: {  	[sflag:s3] =	ssyncadd.s32 $0xFFFFAF00  }
0x85: {  	_ =	sfence.sel $0x180000  }
0x86: {  	[bflag:$0x0] =	sbarrier.arrive $0xFFFF  }
0x87: {  	p0 =	sne.s32 s0, $0x0;
	_ =	strace $0x9000004A  }
0x88: {  	s0 =	sadd.s32 @!p0 $0x100000, s1;
	[bflag:$0x2] =	sbarrier.arrive $0xFFFF  }
0x89: {  	[sflag:s0] =	ssyncadd.tile.s32 @!p0 $0x1;
	_ =	shalt  }
.Lfunc_end2:
_tile_overlayer_lowered:
.L_overlay_start_2:
0x8a: {  	(tag) =	ssettag $0x2  }
0x8b: {  	s0 =	rddreg [dreg:$0x0];
	s2 =	stileid.u32  }
0x8c: {  	s1 =	rddreg [dreg:$0x1];
	p0 =	sne.s32 s2, $0x0  }
0x8d: {  	s3 =	rddreg [dreg:$0x2];
	[bflag:$0x3] =	sbarrier.arrive $0xFFFF;
	s2 =	simm.s32 @!p0 $0x1C03  }
0x8e: {  	[timem:s3], [sflag:s2] =	dma.local @!p0 [hbm:s0], s1  }
0x8f: {  	s0 =	simm.s32 @!p0 $0x3  }
0x90: {  	_ =	swait.ge @!p0 [sflag:s0], s1  }
0x91: {  	s1 =	ssub.s32 @!p0 $0x0, s1;
	[sflag:s0] =	ssyncset.done @!p0 $0x0  }
0x92: {  	[sflag:s0] =	ssyncadd.s32 @!p0 s1  }
0x93: {  	[bflag:$0x3] =	sbarrier.arrive $0xFFFF  }
0x94: {  	_ =	shalt  }

// kernel: kernel.9.cloned.1.call-start
scs
__scs_entry_jumppad:
0x0: {  	(pc) =	sbr.rel $0x88, $3  }
0x1: {  	(tag) =	ssettag $0x0;
	lr =	simm.s32 $0x1  }
0x2: {  	[smem:$0x3F9A] =	sst lr;
	_ =	strace $0xD0000000  }
0x3: {  	_ = 	snop  }
0x4: {  	_ = 	snop  }
0x5: {  	_ = 	snop  }
0x6: {  	_ = 	snop  }
0x7: {  	_ = 	snop  }
__scs_overlays_trampoline_lowered:
0x8: {  	[smem:$0x3FA9] =	sst s0  }
0x9: {  	[smem:$0x3FAA] =	sst s1  }
0xa: {  	[smem:$0x3FAB] =	sst s2  }
0xb: {  	[smem:$0x3FAC] =	sst s3  }
0xc: {  	[smem:$0x3FAD] =	sst s4  }
0xd: {  	[smem:$0x3FAE] =	sst s5  }
0xe: {  	[smem:$0x3FAF] =	sst s6  }
0xf: {  	[smem:$0x3FB0] =	sst s7  }
0x10: {  	[smem:$0x3FB1] =	sst s8  }
0x11: {  	[smem:$0x3FB2] =	sst s9;
	s0 =	simm.s32 @!p0 $0x0  }
0x12: {  	s1 =	sld [smem:$0x3F98];
	s0 =	simm.s32 @p0 $0x1  }
0x13: {  	[smem:$0x3FB3] =	sst s0;
	s0 =	simm.s32 @!p1 $0x0  }
0x14: {  	s2 =	sld [smem:$0x3F97];
	s0 =	simm.s32 @p1 $0x1  }
0x15: {  	[smem:$0x3FB4] =	sst s0;
	s0 =	simm.s32 @!p2 $0x0  }
0x16: {  	s3 =	sld [smem:$0x3FDB];
	s0 =	simm.s32 @p2 $0x1  }
0x17: {  	s4 =	simm.s32 $0x1BF5;
	[smem:$0x3FB6] =	sst s0  }
0x18: {  	s0 =	sld [smem:$0x3F99];
	_ =	swait.ge [sflag:s4], $0x0  }
0x19: {  	s7 =	sld [smem:$0x3F9A]  }
0x1a: {  	s8 =	sadd.s32 $0xFFFFE003, lr  }
0x1b: {  	s9 =	sadd.s32 $0xFFFFFEF7, lr;
	s5 =	simm.s32 $0xFFFFFFFF;
	p2 =	slt.u32 s8, $0xFFFFF086  }
0x1c: {  	p1 =	slt.u32 s9, $0xF7A;
	s5 =	simm.s32 @!p2 $0x0  }
0x1d: {  	s5 =	simm.s32 @p1 $0x1;
	p0 =	seq.s32 s7, s2  }
0x1e: {  	s7 =	smul.u32 @!p0 $0xF7A, s2;
	p2 =	seq.s32 @!p0 s5, $0x0  }
0x1f: {  	s9 =	smul.u32 $0xF7A, s1;
	s8 =	simm.s32 @!p0 $0x1BF5;
	p2 =	por !p2, p0  }
0x20: {  	[sflag:s8] =	ssyncset.s32 @!p0 $0xFFFFF086;
	s6 =	sadd.s32 @!p0 s3, s7;
	s7 =	simm.s32 @!p0 $0x108  }
0x21: {  	s3 =	sadd.s32 s3, s9;
	s6 =	sadd.s32 @!p0 $0x88, s6;
	s7 =	simm.s32 @p2 $0x1082  }
0x22: {  	[simem:s7], [sflag:s8] =	dma.local @!p0 [hbm:s6], $0xF7A  }
0x23: {  	s9 =	sor.u32 $0xD0000000, s2;
	s6 =	simm.s32 $0x108;
	_ =	swait.ge @!p0 [sflag:s8], $0x0  }
0x24: {  	s3 =	sadd.s32 $0x88, s3;
	s6 =	simm.s32 @!p1 $0x1082;
	[sflag:s4] =	ssyncset.s32 $0xFFFFF086  }
0x25: {  	[simem:s6], [sflag:s4] =	dma.local [hbm:s3], $0xF7A  }
0x26: {  	[smem:$0x3F9A] =	sst s1;
	(tag) =	ssettag s2;
	_ =	strace s9  }
0x27: {  	s1 =	sld [smem:$0x3FAA]  }
0x28: {  	s2 =	sld [smem:$0x3FAB]  }
0x29: {  	s4 =	sld [smem:$0x3FAD]  }
0x2a: {  	p0 =	seq.s32 s5, $0x0;
	s5 =	sld [smem:$0x3FAE]  }
0x2b: {  	s6 =	sld [smem:$0x3FAF]  }
0x2c: {  	s7 =	sld [smem:$0x3FB0]  }
0x2d: {  	s3 =	simm.s32 $0x108;
	s8 =	sld [smem:$0x3FB1]  }
0x2e: {  	s3 =	simm.s32 @!p0 $0x1082;
	s9 =	sld [smem:$0x3FB2]  }
0x2f: {  	lr =	sadd.s32 s0, s3;
	s0 =	sld [smem:$0x3FA9]  }
0x30: {  	s3 =	sld [smem:$0x3FAC]  }
0x31: {  	[smem:$0x3FB5] =	sst s10  }
0x32: {  	s10 =	sld [smem:$0x3FB3];
	_ =	sdelay $0x3  }
0x33: {  	p0 =	seq.s32 s10, $0x1;
	s10 =	sld [smem:$0x3FB5];
	_ =	sdelay $0x3  }
0x34: {  	[smem:$0x3FB5] =	sst s10  }
0x35: {  	s10 =	sld [smem:$0x3FB4];
	_ =	sdelay $0x3  }
0x36: {  	p1 =	seq.s32 s10, $0x1;
	s10 =	sld [smem:$0x3FB5];
	_ =	sdelay $0x3  }
0x37: {  	[smem:$0x3FB5] =	sst s10  }
0x38: {  	s10 =	sld [smem:$0x3FB6]  }
0x39: {  	_ = 	snop;
	(pc) =	sbr.ind lr, $3  }
0x3a: {  	_ = 	snop  }
0x3b: {  	_ = 	snop  }
0x3c: {  	p2 =	seq.s32 s10, $0x1;
	s10 =	sld [smem:$0x3FB5]  }
0x3d: {  	_ =	shalt  }
0x3e: {  	_ =	shalt  }
0x3f: {  	_ =	shalt  }
0x40: {  	_ =	shalt  }
0x41: {  	_ =	shalt  }
0x42: {  	_ =	shalt  }
0x43: {  	_ =	shalt  }
0x44: {  	_ =	shalt  }
0x45: {  	_ =	shalt  }
0x46: {  	_ =	shalt  }
0x47: {  	_ =	shalt  }
0x48: {  	_ =	shalt  }
0x49: {  	_ =	shalt  }
0x4a: {  	_ =	shalt  }
0x4b: {  	_ =	shalt  }
0x4c: {  	_ =	shalt  }
0x4d: {  	_ =	shalt  }
0x4e: {  	_ =	shalt  }
0x4f: {  	_ =	shalt  }
0x50: {  	_ =	shalt  }
0x51: {  	_ =	shalt  }
0x52: {  	_ =	shalt  }
0x53: {  	_ =	shalt  }
0x54: {  	_ =	shalt  }
0x55: {  	_ =	shalt  }
0x56: {  	_ =	shalt  }
0x57: {  	_ =	shalt  }
0x58: {  	_ =	shalt  }
0x59: {  	_ =	shalt  }
0x5a: {  	_ =	shalt  }
0x5b: {  	_ =	shalt  }
0x5c: {  	_ =	shalt  }
0x5d: {  	_ =	shalt  }
0x5e: {  	_ =	shalt  }
0x5f: {  	_ =	shalt  }
0x60: {  	_ =	shalt  }
0x61: {  	_ =	shalt  }
0x62: {  	_ =	shalt  }
0x63: {  	_ =	shalt  }
0x64: {  	_ =	shalt  }
0x65: {  	_ =	shalt  }
0x66: {  	_ =	shalt  }
0x67: {  	_ =	shalt  }
0x68: {  	_ =	shalt  }
0x69: {  	_ =	shalt  }
0x6a: {  	_ =	shalt  }
0x6b: {  	_ =	shalt  }
0x6c: {  	_ =	shalt  }
0x6d: {  	_ =	shalt  }
0x6e: {  	_ =	shalt  }
0x6f: {  	_ =	shalt  }
0x70: {  	_ =	shalt  }
0x71: {  	_ =	shalt  }
0x72: {  	_ =	shalt  }
0x73: {  	_ =	shalt  }
0x74: {  	_ =	shalt  }
0x75: {  	_ =	shalt  }
0x76: {  	_ =	shalt  }
0x77: {  	_ =	shalt  }
0x78: {  	_ =	shalt  }
0x79: {  	_ =	shalt  }
0x7a: {  	_ =	shalt  }
0x7b: {  	_ =	shalt  }
0x7c: {  	_ =	shalt  }
0x7d: {  	_ =	shalt  }
0x7e: {  	_ =	shalt  }
0x7f: {  	_ =	shalt  }
0x80: {  	_ =	shalt  }
0x81: {  	_ =	shalt  }
0x82: {  	_ =	shalt  }
0x83: {  	_ =	shalt  }
0x84: {  	_ =	shalt  }
0x85: {  	_ =	shalt  }
0x86: {  	_ =	shalt  }
0x87: {  	_ =	shalt  }
.Lfunc_end0:
.L_simem_size_0:
called_computation.1_lowered:
.L_overlay_start_0:
0x88: {  	s2 =	sld [smem:$0x3FD9]  }
0x89: {  	s3 =	sld [smem:$0x3FFE];
	_ =	sdelay $0x1  }
0x8a: {  	s1 =	srdreg.scid  }
0x8b: {  	s0 =	sand.u32 $0x1, s1  }
0x8c: {  	s16 =	sshll.u32 s0, $0xA;
	s2 =	sadd.s32 s3, s2  }
0x8d: {  	s2 =	sadd.s32 s2, s16  }
0x8e: {  	[smem:$0x3FC1] =	sst s2  }
0x8f: {  	_ = 	snop  }
0x90: {  	(tm) =	ssettm $0x1  }
0x91: {  	s17 =	sld [smem:$0x3FFB];
	_ =	sdelay $0x3  }
0x92: {  	_ =	strace s17  }
0x93: {  	s2 =	sld [smem:$0x3FFC];
	_ =	sdelay $0x3  }
0x94: {  	_ =	strace s2  }
0x95: {  	s2 =	sld [smem:$0x3FFD];
	_ =	sdelay $0x3  }
0x96: {  	_ =	strace s2  }
0x97: {  	_ =	strace $0x8FFFFFFF  }
0x98: {  	s18 =	sld [smem:$0x3FDB];
	_ =	sdelay $0x1  }
0x99: {  	s19 =	simm.s32 $_scs_section_size  }
0x9a: {  	s4 =	simm.s32 $_size__tile_overlayer_lowered;
	s5 =	simm.s32 $_tile_overlayer_lowered  }
0x9b: {  	s22 =	simm.s32 $0x1BFF;
	s21 =	sshll.u32 s5, $0x1;
	s2 =	sadd.s32 s19, s18  }
0x9c: {  	s6 =	simm.s32 $0x0;
	s20 =	sshll.u32 s4, $0x1;
	s4 =	sadd.s32 s21, s2  }
0x9d: {  	[timem:s6], [sflag:s22] =	dma.local [hbm:s4], s20  }
0x9e: {  	_ =	swait.ge [sflag:s22], s20  }
0x9f: {  	s3 =	ssub.s32 $0x0, s20;
	[sflag:s22] =	ssyncset.done $0x0  }
0xa0: {  	[sflag:s22] =	ssyncadd.s32 s3;
	_ =	sdelay $0x1  }
0xa1: {  	s23 =	simm.s32 $0x1B8B  }
0xa2: {  	_ =	swait.ge [sflag:s23], $0x1  }
0xa3: {  	[sflag:s23] =	ssyncset.done $0x0  }
0xa4: {  	s25 =	simm.s32 $0x1B8E;
	s24 =	sld [smem:$0x3FFE];
	[sflag:s23] =	ssyncadd.s32 $0xFFFFFFFF  }
0xa5: {  	s26 =	simm.s32 $execute0_lowered;
	[smem:$0x3FD2] =	sst s25  }
0xa6: {  	s4 =	sshll.u32 s26, $0x1;
	_ =	strace $0x80000046;
	[dreg:$0x1] =	wrdreg $0xFFFFFFFF  }
0xa7: {  	s28 =	simm.s32 $_size_execute0_lowered;
	s2 =	sadd.s32 s2, s4;
	[dreg:$0x0] =	wrdreg $0x0  }
0xa8: {  	s4 =	sshll.u32 s28, $0x1;
	[dreg:$0x2] =	wrdreg s2  }
0xa9: {  	[dreg:$0x3] =	wrdreg s4  }
0xaa: {  	[dreg:$0x4] =	wrdreg $0xC0  }
0xab: {  	_ =	task [dreg:s6], $0x5FFFF  }
0xac: {  	[dreg:$0x1] =	wrdreg $0xFFFFFFFF  }
0xad: {  	[dreg:$0x0] =	wrdreg $0x60  }
0xae: {  	[dreg:$0x2] =	wrdreg s24  }
0xaf: {  	[dreg:$0x3] =	wrdreg $0xA  }
0xb0: {  	_ =	task.clear_ibuf [dreg:s6], $0x4FFFF;
	_ =	strace $0x90000046  }
0xb1: {  	s29 =	simm.s32 $0xA;
	_ =	strace $0x80000048  }
0xb2: {  	_ =	swait.ge [sflag:s29], $0x1  }
0xb3: {  	[sflag:s29] =	ssyncadd.s32 $0xFFFFFFFF  }
0xb4: {  	_ =	strace $0x90000048  }
0xb5: {  	_ =	sfence  }
0xb6: {  	s30 =	sld [smem:$0x0];
	_ =	sdelay $0x2  }
0xb7: {  	s31 =	sshll.u32 s1, $0xD;
	s1 =	sshrl.u32 s1, $0x2  }
0xb8: {  	s3 =	sand.u32 $0x4000, s31;
	s1 =	sadd.s32 s1, s30  }
0xb9: {  	s0 =	sor.u32 s3, s0;
	s1 =	sshll.u32 s1, $0x11  }
0xba: {  	s0 =	sor.u32 s1, s0  }
0xbb: {  	s0 =	sadd.s32 $0x8F2B, s0  }
0xbc: {  	[sflag:s0] =	ssyncadd.remote.s32 $0x1  }
0xbd: {  	_ =	sfence.sel $0xFFFF  }
0xbe: {  	[dreg:$0x0] =	wrdreg $0xFFFFFFFF;
	(pc) =	sbr.abs _section_cstart, $3  }
0xbf: {  	[dreg:$0x1] =	wrdreg $0xFFFFFFFF  }
0xc0: {  	_ =	task.clear_ibuf [dreg:s6], $0x2FFFF;
	_ =	strace $0x9FFFFFFF  }
0xc1: {  	(tm) =	ssettm $0x7FFFFFFF  }
tec
execute0_lowered:
.L_overlay_start_1:
0x0: {  	(tag) =	ssettag $0x1  }
0x1: {  	s1 =	srdreg.scid;
	s0 =	stileid.u32  }
0x2: {  	s17 =	sand.u32 $0x1, s1;
	s26 =	sshll.u32 s0, $0x1  }
0x3: {  	s12 =	rddreg [dreg:$0x0];
	s14 =	sor.u32 s17, s26  }
0x4: {  	s2 =	simm.s32 $0x0;
	s1 =	rddreg [dreg:$0x1];
	s3 =	smul.u32 $0xA2, s14  }
0x5: {  	[smem:$0x7FF] =	sst s2;
	s13 =	sadd.s32 $0x1400, s12  }
0x6: {  	_ =	strace $0x80000047;
	s4 =	sadd.s32 s13, s3;
	s3 =	simm.s32 $0x3  }
0x7: {  	[tilespmem:s2], [sflag:$0x3] =	stream.linear.gather [hbm4b:s4+s2], $0x1B0, $0x38;
	[tilespmem:$0x6DB0] =	vst v63  }
0x8: {  	_ =	swait.ge [sflag:s3], $0x1B0  }
0x9: {  	[sflag:s3] =	ssyncset.done $0x0  }
0xa: {  	s6 =	simm.s32 $0x1B0;
	s5 =	sadd.s32 $0x2A00, s12;
	[sflag:s3] =	ssyncadd.s32 $0xFFFFFE50  }
0xb: {  	[tilespmem:s6], [sflag:$0x1] =	stream.indirect.gather [hbm4b:s5+s6], $0x20, s2, s6, $0xb8;
	[tilespmem:$0x6DB0] =	vst v63  }
0xc: {  	s8 =	simm.s32 $0x37B0;
	s9 =	simm.s32 $0x1;
	s7 =	sadd.s32 $0x22A00, s12  }
0xd: {  	[tilespmem:s8], [sflag:$0x2] =	stream.indirect.gather [hbm4b:s7+s6], $0x20, s2, s6, $0xb8;
	[tilespmem:$0x6DB0] =	vst v63  }
0xe: {  	_ =	swait.ge [sflag:s9], $0x3600  }
0xf: {  	[sflag:s9] =	ssyncset.done $0x0  }
0x10: {  	s10 =	simm.s32 $0x2;
	[sflag:s9] =	ssyncadd.s32 $0xFFFFCA00  }
0x11: {  	s15 =	smul.u32 $0x1440, s14;
	_ =	swait.ge [sflag:s10], $0x3600  }
0x12: {  	s18 =	sadd.s32 $0x6B200, s12;
	[sflag:s10] =	ssyncset.done $0x0  }
0x13: {  	s11 =	sadd.s32 s18, s15;
	[sflag:s10] =	ssyncadd.s32 $0xFFFFCA00  }
0x14: {  	[hbm4b:s11+s2] =	stream.linear.scatter [tilespmem:s6], [sflag:$0x3], $0x3600, $0x38;
	[tilespmem:$0x6DB0] =	vst v63  }
0x15: {  	_ =	swait.ge [sflag:s3], $0x3600  }
0x16: {  	s19 =	sadd.s32 $0x42A00, s12;
	[sflag:s3] =	ssyncset.done $0x0  }
0x17: {  	s28 =	smul.u32 $0x510, s14;
	s12 =	sadd.s32 s19, s15;
	[sflag:s3] =	ssyncadd.s32 $0xFFFFCA00  }
0x18: {  	[hbm4b:s12+s2] =	stream.linear.scatter [tilespmem:s8], [sflag:$0x3], $0x3600, $0x38;
	[tilespmem:$0x6DB0] =	vst v63  }
0x19: {  	s15 =	sshrl.u32 s28, $0x3;
	_ =	swait.ge [sflag:s3], $0x3600  }
0x1a: {  	s16 =	sadd.s32 s13, s15;
	[sflag:s3] =	ssyncset.done $0x0  }
0x1b: {  	s13 =	sadd.s32 $0x36, s16;
	[sflag:s3] =	ssyncadd.s32 $0xFFFFCA00  }
0x1c: {  	[tilespmem:s2], [sflag:$0x3] =	stream.linear.gather [hbm4b:s13+s2], $0x1B0, $0x38;
	[tilespmem:$0x6DB0] =	vst v63  }
0x1d: {  	_ =	swait.ge [sflag:s3], $0x1B0  }
0x1e: {  	[sflag:s3] =	ssyncset.done $0x0  }
0x1f: {  	[sflag:s3] =	ssyncadd.s32 $0xFFFFFE50  }
0x20: {  	[tilespmem:s6], [sflag:$0x1] =	stream.indirect.gather [hbm4b:s5+s6], $0x20, s2, s6, $0xb8;
	[tilespmem:$0x6DB0] =	vst v63  }
0x21: {  	_ = 	snop  }
0x22: {  	[tilespmem:s8], [sflag:$0x2] =	stream.indirect.gather [hbm4b:s7+s6], $0x20, s2, s6, $0xb8;
	[tilespmem:$0x6DB0] =	vst v63  }
0x23: {  	_ =	swait.ge [sflag:s9], $0x3600  }
0x24: {  	s14 =	smul.u32 $0xA200, s14;
	[sflag:s9] =	ssyncset.done $0x0  }
0x25: {  	[sflag:s9] =	ssyncadd.s32 $0xFFFFCA00  }
0x26: {  	s20 =	sshrl.u32 s14, $0x3;
	_ =	swait.ge [sflag:s10], $0x3600  }
0x27: {  	s29 =	sadd.s32 $0x6C0, s20;
	[sflag:s10] =	ssyncset.done $0x0  }
0x28: {  	s14 =	sadd.s32 s18, s29;
	[sflag:s10] =	ssyncadd.s32 $0xFFFFCA00  }
0x29: {  	[hbm4b:s14+s2] =	stream.linear.scatter [tilespmem:s6], [sflag:$0x3], $0x3600, $0x38;
	[tilespmem:$0x6DB0] =	vst v63  }
0x2a: {  	_ =	swait.ge [sflag:s3], $0x3600  }
0x2b: {  	[sflag:s3] =	ssyncset.done $0x0  }
0x2c: {  	s15 =	sadd.s32 s19, s29;
	[sflag:s3] =	ssyncadd.s32 $0xFFFFCA00  }
0x2d: {  	[hbm4b:s15+s2] =	stream.linear.scatter [tilespmem:s8], [sflag:$0x3], $0x3600, $0x38;
	[tilespmem:$0x6DB0] =	vst v63  }
0x2e: {  	_ =	swait.ge [sflag:s3], $0x3600  }
0x2f: {  	[sflag:s3] =	ssyncset.done $0x0  }
0x30: {  	s16 =	sadd.s32 $0x6C, s16;
	[sflag:s3] =	ssyncadd.s32 $0xFFFFCA00  }
0x31: {  	[tilespmem:s2], [sflag:$0x3] =	stream.linear.gather [hbm4b:s16+s2], $0x1B0, $0x38;
	[tilespmem:$0x6DB0] =	vst v63  }
0x32: {  	_ =	swait.ge [sflag:s3], $0x1B0  }
0x33: {  	[sflag:s3] =	ssyncset.done $0x0  }
0x34: {  	[sflag:s3] =	ssyncadd.s32 $0xFFFFFE50  }
0x35: {  	[tilespmem:s6], [sflag:$0x1] =	stream.indirect.gather [hbm4b:s5+s6], $0x20, s2, s6, $0xb8;
	[tilespmem:$0x6DB0] =	vst v63  }
0x36: {  	_ = 	snop  }
0x37: {  	[tilespmem:s8], [sflag:$0x2] =	stream.indirect.gather [hbm4b:s7+s6], $0x20, s2, s6, $0xb8;
	[tilespmem:$0x6DB0] =	vst v63  }
0x38: {  	_ =	swait.ge [sflag:s9], $0x3600  }
0x39: {  	[sflag:s9] =	ssyncset.done $0x0  }
0x3a: {  	s21 =	ssub.s32 $0x2, s17;
	[sflag:s9] =	ssyncadd.s32 $0xFFFFCA00  }
0x3b: {  	s30 =	sshrl.u32 s21, $0x1;
	_ =	swait.ge [sflag:s10], $0x3600  }
0x3c: {  	s21 =	ssub.s32 s21, s30;
	s20 =	sadd.s32 $0xD80, s20;
	[sflag:s10] =	ssyncset.done $0x0  }
0x3d: {  	s31 =	smax.u32 s21, $0x1;
	s17 =	sadd.s32 s18, s20;
	[sflag:s10] =	ssyncadd.s32 $0xFFFFCA00  }
0x3e: {  	[hbm4b:s17+s2] =	stream.linear.scatter [tilespmem:s6], [sflag:$0x3], $0x3600, $0x38;
	[tilespmem:$0x6DB0] =	vst v63  }
0x3f: {  	p0 =	sne.s32 s31, $0x1;
	_ =	swait.ge [sflag:s3], $0x3600  }
.Ltmp0:
0x40: {  	[sflag:s3] =	ssyncset.done $0x0;
	(pc) =	sbr.rel @!p0 .LBB2_2-.Ltmp0, $4  }
0x41: {  	s18 =	sadd.s32 s19, s20;
	[sflag:s3] =	ssyncadd.s32 $0xFFFFCA00  }
0x42: {  	[hbm4b:s18+s2] =	stream.linear.scatter [tilespmem:s8], [sflag:$0x3], $0x3600, $0x38;
	[tilespmem:$0x6DB0] =	vst v63  }
0x43: {  	_ =	swait.ge [sflag:s3], $0x3600  }
0x44: {  	s19 =	sadd.s32 $0xFFFFFFFF, s31;
	[sflag:s3] =	ssyncset.done $0x0  }
.LBB2_1:
0x45: {  	p0 =	sne.s32 s19, $0x1;
	s19 =	sadd.s32 $0xFFFFFFFF, s19;
	[sflag:s3] =	ssyncadd.s32 $0xFFFFCA00  }
0x46: {  	[tilespmem:s2], [sflag:$0x3] =	stream.linear.gather [hbm4b:s4+s2], $0x1B0, $0x38;
	[tilespmem:$0x6DB0] =	vst v63  }
0x47: {  	_ =	swait.ge [sflag:s3], $0x1B0  }
0x48: {  	[sflag:s3] =	ssyncset.done $0x0  }
0x49: {  	[sflag:s3] =	ssyncadd.s32 $0xFFFFFE50  }
0x4a: {  	[tilespmem:s6], [sflag:$0x1] =	stream.indirect.gather [hbm4b:s5+s6], $0x20, s2, s6, $0xb8;
	[tilespmem:$0x6DB0] =	vst v63  }
0x4b: {  	_ = 	snop  }
0x4c: {  	[tilespmem:s8], [sflag:$0x2] =	stream.indirect.gather [hbm4b:s7+s6], $0x20, s2, s6, $0xb8;
	[tilespmem:$0x6DB0] =	vst v63  }
0x4d: {  	_ =	swait.ge [sflag:s9], $0x3600  }
0x4e: {  	[sflag:s9] =	ssyncset.done $0x0  }
0x4f: {  	[sflag:s9] =	ssyncadd.s32 $0xFFFFCA00  }
0x50: {  	_ =	swait.ge [sflag:s10], $0x3600  }
0x51: {  	[sflag:s10] =	ssyncset.done $0x0  }
0x52: {  	[sflag:s10] =	ssyncadd.s32 $0xFFFFCA00  }
0x53: {  	[hbm4b:s11+s2] =	stream.linear.scatter [tilespmem:s6], [sflag:$0x3], $0x3600, $0x38;
	[tilespmem:$0x6DB0] =	vst v63  }
0x54: {  	_ =	swait.ge [sflag:s3], $0x3600  }
0x55: {  	[sflag:s3] =	ssyncset.done $0x0  }
0x56: {  	[sflag:s3] =	ssyncadd.s32 $0xFFFFCA00  }
0x57: {  	[hbm4b:s12+s2] =	stream.linear.scatter [tilespmem:s8], [sflag:$0x3], $0x3600, $0x38;
	[tilespmem:$0x6DB0] =	vst v63  }
0x58: {  	_ =	swait.ge [sflag:s3], $0x3600  }
0x59: {  	[sflag:s3] =	ssyncset.done $0x0  }
0x5a: {  	[sflag:s3] =	ssyncadd.s32 $0xFFFFCA00  }
0x5b: {  	[tilespmem:s2], [sflag:$0x3] =	stream.linear.gather [hbm4b:s13+s2], $0x1B0, $0x38;
	[tilespmem:$0x6DB0] =	vst v63  }
0x5c: {  	_ =	swait.ge [sflag:s3], $0x1B0  }
0x5d: {  	[sflag:s3] =	ssyncset.done $0x0  }
0x5e: {  	[sflag:s3] =	ssyncadd.s32 $0xFFFFFE50  }
0x5f: {  	[tilespmem:s6], [sflag:$0x1] =	stream.indirect.gather [hbm4b:s5+s6], $0x20, s2, s6, $0xb8;
	[tilespmem:$0x6DB0] =	vst v63  }
0x60: {  	_ = 	snop  }
0x61: {  	[tilespmem:s8], [sflag:$0x2] =	stream.indirect.gather [hbm4b:s7+s6], $0x20, s2, s6, $0xb8;
	[tilespmem:$0x6DB0] =	vst v63  }
0x62: {  	_ =	swait.ge [sflag:s9], $0x3600  }
0x63: {  	[sflag:s9] =	ssyncset.done $0x0  }
0x64: {  	[sflag:s9] =	ssyncadd.s32 $0xFFFFCA00  }
0x65: {  	_ =	swait.ge [sflag:s10], $0x3600  }
0x66: {  	[sflag:s10] =	ssyncset.done $0x0  }
0x67: {  	[sflag:s10] =	ssyncadd.s32 $0xFFFFCA00  }
0x68: {  	[hbm4b:s14+s2] =	stream.linear.scatter [tilespmem:s6], [sflag:$0x3], $0x3600, $0x38;
	[tilespmem:$0x6DB0] =	vst v63  }
0x69: {  	_ =	swait.ge [sflag:s3], $0x3600  }
0x6a: {  	[sflag:s3] =	ssyncset.done $0x0  }
0x6b: {  	[sflag:s3] =	ssyncadd.s32 $0xFFFFCA00  }
0x6c: {  	[hbm4b:s15+s2] =	stream.linear.scatter [tilespmem:s8], [sflag:$0x3], $0x3600, $0x38;
	[tilespmem:$0x6DB0] =	vst v63  }
0x6d: {  	_ =	swait.ge [sflag:s3], $0x3600  }
0x6e: {  	[sflag:s3] =	ssyncset.done $0x0  }
0x6f: {  	[sflag:s3] =	ssyncadd.s32 $0xFFFFCA00  }
0x70: {  	[tilespmem:s2], [sflag:$0x3] =	stream.linear.gather [hbm4b:s16+s2], $0x1B0, $0x38;
	[tilespmem:$0x6DB0] =	vst v63  }
0x71: {  	_ =	swait.ge [sflag:s3], $0x1B0  }
0x72: {  	[sflag:s3] =	ssyncset.done $0x0  }
0x73: {  	[sflag:s3] =	ssyncadd.s32 $0xFFFFFE50  }
0x74: {  	[tilespmem:s6], [sflag:$0x1] =	stream.indirect.gather [hbm4b:s5+s6], $0x20, s2, s6, $0xb8;
	[tilespmem:$0x6DB0] =	vst v63  }
0x75: {  	_ = 	snop  }
0x76: {  	[tilespmem:s8], [sflag:$0x2] =	stream.indirect.gather [hbm4b:s7+s6], $0x20, s2, s6, $0xb8;
	[tilespmem:$0x6DB0] =	vst v63  }
0x77: {  	_ =	swait.ge [sflag:s9], $0x3600  }
0x78: {  	[sflag:s9] =	ssyncset.done $0x0  }
0x79: {  	[sflag:s9] =	ssyncadd.s32 $0xFFFFCA00  }
0x7a: {  	_ =	swait.ge [sflag:s10], $0x3600  }
0x7b: {  	[sflag:s10] =	ssyncset.done $0x0  }
0x7c: {  	[sflag:s10] =	ssyncadd.s32 $0xFFFFCA00  }
0x7d: {  	[hbm4b:s17+s2] =	stream.linear.scatter [tilespmem:s6], [sflag:$0x3], $0x3600, $0x38;
	[tilespmem:$0x6DB0] =	vst v63  }
0x7e: {  	_ =	swait.ge [sflag:s3], $0x3600  }
.Ltmp1:
0x7f: {  	[sflag:s3] =	ssyncset.done $0x0;
	(pc) =	sbr.rel @p0 .LBB2_1-.Ltmp1, $4  }
0x80: {  	[sflag:s3] =	ssyncadd.s32 $0xFFFFCA00  }
0x81: {  	[hbm4b:s18+s2] =	stream.linear.scatter [tilespmem:s8], [sflag:$0x3], $0x3600, $0x38;
	[tilespmem:$0x6DB0] =	vst v63  }
0x82: {  	_ =	swait.ge [sflag:s3], $0x3600  }
0x83: {  	[sflag:s3] =	ssyncset.done $0x0  }
.LBB2_2:
0x84: {  	[sflag:s3] =	ssyncadd.s32 $0xFFFFCA00  }
0x85: {  	_ =	sfence.sel $0x180000  }
0x86: {  	[bflag:$0x0] =	sbarrier.arrive $0xFFFF  }
0x87: {  	p0 =	sne.s32 s0, $0x0;
	_ =	strace $0x90000047  }
0x88: {  	s0 =	sadd.s32 @!p0 $0x100000, s1;
	[bflag:$0x2] =	sbarrier.arrive $0xFFFF  }
0x89: {  	[sflag:s0] =	ssyncadd.tile.s32 @!p0 $0x1;
	_ =	shalt  }
.Lfunc_end2:
_tile_overlayer_lowered:
.L_overlay_start_2:
0x8a: {  	(tag) =	ssettag $0x2  }
0x8b: {  	s0 =	rddreg [dreg:$0x0];
	s2 =	stileid.u32  }
0x8c: {  	s1 =	rddreg [dreg:$0x1];
	p0 =	sne.s32 s2, $0x0  }
0x8d: {  	s3 =	rddreg [dreg:$0x2];
	[bflag:$0x3] =	sbarrier.arrive $0xFFFF;
	s2 =	simm.s32 @!p0 $0x1C03  }
0x8e: {  	[timem:s3], [sflag:s2] =	dma.local @!p0 [hbm:s0], s1  }
0x8f: {  	s0 =	simm.s32 @!p0 $0x3  }
0x90: {  	_ =	swait.ge @!p0 [sflag:s0], s1  }
0x91: {  	s1 =	ssub.s32 @!p0 $0x0, s1;
	[sflag:s0] =	ssyncset.done @!p0 $0x0  }
0x92: {  	[sflag:s0] =	ssyncadd.s32 @!p0 s1  }
0x93: {  	[bflag:$0x3] =	sbarrier.arrive $0xFFFF  }
0x94: {  	_ =	shalt  }

</sc_bundles>
